<compile_context>
chip_gen: v7x
topology: tpu7x:2x2x1
jax: 0.10.2.dev20260603
libtpu: 0.0.44.dev20260713+nightly
codegen_flags: <defaults>
</compile_context>

<pallas_src>
import jax
import jax.numpy as jnp
from jax import lax
from jax.experimental import pallas as pl
from jax.experimental.pallas import tpu as pltpu
from jax.experimental.pallas import tpu_sc as plsc

B, L = 4096, 200
N = B * L
NC, NS, LANES = 2, 16, 16
NW = NC * NS
NTOK = N // NW
C = 400
NCHUNK = NTOK // C
NG = C // LANES
NPAIR = NCHUNK // 2
NF = 11 * 8 * 3 * 3
NFPAD = 1024


def _ge_count(x, step, n):
    acc = jnp.zeros_like(x)
    for k in range(1, n + 1):
        acc = acc + (x >= step * k).astype(jnp.int32)
    return acc


def _body(ii, pp, ss, cc, tt, el, lg,
          item_t, part_t, sec_t, corr_t, time_t, w,
          out,
          iidx_v, pp_v, ss_v, cc_v, tt_v, el_v, lg_v, fidx_v,
          part_v, sec_v, corr_v, time_v, w_v,
          rows_v, sm_v, f_sh,
          in_sem, gat_sem, sf_sem, out_sem, out2_sem):
    wid = lax.axis_index("s") * NC + lax.axis_index("c")
    base0 = wid * NTOK

    pltpu.sync_copy(part_t, part_v)
    pltpu.sync_copy(sec_t, sec_v)
    pltpu.sync_copy(corr_t, corr_v)
    pltpu.sync_copy(time_t, time_v)
    pltpu.sync_copy(w, w_v)
    wvec = w_v[...]

    sid0 = lax.axis_index("s")
    zofs = lax.iota(jnp.int32, LANES)
    for d in range(16):
        plsc.store_scatter(sm_v[0], [zofs, jnp.full((LANES,), 48 + d, jnp.int32)],
                           jnp.zeros((LANES,), jnp.float32))

    def fgroup(j, carry):
        g = sid0 + j * NS
        o = g * LANES
        f = jnp.minimum(lax.iota(jnp.int32, LANES) + o, NF - 1)
        p = _ge_count(f, 72, 10)
        r = f - p * 72
        s = _ge_count(r, 9, 7)
        r2 = r - s * 9
        c = _ge_count(r2, 3, 2)
        t = r2 - c * 3
        offs = lax.iota(jnp.int32, LANES)

        def flush(pairs):
            for v, col in pairs:
                plsc.store_scatter(
                    sm_v[0], [offs, jnp.full((LANES,), col, jnp.int32)], v)

        for d0 in range(0, 16, 8):
            pairs = []
            for d in range(d0, d0 + 8):
                dcol = jnp.full((LANES,), d, jnp.int32)
                pairs.append((plsc.load_gather(part_v, [p, dcol]), d))
                pairs.append((plsc.load_gather(sec_v, [s, dcol]), d + 16))
            flush(pairs)
        pairs = []
        for d in range(8):
            dcol = jnp.full((LANES,), d, jnp.int32)
            pairs.append((plsc.load_gather(corr_v, [c, dcol]), d + 32))
            pairs.append((plsc.load_gather(time_v, [t, dcol]), d + 40))
        flush(pairs)
        pltpu.sync_copy(sm_v[0].at[pl.ds(0, LANES)], f_sh.at[pl.ds(o, LANES)])
        return carry

    lax.fori_loop(0, NFPAD // (LANES * NS), fgroup, 0)

    plsc.subcore_barrier()

    def in_copies(k, b):
        base = base0 + k * C
        s = in_sem[b]
        return [
            pltpu.make_async_copy(ii.at[pl.ds(base, C)], iidx_v[b], s),
            pltpu.make_async_copy(pp.at[pl.ds(base, C)], pp_v[b], s),
            pltpu.make_async_copy(ss.at[pl.ds(base, C)], ss_v[b], s),
            pltpu.make_async_copy(cc.at[pl.ds(base, C)], cc_v[b], s),
            pltpu.make_async_copy(tt.at[pl.ds(base, C)], tt_v[b], s),
            pltpu.make_async_copy(el.at[pl.ds(base, C)], el_v[b], s),
            pltpu.make_async_copy(lg.at[pl.ds(base, C)], lg_v[b], s),
        ]

    def issue_in(k, b):
        for c in in_copies(k, b):
            c.start()

    def wait_in(k, b):
        for c in in_copies(k, b):
            c.wait()

    def gat_copy(b):
        return pltpu.make_async_copy(
            item_t.at[iidx_v[b]], rows_v[b], gat_sem[b])

    def sf_copy(b):
        return pltpu.make_async_copy(
            f_sh.at[fidx_v[b]], sm_v[b], sf_sem[b])

    def rows_copy(k, b):
        base = base0 + k * C
        return pltpu.make_async_copy(
            rows_v[b], out.at[pl.ds(base, C), pl.ds(0, 64)], out_sem[b])

    def sm_copy(k, b):
        base = base0 + k * C
        return pltpu.make_async_copy(
            sm_v[b], out.at[pl.ds(base, C), pl.ds(64, 64)], out2_sem[b])

    def comp_fidx(b):
        def group(g, gcarry):
            o = g * LANES
            pid = pp_v[b][pl.ds(o, LANES)]
            sid = ss_v[b][pl.ds(o, LANES)]
            cid = cc_v[b][pl.ds(o, LANES)]
            tid = tt_v[b][pl.ds(o, LANES)]
            fidx_v[b][pl.ds(o, LANES)] = pid * 72 + sid * 9 + cid * 3 + tid
            return gcarry

        lax.fori_loop(0, NG, group, 0)

    m8 = lax.iota(jnp.int32, LANES) < 8
    col48 = lax.iota(jnp.int32, LANES) + 48

    def insert_ellag(b):
        def group(g, gcarry):
            o = g * LANES
            elv = el_v[b][pl.ds(o, LANES)]
            lgv = lg_v[b][pl.ds(o, LANES)]
            for j in range(LANES):
                mix = jnp.where(m8, elv[j], lgv[j])
                plsc.store_scatter(
                    sm_v[b], [lax.broadcast(o + j, (LANES,)), col48],
                    mix * wvec)
            return gcarry

        lax.fori_loop(0, NG, group, 0)

    issue_in(0, 0)
    wait_in(0, 0)
    gat_copy(0).start()
    comp_fidx(0)
    sf_copy(0).start()

    def pair(i, carry):
        kk = 2 * i
        for b in range(2):
            k = kk + b
            q = 1 - b

            @pl.when(k + 1 < NCHUNK)
            def _():
                issue_in(k + 1, q)

            sf_copy(b).wait()
            insert_ellag(b)

            @pl.when(k + 1 < NCHUNK)
            def _():
                wait_in(k + 1, q)

                @pl.when(k >= 1)
                def _():
                    rows_copy(k - 1, q).wait()

                gat_copy(q).start()
                comp_fidx(q)

                @pl.when(k >= 1)
                def _():
                    sm_copy(k - 1, q).wait()

                sf_copy(q).start()

            gat_copy(b).wait()
            rows_copy(k, b).start()
            sm_copy(k, b).start()
        return carry

    lax.fori_loop(0, NPAIR, pair, 0)
    for k, b in ((NCHUNK - 2, 0), (NCHUNK - 1, 1)):
        rows_copy(k, b).wait()
        sm_copy(k, b).wait()


@jax.jit
def _run(ii, pp, ss, cc, tt, el, lg, item_t, part_t, sec_t, corr_t, time_t, w):
    mesh = plsc.VectorSubcoreMesh(core_axis_name="c", subcore_axis_name="s")
    dbl = lambda *a: [pltpu.VMEM(*a), pltpu.VMEM(*a)]
    f = pl.kernel(
        _body,
        out_type=jax.ShapeDtypeStruct((N, 128), jnp.float32),
        mesh=mesh,
        compiler_params=pltpu.CompilerParams(use_tc_tiling_on_sc=False,
                                            needs_layout_passes=False),
        scratch_types=[
            dbl((C,), jnp.int32),
            dbl((C,), jnp.int32),
            dbl((C,), jnp.int32),
            dbl((C,), jnp.int32),
            dbl((C,), jnp.int32),
            dbl((C,), jnp.float32),
            dbl((C,), jnp.float32),
            dbl((C,), jnp.int32),
            pltpu.VMEM((11, 17), jnp.float32),
            pltpu.VMEM((8, 17), jnp.float32),
            pltpu.VMEM((3, 9), jnp.float32),
            pltpu.VMEM((3, 9), jnp.float32),
            pltpu.VMEM((16,), jnp.float32),
            dbl((C, 64), jnp.float32),
            dbl((C, 64), jnp.float32),
            pltpu.VMEM_SHARED((NFPAD, 64), jnp.float32),
            [pltpu.SemaphoreType.DMA, pltpu.SemaphoreType.DMA],
            [pltpu.SemaphoreType.DMA, pltpu.SemaphoreType.DMA],
            [pltpu.SemaphoreType.DMA, pltpu.SemaphoreType.DMA],
            [pltpu.SemaphoreType.DMA, pltpu.SemaphoreType.DMA],
            [pltpu.SemaphoreType.DMA, pltpu.SemaphoreType.DMA],
        ],
    )
    return f(ii, pp, ss, cc, tt, el, lg, item_t, part_t, sec_t, corr_t, time_t, w)


def kernel(item_id, part_id, section, is_correct, timeliness,
           elapsed_time_norm, lag_time_norm,
           item_table, part_table, section_table,
           is_correct_table, timeliness_table, W_elapsed, W_lag):
    ii = item_id.reshape(N).astype(jnp.int32)
    pp = part_id.reshape(N).astype(jnp.int32)
    ss = section.reshape(N).astype(jnp.int32)
    cc = is_correct.reshape(N).astype(jnp.int32)
    tt = timeliness.reshape(N).astype(jnp.int32)
    el = elapsed_time_norm.reshape(N)
    lg = lag_time_norm.reshape(N)
    w = jnp.concatenate([W_elapsed.reshape(8), W_lag.reshape(8)])
    part_p = jnp.pad(part_table, ((0, 0), (0, 1)))
    sec_p = jnp.pad(section_table, ((0, 0), (0, 1)))
    corr_p = jnp.pad(is_correct_table, ((0, 0), (0, 1)))
    time_p = jnp.pad(timeliness_table, ((0, 0), (0, 1)))
    out = _run(ii, pp, ss, cc, tt, el, lg,
               item_table, part_p, sec_p, corr_p, time_p, w)
    return out.reshape(B, L, 128)

# --- scband reference (transcript-rebuilt; emitter-appended) ---
"""Pipeline reference for scband-all-item-input-embedding-22849226014907 (READ-ONLY COPY).

The authoritative reference and input builder live on the scoring server;
editing this copy changes nothing except your own understanding.
"""

import jax, jax.numpy as jnp
import numpy as np

MAX_ITEM_ID = 100000
MAX_PART_ID = 10
MAX_SECTION = 7
D_ITEM, D_PART, D_SECTION, D_CORRECT, D_TIME, D_ELAPSED, D_LAG = 64, 16, 16, 8, 8, 8, 8
B, L = 4096, 200


def _zero_pad_row(table, pad_idx=0):
    # emulate nn.Embedding(padding_idx=pad_idx): pad row is zeros
    return table.at[pad_idx].set(0.0)


def setup_inputs(seed: int = 0) -> dict:
    key = jax.random.key(seed)
    ks = jax.random.split(key, 16)
    item_id = jax.random.randint(ks[0], (B, L), 0, MAX_ITEM_ID)
    part_id = jax.random.randint(ks[1], (B, L), 0, MAX_PART_ID + 1)
    section = jax.random.randint(ks[2], (B, L), 0, MAX_SECTION + 1)
    is_correct = jax.random.randint(ks[3], (B, L), 0, 3)
    timeliness = jax.random.randint(ks[4], (B, L), 0, 3)
    elapsed_time_norm = jax.random.uniform(ks[5], (B, L, 1), dtype=jnp.float32)
    lag_time_norm = jax.random.uniform(ks[6], (B, L, 1), dtype=jnp.float32)
    item_table = _zero_pad_row(jax.random.normal(ks[7], (MAX_ITEM_ID + 1, D_ITEM), dtype=jnp.float32) * 0.02)
    part_table = _zero_pad_row(jax.random.normal(ks[8], (MAX_PART_ID + 1, D_PART), dtype=jnp.float32) * 0.02)
    section_table = _zero_pad_row(jax.random.normal(ks[9], (MAX_SECTION + 1, D_SECTION), dtype=jnp.float32) * 0.02)
    is_correct_table = _zero_pad_row(jax.random.normal(ks[10], (3, D_CORRECT), dtype=jnp.float32) * 0.02)
    timeliness_table = _zero_pad_row(jax.random.normal(ks[11], (3, D_TIME), dtype=jnp.float32) * 0.02)
    W_elapsed = jax.random.normal(ks[12], (1, D_ELAPSED), dtype=jnp.float32) * 0.02
    W_lag = jax.random.normal(ks[13], (1, D_LAG), dtype=jnp.float32) * 0.02
    return {
        'item_id': item_id, 'part_id': part_id, 'section': section,
        'is_correct': is_correct, 'timeliness': timeliness,
        'elapsed_time_norm': elapsed_time_norm, 'lag_time_norm': lag_time_norm,
        'item_table': item_table, 'part_table': part_table, 'section_table': section_table,
        'is_correct_table': is_correct_table, 'timeliness_table': timeliness_table,
        'W_elapsed': W_elapsed, 'W_lag': W_lag,
    }


def reference(item_id, part_id, section, is_correct, timeliness,
              elapsed_time_norm, lag_time_norm,
              item_table, part_table, section_table,
              is_correct_table, timeliness_table, W_elapsed, W_lag):
    # AllItemInputEmbedding.forward: embed each feature, concat along last dim
    e_item = jnp.take(item_table, item_id, axis=0)            # [B, L, 64]
    e_part = jnp.take(part_table, part_id, axis=0)            # [B, L, 16]
    e_sec = jnp.take(section_table, section, axis=0)          # [B, L, 16]
    e_corr = jnp.take(is_correct_table, is_correct, axis=0)   # [B, L, 8]
    e_time = jnp.take(timeliness_table, timeliness, axis=0)   # [B, L, 8]
    e_elapsed = elapsed_time_norm @ W_elapsed                 # [B, L, 8] Linear(1,d,bias=False)
    e_lag = lag_time_norm @ W_lag                             # [B, L, 8]
    out = jnp.concatenate([e_item, e_part, e_sec, e_corr, e_time, e_elapsed, e_lag], axis=-1)
    return out

if __name__ == "__main__":
    import jax
    _d = setup_inputs()
    print(jax.jit(kernel)(*tuple(_d.values())))

</pallas_src>

<mosaic_0001>
#map = affine_map<(d0, d1) -> (0)>
#map1 = affine_map<(d0, d1) -> (0, 0)>
module attributes {stable_mosaic.version = 14 : i64} {
  func.func @_body(%arg0: i32, %arg1: i32, %arg2: memref<819200xi32, #tpu.memory_space<hbm>>, %arg3: memref<819200xi32, #tpu.memory_space<hbm>>, %arg4: memref<819200xi32, #tpu.memory_space<hbm>>, %arg5: memref<819200xi32, #tpu.memory_space<hbm>>, %arg6: memref<819200xi32, #tpu.memory_space<hbm>>, %arg7: memref<819200xf32, #tpu.memory_space<hbm>>, %arg8: memref<819200xf32, #tpu.memory_space<hbm>>, %arg9: memref<100001x64xf32, #tpu.memory_space<hbm>>, %arg10: memref<11x17xf32, #tpu.memory_space<hbm>>, %arg11: memref<8x17xf32, #tpu.memory_space<hbm>>, %arg12: memref<3x9xf32, #tpu.memory_space<hbm>>, %arg13: memref<3x9xf32, #tpu.memory_space<hbm>>, %arg14: memref<16xf32, #tpu.memory_space<hbm>>, %arg15: memref<819200x128xf32, #tpu.memory_space<hbm>>, %arg16: memref<400xi32, #tpu.memory_space<vmem>>, %arg17: memref<400xi32, #tpu.memory_space<vmem>>, %arg18: memref<400xi32, #tpu.memory_space<vmem>>, %arg19: memref<400xi32, #tpu.memory_space<vmem>>, %arg20: memref<400xi32, #tpu.memory_space<vmem>>, %arg21: memref<400xi32, #tpu.memory_space<vmem>>, %arg22: memref<400xi32, #tpu.memory_space<vmem>>, %arg23: memref<400xi32, #tpu.memory_space<vmem>>, %arg24: memref<400xi32, #tpu.memory_space<vmem>>, %arg25: memref<400xi32, #tpu.memory_space<vmem>>, %arg26: memref<400xf32, #tpu.memory_space<vmem>>, %arg27: memref<400xf32, #tpu.memory_space<vmem>>, %arg28: memref<400xf32, #tpu.memory_space<vmem>>, %arg29: memref<400xf32, #tpu.memory_space<vmem>>, %arg30: memref<400xi32, #tpu.memory_space<vmem>>, %arg31: memref<400xi32, #tpu.memory_space<vmem>>, %arg32: memref<11x17xf32, #tpu.memory_space<vmem>>, %arg33: memref<8x17xf32, #tpu.memory_space<vmem>>, %arg34: memref<3x9xf32, #tpu.memory_space<vmem>>, %arg35: memref<3x9xf32, #tpu.memory_space<vmem>>, %arg36: memref<16xf32, #tpu.memory_space<vmem>>, %arg37: memref<400x64xf32, #tpu.memory_space<vmem>>, %arg38: memref<400x64xf32, #tpu.memory_space<vmem>>, %arg39: memref<400x64xf32, #tpu.memory_space<vmem>>, %arg40: memref<400x64xf32, #tpu.memory_space<vmem>>, %arg41: memref<1024x64xf32, #tpu.memory_space<vmem_shared>>, %arg42: memref<!tpu.dma_semaphore, #tpu.memory_space<semaphore_mem>>, %arg43: memref<!tpu.dma_semaphore, #tpu.memory_space<semaphore_mem>>, %arg44: memref<!tpu.dma_semaphore, #tpu.memory_space<semaphore_mem>>, %arg45: memref<!tpu.dma_semaphore, #tpu.memory_space<semaphore_mem>>, %arg46: memref<!tpu.dma_semaphore, #tpu.memory_space<semaphore_mem>>, %arg47: memref<!tpu.dma_semaphore, #tpu.memory_space<semaphore_mem>>, %arg48: memref<!tpu.dma_semaphore, #tpu.memory_space<semaphore_mem>>, %arg49: memref<!tpu.dma_semaphore, #tpu.memory_space<semaphore_mem>>, %arg50: memref<!tpu.dma_semaphore, #tpu.memory_space<semaphore_mem>>, %arg51: memref<!tpu.dma_semaphore, #tpu.memory_space<semaphore_mem>>) attributes {dimension_semantics = [#tpu.dimension_semantics<core_parallel>, #tpu.dimension_semantics<subcore_parallel>], iteration_bounds = array<i64: 2, 16>, scalar_prefetch = 0 : i64, scratch_operands = 36 : i64, tpu.core_type = #tpu.core_type<sc_vector_subcore>, window_params = [{transform_indices = #map}, {transform_indices = #map}, {transform_indices = #map}, {transform_indices = #map}, {transform_indices = #map}, {transform_indices = #map}, {transform_indices = #map}, {transform_indices = #map1}, {transform_indices = #map1}, {transform_indices = #map1}, {transform_indices = #map1}, {transform_indices = #map1}, {transform_indices = #map}, {transform_indices = #map1}]} {
    %mul3A = arith.constant 2 : i32
    %mul3A_0 = arith.muli %arg1, %mul3A : i32
    %add3A = arith.addi %mul3A_0, %arg0 : i32
    %mul3A_1 = arith.constant 25600 : i32
    %mul3A_2 = arith.muli %add3A, %mul3A_1 : i32
    "tpu.region"() ({
      %run_scoped3A = tpu.sem_alloc : memref<!tpu.dma_semaphore, #tpu.memory_space<semaphore_mem>>
      tpu.enqueue_dma source(%arg10 : memref<11x17xf32, #tpu.memory_space<hbm>>) target(%arg32 : memref<11x17xf32, #tpu.memory_space<vmem>>) target_semaphore(%run_scoped3A : memref<!tpu.dma_semaphore, #tpu.memory_space<semaphore_mem>>)
      tpu.wait_dma2 semaphore(%run_scoped3A : memref<!tpu.dma_semaphore, #tpu.memory_space<semaphore_mem>>) src(%arg10 : memref<11x17xf32, #tpu.memory_space<hbm>>) dst(%arg32 : memref<11x17xf32, #tpu.memory_space<vmem>>)
      tpu.yield
    }) : () -> ()
    "tpu.region"() ({
      %run_scoped3A = tpu.sem_alloc : memref<!tpu.dma_semaphore, #tpu.memory_space<semaphore_mem>>
      tpu.enqueue_dma source(%arg11 : memref<8x17xf32, #tpu.memory_space<hbm>>) target(%arg33 : memref<8x17xf32, #tpu.memory_space<vmem>>) target_semaphore(%run_scoped3A : memref<!tpu.dma_semaphore, #tpu.memory_space<semaphore_mem>>)
      tpu.wait_dma2 semaphore(%run_scoped3A : memref<!tpu.dma_semaphore, #tpu.memory_space<semaphore_mem>>) src(%arg11 : memref<8x17xf32, #tpu.memory_space<hbm>>) dst(%arg33 : memref<8x17xf32, #tpu.memory_space<vmem>>)
      tpu.yield
    }) : () -> ()
    "tpu.region"() ({
      %run_scoped3A = tpu.sem_alloc : memref<!tpu.dma_semaphore, #tpu.memory_space<semaphore_mem>>
      tpu.enqueue_dma source(%arg12 : memref<3x9xf32, #tpu.memory_space<hbm>>) target(%arg34 : memref<3x9xf32, #tpu.memory_space<vmem>>) target_semaphore(%run_scoped3A : memref<!tpu.dma_semaphore, #tpu.memory_space<semaphore_mem>>)
      tpu.wait_dma2 semaphore(%run_scoped3A : memref<!tpu.dma_semaphore, #tpu.memory_space<semaphore_mem>>) src(%arg12 : memref<3x9xf32, #tpu.memory_space<hbm>>) dst(%arg34 : memref<3x9xf32, #tpu.memory_space<vmem>>)
      tpu.yield
    }) : () -> ()
    "tpu.region"() ({
      %run_scoped3A = tpu.sem_alloc : memref<!tpu.dma_semaphore, #tpu.memory_space<semaphore_mem>>
      tpu.enqueue_dma source(%arg13 : memref<3x9xf32, #tpu.memory_space<hbm>>) target(%arg35 : memref<3x9xf32, #tpu.memory_space<vmem>>) target_semaphore(%run_scoped3A : memref<!tpu.dma_semaphore, #tpu.memory_space<semaphore_mem>>)
      tpu.wait_dma2 semaphore(%run_scoped3A : memref<!tpu.dma_semaphore, #tpu.memory_space<semaphore_mem>>) src(%arg13 : memref<3x9xf32, #tpu.memory_space<hbm>>) dst(%arg35 : memref<3x9xf32, #tpu.memory_space<vmem>>)
      tpu.yield
    }) : () -> ()
    "tpu.region"() ({
      %run_scoped3A = tpu.sem_alloc : memref<!tpu.dma_semaphore, #tpu.memory_space<semaphore_mem>>
      tpu.enqueue_dma source(%arg14 : memref<16xf32, #tpu.memory_space<hbm>>) target(%arg36 : memref<16xf32, #tpu.memory_space<vmem>>) target_semaphore(%run_scoped3A : memref<!tpu.dma_semaphore, #tpu.memory_space<semaphore_mem>>)
      tpu.wait_dma2 semaphore(%run_scoped3A : memref<!tpu.dma_semaphore, #tpu.memory_space<semaphore_mem>>) src(%arg14 : memref<16xf32, #tpu.memory_space<hbm>>) dst(%arg36 : memref<16xf32, #tpu.memory_space<vmem>>)
      tpu.yield
    }) : () -> ()
    %get3A = arith.constant 0 : index
    %get3A_3 = tpu.vector_load %arg36[%get3A] {strides = array<i32>} : memref<16xf32, #tpu.memory_space<vmem>>, vector<16xf32>,
    %iota3A = tpu.iota {dimensions = array<i32: 0>} : vector<16xi32>
    %broadcast_in_dim3A = arith.constant 48 : i32
    %broadcast_in_dim3A_4 = vector.broadcast %broadcast_in_dim3A : i32 to vector<16xi32>
    %broadcast_in_dim3A_5 = arith.constant 0.000000e+00 : f32
    %broadcast_in_dim3A_6 = vector.broadcast %broadcast_in_dim3A_5 : f32 to vector<16xf32>
    tpu.vector_store_idx %arg39[%iota3A, %broadcast_in_dim3A_4], %broadcast_in_dim3A_6 : memref<400x64xf32, #tpu.memory_space<vmem>>[vector<16xi32>, vector<16xi32>], vector<16xf32>,
    %broadcast_in_dim3A_7 = arith.constant 49 : i32
    %broadcast_in_dim3A_8 = vector.broadcast %broadcast_in_dim3A_7 : i32 to vector<16xi32>
    %broadcast_in_dim3A_9 = arith.constant 0.000000e+00 : f32
    %broadcast_in_dim3A_10 = vector.broadcast %broadcast_in_dim3A_9 : f32 to vector<16xf32>
    tpu.vector_store_idx %arg39[%iota3A, %broadcast_in_dim3A_8], %broadcast_in_dim3A_10 : memref<400x64xf32, #tpu.memory_space<vmem>>[vector<16xi32>, vector<16xi32>], vector<16xf32>,
    %broadcast_in_dim3A_11 = arith.constant 50 : i32
    %broadcast_in_dim3A_12 = vector.broadcast %broadcast_in_dim3A_11 : i32 to vector<16xi32>
    %broadcast_in_dim3A_13 = arith.constant 0.000000e+00 : f32
    %broadcast_in_dim3A_14 = vector.broadcast %broadcast_in_dim3A_13 : f32 to vector<16xf32>
    tpu.vector_store_idx %arg39[%iota3A, %broadcast_in_dim3A_12], %broadcast_in_dim3A_14 : memref<400x64xf32, #tpu.memory_space<vmem>>[vector<16xi32>, vector<16xi32>], vector<16xf32>,
    %broadcast_in_dim3A_15 = arith.constant 51 : i32
    %broadcast_in_dim3A_16 = vector.broadcast %broadcast_in_dim3A_15 : i32 to vector<16xi32>
    %broadcast_in_dim3A_17 = arith.constant 0.000000e+00 : f32
    %broadcast_in_dim3A_18 = vector.broadcast %broadcast_in_dim3A_17 : f32 to vector<16xf32>
    tpu.vector_store_idx %arg39[%iota3A, %broadcast_in_dim3A_16], %broadcast_in_dim3A_18 : memref<400x64xf32, #tpu.memory_space<vmem>>[vector<16xi32>, vector<16xi32>], vector<16xf32>,
    %broadcast_in_dim3A_19 = arith.constant 52 : i32
    %broadcast_in_dim3A_20 = vector.broadcast %broadcast_in_dim3A_19 : i32 to vector<16xi32>
    %broadcast_in_dim3A_21 = arith.constant 0.000000e+00 : f32
    %broadcast_in_dim3A_22 = vector.broadcast %broadcast_in_dim3A_21 : f32 to vector<16xf32>
    tpu.vector_store_idx %arg39[%iota3A, %broadcast_in_dim3A_20], %broadcast_in_dim3A_22 : memref<400x64xf32, #tpu.memory_space<vmem>>[vector<16xi32>, vector<16xi32>], vector<16xf32>,
    %broadcast_in_dim3A_23 = arith.constant 53 : i32
    %broadcast_in_dim3A_24 = vector.broadcast %broadcast_in_dim3A_23 : i32 to vector<16xi32>
    %broadcast_in_dim3A_25 = arith.constant 0.000000e+00 : f32
    %broadcast_in_dim3A_26 = vector.broadcast %broadcast_in_dim3A_25 : f32 to vector<16xf32>
    tpu.vector_store_idx %arg39[%iota3A, %broadcast_in_dim3A_24], %broadcast_in_dim3A_26 : memref<400x64xf32, #tpu.memory_space<vmem>>[vector<16xi32>, vector<16xi32>], vector<16xf32>,
    %broadcast_in_dim3A_27 = arith.constant 54 : i32
    %broadcast_in_dim3A_28 = vector.broadcast %broadcast_in_dim3A_27 : i32 to vector<16xi32>
    %broadcast_in_dim3A_29 = arith.constant 0.000000e+00 : f32
    %broadcast_in_dim3A_30 = vector.broadcast %broadcast_in_dim3A_29 : f32 to vector<16xf32>
    tpu.vector_store_idx %arg39[%iota3A, %broadcast_in_dim3A_28], %broadcast_in_dim3A_30 : memref<400x64xf32, #tpu.memory_space<vmem>>[vector<16xi32>, vector<16xi32>], vector<16xf32>,
    %broadcast_in_dim3A_31 = arith.constant 55 : i32
    %broadcast_in_dim3A_32 = vector.broadcast %broadcast_in_dim3A_31 : i32 to vector<16xi32>
    %broadcast_in_dim3A_33 = arith.constant 0.000000e+00 : f32
    %broadcast_in_dim3A_34 = vector.broadcast %broadcast_in_dim3A_33 : f32 to vector<16xf32>
    tpu.vector_store_idx %arg39[%iota3A, %broadcast_in_dim3A_32], %broadcast_in_dim3A_34 : memref<400x64xf32, #tpu.memory_space<vmem>>[vector<16xi32>, vector<16xi32>], vector<16xf32>,
    %broadcast_in_dim3A_35 = arith.constant 56 : i32
    %broadcast_in_dim3A_36 = vector.broadcast %broadcast_in_dim3A_35 : i32 to vector<16xi32>
    %broadcast_in_dim3A_37 = arith.constant 0.000000e+00 : f32
    %broadcast_in_dim3A_38 = vector.broadcast %broadcast_in_dim3A_37 : f32 to vector<16xf32>
    tpu.vector_store_idx %arg39[%iota3A, %broadcast_in_dim3A_36], %broadcast_in_dim3A_38 : memref<400x64xf32, #tpu.memory_space<vmem>>[vector<16xi32>, vector<16xi32>], vector<16xf32>,
    %broadcast_in_dim3A_39 = arith.constant 57 : i32
    %broadcast_in_dim3A_40 = vector.broadcast %broadcast_in_dim3A_39 : i32 to vector<16xi32>
    %broadcast_in_dim3A_41 = arith.constant 0.000000e+00 : f32
    %broadcast_in_dim3A_42 = vector.broadcast %broadcast_in_dim3A_41 : f32 to vector<16xf32>
    tpu.vector_store_idx %arg39[%iota3A, %broadcast_in_dim3A_40], %broadcast_in_dim3A_42 : memref<400x64xf32, #tpu.memory_space<vmem>>[vector<16xi32>, vector<16xi32>], vector<16xf32>,
    %broadcast_in_dim3A_43 = arith.constant 58 : i32
    %broadcast_in_dim3A_44 = vector.broadcast %broadcast_in_dim3A_43 : i32 to vector<16xi32>
    %broadcast_in_dim3A_45 = arith.constant 0.000000e+00 : f32
    %broadcast_in_dim3A_46 = vector.broadcast %broadcast_in_dim3A_45 : f32 to vector<16xf32>
    tpu.vector_store_idx %arg39[%iota3A, %broadcast_in_dim3A_44], %broadcast_in_dim3A_46 : memref<400x64xf32, #tpu.memory_space<vmem>>[vector<16xi32>, vector<16xi32>], vector<16xf32>,
    %broadcast_in_dim3A_47 = arith.constant 59 : i32
    %broadcast_in_dim3A_48 = vector.broadcast %broadcast_in_dim3A_47 : i32 to vector<16xi32>
    %broadcast_in_dim3A_49 = arith.constant 0.000000e+00 : f32
    %broadcast_in_dim3A_50 = vector.broadcast %broadcast_in_dim3A_49 : f32 to vector<16xf32>
    tpu.vector_store_idx %arg39[%iota3A, %broadcast_in_dim3A_48], %broadcast_in_dim3A_50 : memref<400x64xf32, #tpu.memory_space<vmem>>[vector<16xi32>, vector<16xi32>], vector<16xf32>,
    %broadcast_in_dim3A_51 = arith.constant 60 : i32
    %broadcast_in_dim3A_52 = vector.broadcast %broadcast_in_dim3A_51 : i32 to vector<16xi32>
    %broadcast_in_dim3A_53 = arith.constant 0.000000e+00 : f32
    %broadcast_in_dim3A_54 = vector.broadcast %broadcast_in_dim3A_53 : f32 to vector<16xf32>
    tpu.vector_store_idx %arg39[%iota3A, %broadcast_in_dim3A_52], %broadcast_in_dim3A_54 : memref<400x64xf32, #tpu.memory_space<vmem>>[vector<16xi32>, vector<16xi32>], vector<16xf32>,
    %broadcast_in_dim3A_55 = arith.constant 61 : i32
    %broadcast_in_dim3A_56 = vector.broadcast %broadcast_in_dim3A_55 : i32 to vector<16xi32>
    %broadcast_in_dim3A_57 = arith.constant 0.000000e+00 : f32
    %broadcast_in_dim3A_58 = vector.broadcast %broadcast_in_dim3A_57 : f32 to vector<16xf32>
    tpu.vector_store_idx %arg39[%iota3A, %broadcast_in_dim3A_56], %broadcast_in_dim3A_58 : memref<400x64xf32, #tpu.memory_space<vmem>>[vector<16xi32>, vector<16xi32>], vector<16xf32>,
    %broadcast_in_dim3A_59 = arith.constant 62 : i32
    %broadcast_in_dim3A_60 = vector.broadcast %broadcast_in_dim3A_59 : i32 to vector<16xi32>
    %broadcast_in_dim3A_61 = arith.constant 0.000000e+00 : f32
    %broadcast_in_dim3A_62 = vector.broadcast %broadcast_in_dim3A_61 : f32 to vector<16xf32>
    tpu.vector_store_idx %arg39[%iota3A, %broadcast_in_dim3A_60], %broadcast_in_dim3A_62 : memref<400x64xf32, #tpu.memory_space<vmem>>[vector<16xi32>, vector<16xi32>], vector<16xf32>,
    %broadcast_in_dim3A_63 = arith.constant 63 : i32
    %broadcast_in_dim3A_64 = vector.broadcast %broadcast_in_dim3A_63 : i32 to vector<16xi32>
    %broadcast_in_dim3A_65 = arith.constant 0.000000e+00 : f32
    %broadcast_in_dim3A_66 = vector.broadcast %broadcast_in_dim3A_65 : f32 to vector<16xf32>
    tpu.vector_store_idx %arg39[%iota3A, %broadcast_in_dim3A_64], %broadcast_in_dim3A_66 : memref<400x64xf32, #tpu.memory_space<vmem>>[vector<16xi32>, vector<16xi32>], vector<16xf32>,
    %scan3A = arith.constant 0 : i32
    %scan3A_67 = arith.constant 0 : i32
    %scan3A_68 = arith.constant 4 : i32
    %scan3A_69 = arith.addi %scan3A_67, %scan3A_68 : i32
    %scan3A_70 = arith.constant 1 : i32
    scf.for %scan3A_151 = %scan3A_67 to %scan3A_69 step %scan3A_70  : i32 {
      %mul3A_152 = arith.constant 16 : i32
      %mul3A_153 = arith.muli %scan3A_151, %mul3A_152 : i32
      %add3A_154 = arith.addi %arg1, %mul3A_153 : i32
      %mul3A_155 = arith.constant 16 : i32
      %mul3A_156 = arith.muli %add3A_154, %mul3A_155 : i32
      %iota3A_157 = tpu.iota {dimensions = array<i32: 0>} : vector<16xi32>
      %add3A_158 = vector.broadcast %mul3A_156 : i32 to vector<16xi32>
      %add3A_159 = arith.addi %iota3A_157, %add3A_158 : vector<16xi32>
      %min3A = arith.constant 791 : i32
      %min3A_160 = vector.broadcast %min3A : i32 to vector<16xi32>
      %min3A_161 = arith.minsi %add3A_159, %min3A_160 : vector<16xi32>
      %broadcast_in_dim3A_162 = arith.constant 0 : i32
      %broadcast_in_dim3A_163 = vector.broadcast %broadcast_in_dim3A_162 : i32 to vector<16xi32>
      %ge3A = arith.constant 72 : i32
      %ge3A_164 = vector.broadcast %ge3A : i32 to vector<16xi32>
      %ge3A_165 = arith.cmpi sge, %min3A_161, %ge3A_164 : vector<16xi32>
      %convert_element_type3A = arith.extui %ge3A_165 : vector<16xi1> to vector<16xi32>
      %add3A_166 = arith.addi %broadcast_in_dim3A_163, %convert_element_type3A : vector<16xi32>
      %ge3A_167 = arith.constant 144 : i32
      %ge3A_168 = vector.broadcast %ge3A_167 : i32 to vector<16xi32>
      %ge3A_169 = arith.cmpi sge, %min3A_161, %ge3A_168 : vector<16xi32>
      %convert_element_type3A_170 = arith.extui %ge3A_169 : vector<16xi1> to vector<16xi32>
      %add3A_171 = arith.addi %add3A_166, %convert_element_type3A_170 : vector<16xi32>
      %ge3A_172 = arith.constant 216 : i32
      %ge3A_173 = vector.broadcast %ge3A_172 : i32 to vector<16xi32>
      %ge3A_174 = arith.cmpi sge, %min3A_161, %ge3A_173 : vector<16xi32>
      %convert_element_type3A_175 = arith.extui %ge3A_174 : vector<16xi1> to vector<16xi32>
      %add3A_176 = arith.addi %add3A_171, %convert_element_type3A_175 : vector<16xi32>
      %ge3A_177 = arith.constant 288 : i32
      %ge3A_178 = vector.broadcast %ge3A_177 : i32 to vector<16xi32>
      %ge3A_179 = arith.cmpi sge, %min3A_161, %ge3A_178 : vector<16xi32>
      %convert_element_type3A_180 = arith.extui %ge3A_179 : vector<16xi1> to vector<16xi32>
      %add3A_181 = arith.addi %add3A_176, %convert_element_type3A_180 : vector<16xi32>
      %ge3A_182 = arith.constant 360 : i32
      %ge3A_183 = vector.broadcast %ge3A_182 : i32 to vector<16xi32>
      %ge3A_184 = arith.cmpi sge, %min3A_161, %ge3A_183 : vector<16xi32>
      %convert_element_type3A_185 = arith.extui %ge3A_184 : vector<16xi1> to vector<16xi32>
      %add3A_186 = arith.addi %add3A_181, %convert_element_type3A_185 : vector<16xi32>
      %ge3A_187 = arith.constant 432 : i32
      %ge3A_188 = vector.broadcast %ge3A_187 : i32 to vector<16xi32>
      %ge3A_189 = arith.cmpi sge, %min3A_161, %ge3A_188 : vector<16xi32>
      %convert_element_type3A_190 = arith.extui %ge3A_189 : vector<16xi1> to vector<16xi32>
      %add3A_191 = arith.addi %add3A_186, %convert_element_type3A_190 : vector<16xi32>
      %ge3A_192 = arith.constant 504 : i32
      %ge3A_193 = vector.broadcast %ge3A_192 : i32 to vector<16xi32>
      %ge3A_194 = arith.cmpi sge, %min3A_161, %ge3A_193 : vector<16xi32>
      %convert_element_type3A_195 = arith.extui %ge3A_194 : vector<16xi1> to vector<16xi32>
      %add3A_196 = arith.addi %add3A_191, %convert_element_type3A_195 : vector<16xi32>
      %ge3A_197 = arith.constant 576 : i32
      %ge3A_198 = vector.broadcast %ge3A_197 : i32 to vector<16xi32>
      %ge3A_199 = arith.cmpi sge, %min3A_161, %ge3A_198 : vector<16xi32>
      %convert_element_type3A_200 = arith.extui %ge3A_199 : vector<16xi1> to vector<16xi32>
      %add3A_201 = arith.addi %add3A_196, %convert_element_type3A_200 : vector<16xi32>
      %ge3A_202 = arith.constant 648 : i32
      %ge3A_203 = vector.broadcast %ge3A_202 : i32 to vector<16xi32>
      %ge3A_204 = arith.cmpi sge, %min3A_161, %ge3A_203 : vector<16xi32>
      %convert_element_type3A_205 = arith.extui %ge3A_204 : vector<16xi1> to vector<16xi32>
      %add3A_206 = arith.addi %add3A_201, %convert_element_type3A_205 : vector<16xi32>
      %ge3A_207 = arith.constant 720 : i32
      %ge3A_208 = vector.broadcast %ge3A_207 : i32 to vector<16xi32>
      %ge3A_209 = arith.cmpi sge, %min3A_161, %ge3A_208 : vector<16xi32>
      %convert_element_type3A_210 = arith.extui %ge3A_209 : vector<16xi1> to vector<16xi32>
      %add3A_211 = arith.addi %add3A_206, %convert_element_type3A_210 : vector<16xi32>
      %mul3A_212 = arith.constant 72 : i32
      %mul3A_213 = vector.broadcast %mul3A_212 : i32 to vector<16xi32>
      %mul3A_214 = arith.muli %add3A_211, %mul3A_213 : vector<16xi32>
      %sub3A = arith.subi %min3A_161, %mul3A_214 : vector<16xi32>
      %broadcast_in_dim3A_215 = arith.constant 0 : i32
      %broadcast_in_dim3A_216 = vector.broadcast %broadcast_in_dim3A_215 : i32 to vector<16xi32>
      %ge3A_217 = arith.constant 9 : i32
      %ge3A_218 = vector.broadcast %ge3A_217 : i32 to vector<16xi32>
      %ge3A_219 = arith.cmpi sge, %sub3A, %ge3A_218 : vector<16xi32>
      %convert_element_type3A_220 = arith.extui %ge3A_219 : vector<16xi1> to vector<16xi32>
      %add3A_221 = arith.addi %broadcast_in_dim3A_216, %convert_element_type3A_220 : vector<16xi32>
      %ge3A_222 = arith.constant 18 : i32
      %ge3A_223 = vector.broadcast %ge3A_222 : i32 to vector<16xi32>
      %ge3A_224 = arith.cmpi sge, %sub3A, %ge3A_223 : vector<16xi32>
      %convert_element_type3A_225 = arith.extui %ge3A_224 : vector<16xi1> to vector<16xi32>
      %add3A_226 = arith.addi %add3A_221, %convert_element_type3A_225 : vector<16xi32>
      %ge3A_227 = arith.constant 27 : i32
      %ge3A_228 = vector.broadcast %ge3A_227 : i32 to vector<16xi32>
      %ge3A_229 = arith.cmpi sge, %sub3A, %ge3A_228 : vector<16xi32>
      %convert_element_type3A_230 = arith.extui %ge3A_229 : vector<16xi1> to vector<16xi32>
      %add3A_231 = arith.addi %add3A_226, %convert_element_type3A_230 : vector<16xi32>
      %ge3A_232 = arith.constant 36 : i32
      %ge3A_233 = vector.broadcast %ge3A_232 : i32 to vector<16xi32>
      %ge3A_234 = arith.cmpi sge, %sub3A, %ge3A_233 : vector<16xi32>
      %convert_element_type3A_235 = arith.extui %ge3A_234 : vector<16xi1> to vector<16xi32>
      %add3A_236 = arith.addi %add3A_231, %convert_element_type3A_235 : vector<16xi32>
      %ge3A_237 = arith.constant 45 : i32
      %ge3A_238 = vector.broadcast %ge3A_237 : i32 to vector<16xi32>
      %ge3A_239 = arith.cmpi sge, %sub3A, %ge3A_238 : vector<16xi32>
      %convert_element_type3A_240 = arith.extui %ge3A_239 : vector<16xi1> to vector<16xi32>
      %add3A_241 = arith.addi %add3A_236, %convert_element_type3A_240 : vector<16xi32>
      %ge3A_242 = arith.constant 54 : i32
      %ge3A_243 = vector.broadcast %ge3A_242 : i32 to vector<16xi32>
      %ge3A_244 = arith.cmpi sge, %sub3A, %ge3A_243 : vector<16xi32>
      %convert_element_type3A_245 = arith.extui %ge3A_244 : vector<16xi1> to vector<16xi32>
      %add3A_246 = arith.addi %add3A_241, %convert_element_type3A_245 : vector<16xi32>
      %ge3A_247 = arith.constant 63 : i32
      %ge3A_248 = vector.broadcast %ge3A_247 : i32 to vector<16xi32>
      %ge3A_249 = arith.cmpi sge, %sub3A, %ge3A_248 : vector<16xi32>
      %convert_element_type3A_250 = arith.extui %ge3A_249 : vector<16xi1> to vector<16xi32>
      %add3A_251 = arith.addi %add3A_246, %convert_element_type3A_250 : vector<16xi32>
      %mul3A_252 = arith.constant 9 : i32
      %mul3A_253 = vector.broadcast %mul3A_252 : i32 to vector<16xi32>
      %mul3A_254 = arith.muli %add3A_251, %mul3A_253 : vector<16xi32>
      %sub3A_255 = arith.subi %sub3A, %mul3A_254 : vector<16xi32>
      %broadcast_in_dim3A_256 = arith.constant 0 : i32
      %broadcast_in_dim3A_257 = vector.broadcast %broadcast_in_dim3A_256 : i32 to vector<16xi32>
      %ge3A_258 = arith.constant 3 : i32
      %ge3A_259 = vector.broadcast %ge3A_258 : i32 to vector<16xi32>
      %ge3A_260 = arith.cmpi sge, %sub3A_255, %ge3A_259 : vector<16xi32>
      %convert_element_type3A_261 = arith.extui %ge3A_260 : vector<16xi1> to vector<16xi32>
      %add3A_262 = arith.addi %broadcast_in_dim3A_257, %convert_element_type3A_261 : vector<16xi32>
      %ge3A_263 = arith.constant 6 : i32
      %ge3A_264 = vector.broadcast %ge3A_263 : i32 to vector<16xi32>
      %ge3A_265 = arith.cmpi sge, %sub3A_255, %ge3A_264 : vector<16xi32>
      %convert_element_type3A_266 = arith.extui %ge3A_265 : vector<16xi1> to vector<16xi32>
      %add3A_267 = arith.addi %add3A_262, %convert_element_type3A_266 : vector<16xi32>
      %mul3A_268 = arith.constant 3 : i32
      %mul3A_269 = vector.broadcast %mul3A_268 : i32 to vector<16xi32>
      %mul3A_270 = arith.muli %add3A_267, %mul3A_269 : vector<16xi32>
      %sub3A_271 = arith.subi %sub3A_255, %mul3A_270 : vector<16xi32>
      %iota3A_272 = tpu.iota {dimensions = array<i32: 0>} : vector<16xi32>
      %broadcast_in_dim3A_273 = arith.constant 0 : i32
      %broadcast_in_dim3A_274 = vector.broadcast %broadcast_in_dim3A_273 : i32 to vector<16xi32>
      %gather3A = tpu.vector_load_idx %arg32[%add3A_211, %broadcast_in_dim3A_274] : memref<11x17xf32, #tpu.memory_space<vmem>>[vector<16xi32>, vector<16xi32>], vector<16xf32>,
      %gather3A_275 = tpu.vector_load_idx %arg33[%add3A_251, %broadcast_in_dim3A_274] : memref<8x17xf32, #tpu.memory_space<vmem>>[vector<16xi32>, vector<16xi32>], vector<16xf32>,
      %broadcast_in_dim3A_276 = arith.constant 1 : i32
      %broadcast_in_dim3A_277 = vector.broadcast %broadcast_in_dim3A_276 : i32 to vector<16xi32>
      %gather3A_278 = tpu.vector_load_idx %arg32[%add3A_211, %broadcast_in_dim3A_277] : memref<11x17xf32, #tpu.memory_space<vmem>>[vector<16xi32>, vector<16xi32>], vector<16xf32>,
      %gather3A_279 = tpu.vector_load_idx %arg33[%add3A_251, %broadcast_in_dim3A_277] : memref<8x17xf32, #tpu.memory_space<vmem>>[vector<16xi32>, vector<16xi32>], vector<16xf32>,
      %broadcast_in_dim3A_280 = arith.constant 2 : i32
      %broadcast_in_dim3A_281 = vector.broadcast %broadcast_in_dim3A_280 : i32 to vector<16xi32>
      %gather3A_282 = tpu.vector_load_idx %arg32[%add3A_211, %broadcast_in_dim3A_281] : memref<11x17xf32, #tpu.memory_space<vmem>>[vector<16xi32>, vector<16xi32>], vector<16xf32>,
      %gather3A_283 = tpu.vector_load_idx %arg33[%add3A_251, %broadcast_in_dim3A_281] : memref<8x17xf32, #tpu.memory_space<vmem>>[vector<16xi32>, vector<16xi32>], vector<16xf32>,
      %broadcast_in_dim3A_284 = arith.constant 3 : i32
      %broadcast_in_dim3A_285 = vector.broadcast %broadcast_in_dim3A_284 : i32 to vector<16xi32>
      %gather3A_286 = tpu.vector_load_idx %arg32[%add3A_211, %broadcast_in_dim3A_285] : memref<11x17xf32, #tpu.memory_space<vmem>>[vector<16xi32>, vector<16xi32>], vector<16xf32>,
      %gather3A_287 = tpu.vector_load_idx %arg33[%add3A_251, %broadcast_in_dim3A_285] : memref<8x17xf32, #tpu.memory_space<vmem>>[vector<16xi32>, vector<16xi32>], vector<16xf32>,
      %broadcast_in_dim3A_288 = arith.constant 4 : i32
      %broadcast_in_dim3A_289 = vector.broadcast %broadcast_in_dim3A_288 : i32 to vector<16xi32>
      %gather3A_290 = tpu.vector_load_idx %arg32[%add3A_211, %broadcast_in_dim3A_289] : memref<11x17xf32, #tpu.memory_space<vmem>>[vector<16xi32>, vector<16xi32>], vector<16xf32>,
      %gather3A_291 = tpu.vector_load_idx %arg33[%add3A_251, %broadcast_in_dim3A_289] : memref<8x17xf32, #tpu.memory_space<vmem>>[vector<16xi32>, vector<16xi32>], vector<16xf32>,
      %broadcast_in_dim3A_292 = arith.constant 5 : i32
      %broadcast_in_dim3A_293 = vector.broadcast %broadcast_in_dim3A_292 : i32 to vector<16xi32>
      %gather3A_294 = tpu.vector_load_idx %arg32[%add3A_211, %broadcast_in_dim3A_293] : memref<11x17xf32, #tpu.memory_space<vmem>>[vector<16xi32>, vector<16xi32>], vector<16xf32>,
      %gather3A_295 = tpu.vector_load_idx %arg33[%add3A_251, %broadcast_in_dim3A_293] : memref<8x17xf32, #tpu.memory_space<vmem>>[vector<16xi32>, vector<16xi32>], vector<16xf32>,
      %broadcast_in_dim3A_296 = arith.constant 6 : i32
      %broadcast_in_dim3A_297 = vector.broadcast %broadcast_in_dim3A_296 : i32 to vector<16xi32>
      %gather3A_298 = tpu.vector_load_idx %arg32[%add3A_211, %broadcast_in_dim3A_297] : memref<11x17xf32, #tpu.memory_space<vmem>>[vector<16xi32>, vector<16xi32>], vector<16xf32>,
      %gather3A_299 = tpu.vector_load_idx %arg33[%add3A_251, %broadcast_in_dim3A_297] : memref<8x17xf32, #tpu.memory_space<vmem>>[vector<16xi32>, vector<16xi32>], vector<16xf32>,
      %broadcast_in_dim3A_300 = arith.constant 7 : i32
      %broadcast_in_dim3A_301 = vector.broadcast %broadcast_in_dim3A_300 : i32 to vector<16xi32>
      %gather3A_302 = tpu.vector_load_idx %arg32[%add3A_211, %broadcast_in_dim3A_301] : memref<11x17xf32, #tpu.memory_space<vmem>>[vector<16xi32>, vector<16xi32>], vector<16xf32>,
      %gather3A_303 = tpu.vector_load_idx %arg33[%add3A_251, %broadcast_in_dim3A_301] : memref<8x17xf32, #tpu.memory_space<vmem>>[vector<16xi32>, vector<16xi32>], vector<16xf32>,
      %broadcast_in_dim3A_304 = arith.constant 0 : i32
      %broadcast_in_dim3A_305 = vector.broadcast %broadcast_in_dim3A_304 : i32 to vector<16xi32>
      tpu.vector_store_idx %arg39[%iota3A_272, %broadcast_in_dim3A_305], %gather3A : memref<400x64xf32, #tpu.memory_space<vmem>>[vector<16xi32>, vector<16xi32>], vector<16xf32>,
      %broadcast_in_dim3A_306 = arith.constant 16 : i32
      %broadcast_in_dim3A_307 = vector.broadcast %broadcast_in_dim3A_306 : i32 to vector<16xi32>
      tpu.vector_store_idx %arg39[%iota3A_272, %broadcast_in_dim3A_307], %gather3A_275 : memref<400x64xf32, #tpu.memory_space<vmem>>[vector<16xi32>, vector<16xi32>], vector<16xf32>,
      %broadcast_in_dim3A_308 = arith.constant 1 : i32
      %broadcast_in_dim3A_309 = vector.broadcast %broadcast_in_dim3A_308 : i32 to vector<16xi32>
      tpu.vector_store_idx %arg39[%iota3A_272, %broadcast_in_dim3A_309], %gather3A_278 : memref<400x64xf32, #tpu.memory_space<vmem>>[vector<16xi32>, vector<16xi32>], vector<16xf32>,
      %broadcast_in_dim3A_310 = arith.constant 17 : i32
      %broadcast_in_dim3A_311 = vector.broadcast %broadcast_in_dim3A_310 : i32 to vector<16xi32>
      tpu.vector_store_idx %arg39[%iota3A_272, %broadcast_in_dim3A_311], %gather3A_279 : memref<400x64xf32, #tpu.memory_space<vmem>>[vector<16xi32>, vector<16xi32>], vector<16xf32>,
      %broadcast_in_dim3A_312 = arith.constant 2 : i32
      %broadcast_in_dim3A_313 = vector.broadcast %broadcast_in_dim3A_312 : i32 to vector<16xi32>
      tpu.vector_store_idx %arg39[%iota3A_272, %broadcast_in_dim3A_313], %gather3A_282 : memref<400x64xf32, #tpu.memory_space<vmem>>[vector<16xi32>, vector<16xi32>], vector<16xf32>,
      %broadcast_in_dim3A_314 = arith.constant 18 : i32
      %broadcast_in_dim3A_315 = vector.broadcast %broadcast_in_dim3A_314 : i32 to vector<16xi32>
      tpu.vector_store_idx %arg39[%iota3A_272, %broadcast_in_dim3A_315], %gather3A_283 : memref<400x64xf32, #tpu.memory_space<vmem>>[vector<16xi32>, vector<16xi32>], vector<16xf32>,
      %broadcast_in_dim3A_316 = arith.constant 3 : i32
      %broadcast_in_dim3A_317 = vector.broadcast %broadcast_in_dim3A_316 : i32 to vector<16xi32>
      tpu.vector_store_idx %arg39[%iota3A_272, %broadcast_in_dim3A_317], %gather3A_286 : memref<400x64xf32, #tpu.memory_space<vmem>>[vector<16xi32>, vector<16xi32>], vector<16xf32>,
      %broadcast_in_dim3A_318 = arith.constant 19 : i32
      %broadcast_in_dim3A_319 = vector.broadcast %broadcast_in_dim3A_318 : i32 to vector<16xi32>
      tpu.vector_store_idx %arg39[%iota3A_272, %broadcast_in_dim3A_319], %gather3A_287 : memref<400x64xf32, #tpu.memory_space<vmem>>[vector<16xi32>, vector<16xi32>], vector<16xf32>,
      %broadcast_in_dim3A_320 = arith.constant 4 : i32
      %broadcast_in_dim3A_321 = vector.broadcast %broadcast_in_dim3A_320 : i32 to vector<16xi32>
      tpu.vector_store_idx %arg39[%iota3A_272, %broadcast_in_dim3A_321], %gather3A_290 : memref<400x64xf32, #tpu.memory_space<vmem>>[vector<16xi32>, vector<16xi32>], vector<16xf32>,
      %broadcast_in_dim3A_322 = arith.constant 20 : i32
      %broadcast_in_dim3A_323 = vector.broadcast %broadcast_in_dim3A_322 : i32 to vector<16xi32>
      tpu.vector_store_idx %arg39[%iota3A_272, %broadcast_in_dim3A_323], %gather3A_291 : memref<400x64xf32, #tpu.memory_space<vmem>>[vector<16xi32>, vector<16xi32>], vector<16xf32>,
      %broadcast_in_dim3A_324 = arith.constant 5 : i32
      %broadcast_in_dim3A_325 = vector.broadcast %broadcast_in_dim3A_324 : i32 to vector<16xi32>
      tpu.vector_store_idx %arg39[%iota3A_272, %broadcast_in_dim3A_325], %gather3A_294 : memref<400x64xf32, #tpu.memory_space<vmem>>[vector<16xi32>, vector<16xi32>], vector<16xf32>,
      %broadcast_in_dim3A_326 = arith.constant 21 : i32
      %broadcast_in_dim3A_327 = vector.broadcast %broadcast_in_dim3A_326 : i32 to vector<16xi32>
      tpu.vector_store_idx %arg39[%iota3A_272, %broadcast_in_dim3A_327], %gather3A_295 : memref<400x64xf32, #tpu.memory_space<vmem>>[vector<16xi32>, vector<16xi32>], vector<16xf32>,
      %broadcast_in_dim3A_328 = arith.constant 6 : i32
      %broadcast_in_dim3A_329 = vector.broadcast %broadcast_in_dim3A_328 : i32 to vector<16xi32>
      tpu.vector_store_idx %arg39[%iota3A_272, %broadcast_in_dim3A_329], %gather3A_298 : memref<400x64xf32, #tpu.memory_space<vmem>>[vector<16xi32>, vector<16xi32>], vector<16xf32>,
      %broadcast_in_dim3A_330 = arith.constant 22 : i32
      %broadcast_in_dim3A_331 = vector.broadcast %broadcast_in_dim3A_330 : i32 to vector<16xi32>
      tpu.vector_store_idx %arg39[%iota3A_272, %broadcast_in_dim3A_331], %gather3A_299 : memref<400x64xf32, #tpu.memory_space<vmem>>[vector<16xi32>, vector<16xi32>], vector<16xf32>,
      %broadcast_in_dim3A_332 = arith.constant 7 : i32
      %broadcast_in_dim3A_333 = vector.broadcast %broadcast_in_dim3A_332 : i32 to vector<16xi32>
      tpu.vector_store_idx %arg39[%iota3A_272, %broadcast_in_dim3A_333], %gather3A_302 : memref<400x64xf32, #tpu.memory_space<vmem>>[vector<16xi32>, vector<16xi32>], vector<16xf32>,
      %broadcast_in_dim3A_334 = arith.constant 23 : i32
      %broadcast_in_dim3A_335 = vector.broadcast %broadcast_in_dim3A_334 : i32 to vector<16xi32>
      tpu.vector_store_idx %arg39[%iota3A_272, %broadcast_in_dim3A_335], %gather3A_303 : memref<400x64xf32, #tpu.memory_space<vmem>>[vector<16xi32>, vector<16xi32>], vector<16xf32>,
      %broadcast_in_dim3A_336 = arith.constant 8 : i32
      %broadcast_in_dim3A_337 = vector.broadcast %broadcast_in_dim3A_336 : i32 to vector<16xi32>
      %gather3A_338 = tpu.vector_load_idx %arg32[%add3A_211, %broadcast_in_dim3A_337] : memref<11x17xf32, #tpu.memory_space<vmem>>[vector<16xi32>, vector<16xi32>], vector<16xf32>,
      %gather3A_339 = tpu.vector_load_idx %arg33[%add3A_251, %broadcast_in_dim3A_337] : memref<8x17xf32, #tpu.memory_space<vmem>>[vector<16xi32>, vector<16xi32>], vector<16xf32>,
      %broadcast_in_dim3A_340 = arith.constant 9 : i32
      %broadcast_in_dim3A_341 = vector.broadcast %broadcast_in_dim3A_340 : i32 to vector<16xi32>
      %gather3A_342 = tpu.vector_load_idx %arg32[%add3A_211, %broadcast_in_dim3A_341] : memref<11x17xf32, #tpu.memory_space<vmem>>[vector<16xi32>, vector<16xi32>], vector<16xf32>,
      %gather3A_343 = tpu.vector_load_idx %arg33[%add3A_251, %broadcast_in_dim3A_341] : memref<8x17xf32, #tpu.memory_space<vmem>>[vector<16xi32>, vector<16xi32>], vector<16xf32>,
      %broadcast_in_dim3A_344 = arith.constant 10 : i32
      %broadcast_in_dim3A_345 = vector.broadcast %broadcast_in_dim3A_344 : i32 to vector<16xi32>
      %gather3A_346 = tpu.vector_load_idx %arg32[%add3A_211, %broadcast_in_dim3A_345] : memref<11x17xf32, #tpu.memory_space<vmem>>[vector<16xi32>, vector<16xi32>], vector<16xf32>,
      %gather3A_347 = tpu.vector_load_idx %arg33[%add3A_251, %broadcast_in_dim3A_345] : memref<8x17xf32, #tpu.memory_space<vmem>>[vector<16xi32>, vector<16xi32>], vector<16xf32>,
      %broadcast_in_dim3A_348 = arith.constant 11 : i32
      %broadcast_in_dim3A_349 = vector.broadcast %broadcast_in_dim3A_348 : i32 to vector<16xi32>
      %gather3A_350 = tpu.vector_load_idx %arg32[%add3A_211, %broadcast_in_dim3A_349] : memref<11x17xf32, #tpu.memory_space<vmem>>[vector<16xi32>, vector<16xi32>], vector<16xf32>,
      %gather3A_351 = tpu.vector_load_idx %arg33[%add3A_251, %broadcast_in_dim3A_349] : memref<8x17xf32, #tpu.memory_space<vmem>>[vector<16xi32>, vector<16xi32>], vector<16xf32>,
      %broadcast_in_dim3A_352 = arith.constant 12 : i32
      %broadcast_in_dim3A_353 = vector.broadcast %broadcast_in_dim3A_352 : i32 to vector<16xi32>
      %gather3A_354 = tpu.vector_load_idx %arg32[%add3A_211, %broadcast_in_dim3A_353] : memref<11x17xf32, #tpu.memory_space<vmem>>[vector<16xi32>, vector<16xi32>], vector<16xf32>,
      %gather3A_355 = tpu.vector_load_idx %arg33[%add3A_251, %broadcast_in_dim3A_353] : memref<8x17xf32, #tpu.memory_space<vmem>>[vector<16xi32>, vector<16xi32>], vector<16xf32>,
      %broadcast_in_dim3A_356 = arith.constant 13 : i32
      %broadcast_in_dim3A_357 = vector.broadcast %broadcast_in_dim3A_356 : i32 to vector<16xi32>
      %gather3A_358 = tpu.vector_load_idx %arg32[%add3A_211, %broadcast_in_dim3A_357] : memref<11x17xf32, #tpu.memory_space<vmem>>[vector<16xi32>, vector<16xi32>], vector<16xf32>,
      %gather3A_359 = tpu.vector_load_idx %arg33[%add3A_251, %broadcast_in_dim3A_357] : memref<8x17xf32, #tpu.memory_space<vmem>>[vector<16xi32>, vector<16xi32>], vector<16xf32>,
      %broadcast_in_dim3A_360 = arith.constant 14 : i32
      %broadcast_in_dim3A_361 = vector.broadcast %broadcast_in_dim3A_360 : i32 to vector<16xi32>
      %gather3A_362 = tpu.vector_load_idx %arg32[%add3A_211, %broadcast_in_dim3A_361] : memref<11x17xf32, #tpu.memory_space<vmem>>[vector<16xi32>, vector<16xi32>], vector<16xf32>,
      %gather3A_363 = tpu.vector_load_idx %arg33[%add3A_251, %broadcast_in_dim3A_361] : memref<8x17xf32, #tpu.memory_space<vmem>>[vector<16xi32>, vector<16xi32>], vector<16xf32>,
      %broadcast_in_dim3A_364 = arith.constant 15 : i32
      %broadcast_in_dim3A_365 = vector.broadcast %broadcast_in_dim3A_364 : i32 to vector<16xi32>
      %gather3A_366 = tpu.vector_load_idx %arg32[%add3A_211, %broadcast_in_dim3A_365] : memref<11x17xf32, #tpu.memory_space<vmem>>[vector<16xi32>, vector<16xi32>], vector<16xf32>,
      %gather3A_367 = tpu.vector_load_idx %arg33[%add3A_251, %broadcast_in_dim3A_365] : memref<8x17xf32, #tpu.memory_space<vmem>>[vector<16xi32>, vector<16xi32>], vector<16xf32>,
      %broadcast_in_dim3A_368 = arith.constant 8 : i32
      %broadcast_in_dim3A_369 = vector.broadcast %broadcast_in_dim3A_368 : i32 to vector<16xi32>
      tpu.vector_store_idx %arg39[%iota3A_272, %broadcast_in_dim3A_369], %gather3A_338 : memref<400x64xf32, #tpu.memory_space<vmem>>[vector<16xi32>, vector<16xi32>], vector<16xf32>,
      %broadcast_in_dim3A_370 = arith.constant 24 : i32
      %broadcast_in_dim3A_371 = vector.broadcast %broadcast_in_dim3A_370 : i32 to vector<16xi32>
      tpu.vector_store_idx %arg39[%iota3A_272, %broadcast_in_dim3A_371], %gather3A_339 : memref<400x64xf32, #tpu.memory_space<vmem>>[vector<16xi32>, vector<16xi32>], vector<16xf32>,
      %broadcast_in_dim3A_372 = arith.constant 9 : i32
      %broadcast_in_dim3A_373 = vector.broadcast %broadcast_in_dim3A_372 : i32 to vector<16xi32>
      tpu.vector_store_idx %arg39[%iota3A_272, %broadcast_in_dim3A_373], %gather3A_342 : memref<400x64xf32, #tpu.memory_space<vmem>>[vector<16xi32>, vector<16xi32>], vector<16xf32>,
      %broadcast_in_dim3A_374 = arith.constant 25 : i32
      %broadcast_in_dim3A_375 = vector.broadcast %broadcast_in_dim3A_374 : i32 to vector<16xi32>
      tpu.vector_store_idx %arg39[%iota3A_272, %broadcast_in_dim3A_375], %gather3A_343 : memref<400x64xf32, #tpu.memory_space<vmem>>[vector<16xi32>, vector<16xi32>], vector<16xf32>,
      %broadcast_in_dim3A_376 = arith.constant 10 : i32
      %broadcast_in_dim3A_377 = vector.broadcast %broadcast_in_dim3A_376 : i32 to vector<16xi32>
      tpu.vector_store_idx %arg39[%iota3A_272, %broadcast_in_dim3A_377], %gather3A_346 : memref<400x64xf32, #tpu.memory_space<vmem>>[vector<16xi32>, vector<16xi32>], vector<16xf32>,
      %broadcast_in_dim3A_378 = arith.constant 26 : i32
      %broadcast_in_dim3A_379 = vector.broadcast %broadcast_in_dim3A_378 : i32 to vector<16xi32>
      tpu.vector_store_idx %arg39[%iota3A_272, %broadcast_in_dim3A_379], %gather3A_347 : memref<400x64xf32, #tpu.memory_space<vmem>>[vector<16xi32>, vector<16xi32>], vector<16xf32>,
      %broadcast_in_dim3A_380 = arith.constant 11 : i32
      %broadcast_in_dim3A_381 = vector.broadcast %broadcast_in_dim3A_380 : i32 to vector<16xi32>
      tpu.vector_store_idx %arg39[%iota3A_272, %broadcast_in_dim3A_381], %gather3A_350 : memref<400x64xf32, #tpu.memory_space<vmem>>[vector<16xi32>, vector<16xi32>], vector<16xf32>,
      %broadcast_in_dim3A_382 = arith.constant 27 : i32
      %broadcast_in_dim3A_383 = vector.broadcast %broadcast_in_dim3A_382 : i32 to vector<16xi32>
      tpu.vector_store_idx %arg39[%iota3A_272, %broadcast_in_dim3A_383], %gather3A_351 : memref<400x64xf32, #tpu.memory_space<vmem>>[vector<16xi32>, vector<16xi32>], vector<16xf32>,
      %broadcast_in_dim3A_384 = arith.constant 12 : i32
      %broadcast_in_dim3A_385 = vector.broadcast %broadcast_in_dim3A_384 : i32 to vector<16xi32>
      tpu.vector_store_idx %arg39[%iota3A_272, %broadcast_in_dim3A_385], %gather3A_354 : memref<400x64xf32, #tpu.memory_space<vmem>>[vector<16xi32>, vector<16xi32>], vector<16xf32>,
      %broadcast_in_dim3A_386 = arith.constant 28 : i32
      %broadcast_in_dim3A_387 = vector.broadcast %broadcast_in_dim3A_386 : i32 to vector<16xi32>
      tpu.vector_store_idx %arg39[%iota3A_272, %broadcast_in_dim3A_387], %gather3A_355 : memref<400x64xf32, #tpu.memory_space<vmem>>[vector<16xi32>, vector<16xi32>], vector<16xf32>,
      %broadcast_in_dim3A_388 = arith.constant 13 : i32
      %broadcast_in_dim3A_389 = vector.broadcast %broadcast_in_dim3A_388 : i32 to vector<16xi32>
      tpu.vector_store_idx %arg39[%iota3A_272, %broadcast_in_dim3A_389], %gather3A_358 : memref<400x64xf32, #tpu.memory_space<vmem>>[vector<16xi32>, vector<16xi32>], vector<16xf32>,
      %broadcast_in_dim3A_390 = arith.constant 29 : i32
      %broadcast_in_dim3A_391 = vector.broadcast %broadcast_in_dim3A_390 : i32 to vector<16xi32>
      tpu.vector_store_idx %arg39[%iota3A_272, %broadcast_in_dim3A_391], %gather3A_359 : memref<400x64xf32, #tpu.memory_space<vmem>>[vector<16xi32>, vector<16xi32>], vector<16xf32>,
      %broadcast_in_dim3A_392 = arith.constant 14 : i32
      %broadcast_in_dim3A_393 = vector.broadcast %broadcast_in_dim3A_392 : i32 to vector<16xi32>
      tpu.vector_store_idx %arg39[%iota3A_272, %broadcast_in_dim3A_393], %gather3A_362 : memref<400x64xf32, #tpu.memory_space<vmem>>[vector<16xi32>, vector<16xi32>], vector<16xf32>,
      %broadcast_in_dim3A_394 = arith.constant 30 : i32
      %broadcast_in_dim3A_395 = vector.broadcast %broadcast_in_dim3A_394 : i32 to vector<16xi32>
      tpu.vector_store_idx %arg39[%iota3A_272, %broadcast_in_dim3A_395], %gather3A_363 : memref<400x64xf32, #tpu.memory_space<vmem>>[vector<16xi32>, vector<16xi32>], vector<16xf32>,
      %broadcast_in_dim3A_396 = arith.constant 15 : i32
      %broadcast_in_dim3A_397 = vector.broadcast %broadcast_in_dim3A_396 : i32 to vector<16xi32>
      tpu.vector_store_idx %arg39[%iota3A_272, %broadcast_in_dim3A_397], %gather3A_366 : memref<400x64xf32, #tpu.memory_space<vmem>>[vector<16xi32>, vector<16xi32>], vector<16xf32>,
      %broadcast_in_dim3A_398 = arith.constant 31 : i32
      %broadcast_in_dim3A_399 = vector.broadcast %broadcast_in_dim3A_398 : i32 to vector<16xi32>
      tpu.vector_store_idx %arg39[%iota3A_272, %broadcast_in_dim3A_399], %gather3A_367 : memref<400x64xf32, #tpu.memory_space<vmem>>[vector<16xi32>, vector<16xi32>], vector<16xf32>,
      %broadcast_in_dim3A_400 = arith.constant 0 : i32
      %broadcast_in_dim3A_401 = vector.broadcast %broadcast_in_dim3A_400 : i32 to vector<16xi32>
      %gather3A_402 = tpu.vector_load_idx %arg34[%add3A_267, %broadcast_in_dim3A_401] : memref<3x9xf32, #tpu.memory_space<vmem>>[vector<16xi32>, vector<16xi32>], vector<16xf32>,
      %gather3A_403 = tpu.vector_load_idx %arg35[%sub3A_271, %broadcast_in_dim3A_401] : memref<3x9xf32, #tpu.memory_space<vmem>>[vector<16xi32>, vector<16xi32>], vector<16xf32>,
      %broadcast_in_dim3A_404 = arith.constant 1 : i32
      %broadcast_in_dim3A_405 = vector.broadcast %broadcast_in_dim3A_404 : i32 to vector<16xi32>
      %gather3A_406 = tpu.vector_load_idx %arg34[%add3A_267, %broadcast_in_dim3A_405] : memref<3x9xf32, #tpu.memory_space<vmem>>[vector<16xi32>, vector<16xi32>], vector<16xf32>,
      %gather3A_407 = tpu.vector_load_idx %arg35[%sub3A_271, %broadcast_in_dim3A_405] : memref<3x9xf32, #tpu.memory_space<vmem>>[vector<16xi32>, vector<16xi32>], vector<16xf32>,
      %broadcast_in_dim3A_408 = arith.constant 2 : i32
      %broadcast_in_dim3A_409 = vector.broadcast %broadcast_in_dim3A_408 : i32 to vector<16xi32>
      %gather3A_410 = tpu.vector_load_idx %arg34[%add3A_267, %broadcast_in_dim3A_409] : memref<3x9xf32, #tpu.memory_space<vmem>>[vector<16xi32>, vector<16xi32>], vector<16xf32>,
      %gather3A_411 = tpu.vector_load_idx %arg35[%sub3A_271, %broadcast_in_dim3A_409] : memref<3x9xf32, #tpu.memory_space<vmem>>[vector<16xi32>, vector<16xi32>], vector<16xf32>,
      %broadcast_in_dim3A_412 = arith.constant 3 : i32
      %broadcast_in_dim3A_413 = vector.broadcast %broadcast_in_dim3A_412 : i32 to vector<16xi32>
      %gather3A_414 = tpu.vector_load_idx %arg34[%add3A_267, %broadcast_in_dim3A_413] : memref<3x9xf32, #tpu.memory_space<vmem>>[vector<16xi32>, vector<16xi32>], vector<16xf32>,
      %gather3A_415 = tpu.vector_load_idx %arg35[%sub3A_271, %broadcast_in_dim3A_413] : memref<3x9xf32, #tpu.memory_space<vmem>>[vector<16xi32>, vector<16xi32>], vector<16xf32>,
      %broadcast_in_dim3A_416 = arith.constant 4 : i32
      %broadcast_in_dim3A_417 = vector.broadcast %broadcast_in_dim3A_416 : i32 to vector<16xi32>
      %gather3A_418 = tpu.vector_load_idx %arg34[%add3A_267, %broadcast_in_dim3A_417] : memref<3x9xf32, #tpu.memory_space<vmem>>[vector<16xi32>, vector<16xi32>], vector<16xf32>,
      %gather3A_419 = tpu.vector_load_idx %arg35[%sub3A_271, %broadcast_in_dim3A_417] : memref<3x9xf32, #tpu.memory_space<vmem>>[vector<16xi32>, vector<16xi32>], vector<16xf32>,
      %broadcast_in_dim3A_420 = arith.constant 5 : i32
      %broadcast_in_dim3A_421 = vector.broadcast %broadcast_in_dim3A_420 : i32 to vector<16xi32>
      %gather3A_422 = tpu.vector_load_idx %arg34[%add3A_267, %broadcast_in_dim3A_421] : memref<3x9xf32, #tpu.memory_space<vmem>>[vector<16xi32>, vector<16xi32>], vector<16xf32>,
      %gather3A_423 = tpu.vector_load_idx %arg35[%sub3A_271, %broadcast_in_dim3A_421] : memref<3x9xf32, #tpu.memory_space<vmem>>[vector<16xi32>, vector<16xi32>], vector<16xf32>,
      %broadcast_in_dim3A_424 = arith.constant 6 : i32
      %broadcast_in_dim3A_425 = vector.broadcast %broadcast_in_dim3A_424 : i32 to vector<16xi32>
      %gather3A_426 = tpu.vector_load_idx %arg34[%add3A_267, %broadcast_in_dim3A_425] : memref<3x9xf32, #tpu.memory_space<vmem>>[vector<16xi32>, vector<16xi32>], vector<16xf32>,
      %gather3A_427 = tpu.vector_load_idx %arg35[%sub3A_271, %broadcast_in_dim3A_425] : memref<3x9xf32, #tpu.memory_space<vmem>>[vector<16xi32>, vector<16xi32>], vector<16xf32>,
      %broadcast_in_dim3A_428 = arith.constant 7 : i32
      %broadcast_in_dim3A_429 = vector.broadcast %broadcast_in_dim3A_428 : i32 to vector<16xi32>
      %gather3A_430 = tpu.vector_load_idx %arg34[%add3A_267, %broadcast_in_dim3A_429] : memref<3x9xf32, #tpu.memory_space<vmem>>[vector<16xi32>, vector<16xi32>], vector<16xf32>,
      %gather3A_431 = tpu.vector_load_idx %arg35[%sub3A_271, %broadcast_in_dim3A_429] : memref<3x9xf32, #tpu.memory_space<vmem>>[vector<16xi32>, vector<16xi32>], vector<16xf32>,
      %broadcast_in_dim3A_432 = arith.constant 32 : i32
      %broadcast_in_dim3A_433 = vector.broadcast %broadcast_in_dim3A_432 : i32 to vector<16xi32>
      tpu.vector_store_idx %arg39[%iota3A_272, %broadcast_in_dim3A_433], %gather3A_402 : memref<400x64xf32, #tpu.memory_space<vmem>>[vector<16xi32>, vector<16xi32>], vector<16xf32>,
      %broadcast_in_dim3A_434 = arith.constant 40 : i32
      %broadcast_in_dim3A_435 = vector.broadcast %broadcast_in_dim3A_434 : i32 to vector<16xi32>
      tpu.vector_store_idx %arg39[%iota3A_272, %broadcast_in_dim3A_435], %gather3A_403 : memref<400x64xf32, #tpu.memory_space<vmem>>[vector<16xi32>, vector<16xi32>], vector<16xf32>,
      %broadcast_in_dim3A_436 = arith.constant 33 : i32
      %broadcast_in_dim3A_437 = vector.broadcast %broadcast_in_dim3A_436 : i32 to vector<16xi32>
      tpu.vector_store_idx %arg39[%iota3A_272, %broadcast_in_dim3A_437], %gather3A_406 : memref<400x64xf32, #tpu.memory_space<vmem>>[vector<16xi32>, vector<16xi32>], vector<16xf32>,
      %broadcast_in_dim3A_438 = arith.constant 41 : i32
      %broadcast_in_dim3A_439 = vector.broadcast %broadcast_in_dim3A_438 : i32 to vector<16xi32>
      tpu.vector_store_idx %arg39[%iota3A_272, %broadcast_in_dim3A_439], %gather3A_407 : memref<400x64xf32, #tpu.memory_space<vmem>>[vector<16xi32>, vector<16xi32>], vector<16xf32>,
      %broadcast_in_dim3A_440 = arith.constant 34 : i32
      %broadcast_in_dim3A_441 = vector.broadcast %broadcast_in_dim3A_440 : i32 to vector<16xi32>
      tpu.vector_store_idx %arg39[%iota3A_272, %broadcast_in_dim3A_441], %gather3A_410 : memref<400x64xf32, #tpu.memory_space<vmem>>[vector<16xi32>, vector<16xi32>], vector<16xf32>,
      %broadcast_in_dim3A_442 = arith.constant 42 : i32
      %broadcast_in_dim3A_443 = vector.broadcast %broadcast_in_dim3A_442 : i32 to vector<16xi32>
      tpu.vector_store_idx %arg39[%iota3A_272, %broadcast_in_dim3A_443], %gather3A_411 : memref<400x64xf32, #tpu.memory_space<vmem>>[vector<16xi32>, vector<16xi32>], vector<16xf32>,
      %broadcast_in_dim3A_444 = arith.constant 35 : i32
      %broadcast_in_dim3A_445 = vector.broadcast %broadcast_in_dim3A_444 : i32 to vector<16xi32>
      tpu.vector_store_idx %arg39[%iota3A_272, %broadcast_in_dim3A_445], %gather3A_414 : memref<400x64xf32, #tpu.memory_space<vmem>>[vector<16xi32>, vector<16xi32>], vector<16xf32>,
      %broadcast_in_dim3A_446 = arith.constant 43 : i32
      %broadcast_in_dim3A_447 = vector.broadcast %broadcast_in_dim3A_446 : i32 to vector<16xi32>
      tpu.vector_store_idx %arg39[%iota3A_272, %broadcast_in_dim3A_447], %gather3A_415 : memref<400x64xf32, #tpu.memory_space<vmem>>[vector<16xi32>, vector<16xi32>], vector<16xf32>,
      %broadcast_in_dim3A_448 = arith.constant 36 : i32
      %broadcast_in_dim3A_449 = vector.broadcast %broadcast_in_dim3A_448 : i32 to vector<16xi32>
      tpu.vector_store_idx %arg39[%iota3A_272, %broadcast_in_dim3A_449], %gather3A_418 : memref<400x64xf32, #tpu.memory_space<vmem>>[vector<16xi32>, vector<16xi32>], vector<16xf32>,
      %broadcast_in_dim3A_450 = arith.constant 44 : i32
      %broadcast_in_dim3A_451 = vector.broadcast %broadcast_in_dim3A_450 : i32 to vector<16xi32>
      tpu.vector_store_idx %arg39[%iota3A_272, %broadcast_in_dim3A_451], %gather3A_419 : memref<400x64xf32, #tpu.memory_space<vmem>>[vector<16xi32>, vector<16xi32>], vector<16xf32>,
      %broadcast_in_dim3A_452 = arith.constant 37 : i32
      %broadcast_in_dim3A_453 = vector.broadcast %broadcast_in_dim3A_452 : i32 to vector<16xi32>
      tpu.vector_store_idx %arg39[%iota3A_272, %broadcast_in_dim3A_453], %gather3A_422 : memref<400x64xf32, #tpu.memory_space<vmem>>[vector<16xi32>, vector<16xi32>], vector<16xf32>,
      %broadcast_in_dim3A_454 = arith.constant 45 : i32
      %broadcast_in_dim3A_455 = vector.broadcast %broadcast_in_dim3A_454 : i32 to vector<16xi32>
      tpu.vector_store_idx %arg39[%iota3A_272, %broadcast_in_dim3A_455], %gather3A_423 : memref<400x64xf32, #tpu.memory_space<vmem>>[vector<16xi32>, vector<16xi32>], vector<16xf32>,
      %broadcast_in_dim3A_456 = arith.constant 38 : i32
      %broadcast_in_dim3A_457 = vector.broadcast %broadcast_in_dim3A_456 : i32 to vector<16xi32>
      tpu.vector_store_idx %arg39[%iota3A_272, %broadcast_in_dim3A_457], %gather3A_426 : memref<400x64xf32, #tpu.memory_space<vmem>>[vector<16xi32>, vector<16xi32>], vector<16xf32>,
      %broadcast_in_dim3A_458 = arith.constant 46 : i32
      %broadcast_in_dim3A_459 = vector.broadcast %broadcast_in_dim3A_458 : i32 to vector<16xi32>
      tpu.vector_store_idx %arg39[%iota3A_272, %broadcast_in_dim3A_459], %gather3A_427 : memref<400x64xf32, #tpu.memory_space<vmem>>[vector<16xi32>, vector<16xi32>], vector<16xf32>,
      %broadcast_in_dim3A_460 = arith.constant 39 : i32
      %broadcast_in_dim3A_461 = vector.broadcast %broadcast_in_dim3A_460 : i32 to vector<16xi32>
      tpu.vector_store_idx %arg39[%iota3A_272, %broadcast_in_dim3A_461], %gather3A_430 : memref<400x64xf32, #tpu.memory_space<vmem>>[vector<16xi32>, vector<16xi32>], vector<16xf32>,
      %broadcast_in_dim3A_462 = arith.constant 47 : i32
      %broadcast_in_dim3A_463 = vector.broadcast %broadcast_in_dim3A_462 : i32 to vector<16xi32>
      tpu.vector_store_idx %arg39[%iota3A_272, %broadcast_in_dim3A_463], %gather3A_431 : memref<400x64xf32, #tpu.memory_space<vmem>>[vector<16xi32>, vector<16xi32>], vector<16xf32>,
      "tpu.region"() ({
        %run_scoped3A = tpu.sem_alloc : memref<!tpu.dma_semaphore, #tpu.memory_space<semaphore_mem>>
        %dma_start3A_464 = arith.constant 0 : i32
        %dma_start3A_465 = arith.constant 0 : i32
        %dma_start3A_466 = tpu.memref_slice %arg39[%dma_start3A_464, %dma_start3A_465] : memref<400x64xf32, #tpu.memory_space<vmem>> -> memref<16x64xf32, #tpu.memory_space<vmem>>
        %dma_start3A_467 = arith.constant 0 : i32
        %dma_start3A_468 = tpu.memref_slice %arg41[%mul3A_156, %dma_start3A_467] : memref<1024x64xf32, #tpu.memory_space<vmem_shared>> -> memref<16x64xf32, #tpu.memory_space<vmem_shared>>
        %dma_start3A_469 = arith.constant 0 : i32
        %dma_start3A_470 = tpu.memref_slice %arg41[%mul3A_156, %dma_start3A_469] : memref<1024x64xf32, #tpu.memory_space<vmem_shared>> -> memref<16x64xf32, #tpu.memory_space<vmem_shared>>
        %dma_start3A_471 = arith.constant 0 : i32
        %dma_start3A_472 = arith.constant 0 : i32
        %dma_start3A_473 = tpu.memref_slice %arg39[%dma_start3A_471, %dma_start3A_472] : memref<400x64xf32, #tpu.memory_space<vmem>> -> memref<16x64xf32, #tpu.memory_space<vmem>>
        tpu.enqueue_dma source(%dma_start3A_473 : memref<16x64xf32, #tpu.memory_space<vmem>>) target(%dma_start3A_470 : memref<16x64xf32, #tpu.memory_space<vmem_shared>>) target_semaphore(%run_scoped3A : memref<!tpu.dma_semaphore, #tpu.memory_space<semaphore_mem>>)
        %dma_wait3A_474 = arith.constant 0 : i32
        %dma_wait3A_475 = arith.constant 0 : i32
        %dma_wait3A_476 = tpu.memref_slice %arg39[%dma_wait3A_474, %dma_wait3A_475] : memref<400x64xf32, #tpu.memory_space<vmem>> -> memref<16x64xf32, #tpu.memory_space<vmem>>
        %dma_wait3A_477 = arith.constant 0 : i32
        %dma_wait3A_478 = tpu.memref_slice %arg41[%mul3A_156, %dma_wait3A_477] : memref<1024x64xf32, #tpu.memory_space<vmem_shared>> -> memref<16x64xf32, #tpu.memory_space<vmem_shared>>
        %dma_wait3A_479 = arith.constant 0 : i32
        %dma_wait3A_480 = tpu.memref_slice %arg41[%mul3A_156, %dma_wait3A_479] : memref<1024x64xf32, #tpu.memory_space<vmem_shared>> -> memref<16x64xf32, #tpu.memory_space<vmem_shared>>
        %dma_wait3A_481 = arith.constant 0 : i32
        %dma_wait3A_482 = arith.constant 0 : i32
        %dma_wait3A_483 = tpu.memref_slice %arg39[%dma_wait3A_481, %dma_wait3A_482] : memref<400x64xf32, #tpu.memory_space<vmem>> -> memref<16x64xf32, #tpu.memory_space<vmem>>
        tpu.wait_dma2 semaphore(%run_scoped3A : memref<!tpu.dma_semaphore, #tpu.memory_space<semaphore_mem>>) src(%dma_wait3A_483 : memref<16x64xf32, #tpu.memory_space<vmem>>) dst(%dma_wait3A_480 : memref<16x64xf32, #tpu.memory_space<vmem_shared>>)
        tpu.yield
      }) : () -> ()
    }
    %scan3A_71 = arith.constant 4 : i32
    %barrier3A = arith.constant 0 : index
    tpu.barrier barrier_id(%barrier3A)
    %iota3A_72 = tpu.iota {dimensions = array<i32: 0>} : vector<16xi32>
    %lt3A = arith.constant 8 : i32
    %lt3A_73 = vector.broadcast %lt3A : i32 to vector<16xi32>
    %lt3A_74 = arith.cmpi slt, %iota3A_72, %lt3A_73 : vector<16xi32>
    %iota3A_75 = tpu.iota {dimensions = array<i32: 0>} : vector<16xi32>
    %add3A_76 = arith.constant 48 : i32
    %add3A_77 = vector.broadcast %add3A_76 : i32 to vector<16xi32>
    %add3A_78 = arith.addi %iota3A_75, %add3A_77 : vector<16xi32>
    %add3A_79 = arith.constant 0 : i32
    %add3A_80 = arith.addi %mul3A_2, %add3A_79 : i32
    %dma_start3A = tpu.memref_slice %arg2[%add3A_80] : memref<819200xi32, #tpu.memory_space<hbm>> -> memref<400xi32, #tpu.memory_space<hbm>>
    %dma_start3A_81 = tpu.memref_slice %arg2[%add3A_80] : memref<819200xi32, #tpu.memory_space<hbm>> -> memref<400xi32, #tpu.memory_space<hbm>>
    tpu.enqueue_dma source(%dma_start3A_81 : memref<400xi32, #tpu.memory_space<hbm>>) target(%arg16 : memref<400xi32, #tpu.memory_space<vmem>>) target_semaphore(%arg42 : memref<!tpu.dma_semaphore, #tpu.memory_space<semaphore_mem>>)
    %dma_start3A_82 = tpu.memref_slice %arg3[%add3A_80] : memref<819200xi32, #tpu.memory_space<hbm>> -> memref<400xi32, #tpu.memory_space<hbm>>
    %dma_start3A_83 = tpu.memref_slice %arg3[%add3A_80] : memref<819200xi32, #tpu.memory_space<hbm>> -> memref<400xi32, #tpu.memory_space<hbm>>
    tpu.enqueue_dma source(%dma_start3A_83 : memref<400xi32, #tpu.memory_space<hbm>>) target(%arg18 : memref<400xi32, #tpu.memory_space<vmem>>) target_semaphore(%arg42 : memref<!tpu.dma_semaphore, #tpu.memory_space<semaphore_mem>>)
    %dma_start3A_84 = tpu.memref_slice %arg4[%add3A_80] : memref<819200xi32, #tpu.memory_space<hbm>> -> memref<400xi32, #tpu.memory_space<hbm>>
    %dma_start3A_85 = tpu.memref_slice %arg4[%add3A_80] : memref<819200xi32, #tpu.memory_space<hbm>> -> memref<400xi32, #tpu.memory_space<hbm>>
    tpu.enqueue_dma source(%dma_start3A_85 : memref<400xi32, #tpu.memory_space<hbm>>) target(%arg20 : memref<400xi32, #tpu.memory_space<vmem>>) target_semaphore(%arg42 : memref<!tpu.dma_semaphore, #tpu.memory_space<semaphore_mem>>)
    %dma_start3A_86 = tpu.memref_slice %arg5[%add3A_80] : memref<819200xi32, #tpu.memory_space<hbm>> -> memref<400xi32, #tpu.memory_space<hbm>>
    %dma_start3A_87 = tpu.memref_slice %arg5[%add3A_80] : memref<819200xi32, #tpu.memory_space<hbm>> -> memref<400xi32, #tpu.memory_space<hbm>>
    tpu.enqueue_dma source(%dma_start3A_87 : memref<400xi32, #tpu.memory_space<hbm>>) target(%arg22 : memref<400xi32, #tpu.memory_space<vmem>>) target_semaphore(%arg42 : memref<!tpu.dma_semaphore, #tpu.memory_space<semaphore_mem>>)
    %dma_start3A_88 = tpu.memref_slice %arg6[%add3A_80] : memref<819200xi32, #tpu.memory_space<hbm>> -> memref<400xi32, #tpu.memory_space<hbm>>
    %dma_start3A_89 = tpu.memref_slice %arg6[%add3A_80] : memref<819200xi32, #tpu.memory_space<hbm>> -> memref<400xi32, #tpu.memory_space<hbm>>
    tpu.enqueue_dma source(%dma_start3A_89 : memref<400xi32, #tpu.memory_space<hbm>>) target(%arg24 : memref<400xi32, #tpu.memory_space<vmem>>) target_semaphore(%arg42 : memref<!tpu.dma_semaphore, #tpu.memory_space<semaphore_mem>>)
    %dma_start3A_90 = tpu.memref_slice %arg7[%add3A_80] : memref<819200xf32, #tpu.memory_space<hbm>> -> memref<400xf32, #tpu.memory_space<hbm>>
    %dma_start3A_91 = tpu.memref_slice %arg7[%add3A_80] : memref<819200xf32, #tpu.memory_space<hbm>> -> memref<400xf32, #tpu.memory_space<hbm>>
    tpu.enqueue_dma source(%dma_start3A_91 : memref<400xf32, #tpu.memory_space<hbm>>) target(%arg26 : memref<400xf32, #tpu.memory_space<vmem>>) target_semaphore(%arg42 : memref<!tpu.dma_semaphore, #tpu.memory_space<semaphore_mem>>)
    %dma_start3A_92 = tpu.memref_slice %arg8[%add3A_80] : memref<819200xf32, #tpu.memory_space<hbm>> -> memref<400xf32, #tpu.memory_space<hbm>>
    %dma_start3A_93 = tpu.memref_slice %arg8[%add3A_80] : memref<819200xf32, #tpu.memory_space<hbm>> -> memref<400xf32, #tpu.memory_space<hbm>>
    tpu.enqueue_dma source(%dma_start3A_93 : memref<400xf32, #tpu.memory_space<hbm>>) target(%arg28 : memref<400xf32, #tpu.memory_space<vmem>>) target_semaphore(%arg42 : memref<!tpu.dma_semaphore, #tpu.memory_space<semaphore_mem>>)
    %add3A_94 = arith.constant 0 : i32
    %add3A_95 = arith.addi %mul3A_2, %add3A_94 : i32
    %dma_wait3A = tpu.memref_slice %arg2[%add3A_95] : memref<819200xi32, #tpu.memory_space<hbm>> -> memref<400xi32, #tpu.memory_space<hbm>>
    %dma_wait3A_96 = tpu.memref_slice %arg2[%add3A_95] : memref<819200xi32, #tpu.memory_space<hbm>> -> memref<400xi32, #tpu.memory_space<hbm>>
    tpu.wait_dma2 semaphore(%arg42 : memref<!tpu.dma_semaphore, #tpu.memory_space<semaphore_mem>>) src(%dma_wait3A_96 : memref<400xi32, #tpu.memory_space<hbm>>) dst(%arg16 : memref<400xi32, #tpu.memory_space<vmem>>)
    %dma_wait3A_97 = tpu.memref_slice %arg3[%add3A_95] : memref<819200xi32, #tpu.memory_space<hbm>> -> memref<400xi32, #tpu.memory_space<hbm>>
    %dma_wait3A_98 = tpu.memref_slice %arg3[%add3A_95] : memref<819200xi32, #tpu.memory_space<hbm>> -> memref<400xi32, #tpu.memory_space<hbm>>
    tpu.wait_dma2 semaphore(%arg42 : memref<!tpu.dma_semaphore, #tpu.memory_space<semaphore_mem>>) src(%dma_wait3A_98 : memref<400xi32, #tpu.memory_space<hbm>>) dst(%arg18 : memref<400xi32, #tpu.memory_space<vmem>>)
    %dma_wait3A_99 = tpu.memref_slice %arg4[%add3A_95] : memref<819200xi32, #tpu.memory_space<hbm>> -> memref<400xi32, #tpu.memory_space<hbm>>
    %dma_wait3A_100 = tpu.memref_slice %arg4[%add3A_95] : memref<819200xi32, #tpu.memory_space<hbm>> -> memref<400xi32, #tpu.memory_space<hbm>>
    tpu.wait_dma2 semaphore(%arg42 : memref<!tpu.dma_semaphore, #tpu.memory_space<semaphore_mem>>) src(%dma_wait3A_100 : memref<400xi32, #tpu.memory_space<hbm>>) dst(%arg20 : memref<400xi32, #tpu.memory_space<vmem>>)
    %dma_wait3A_101 = tpu.memref_slice %arg5[%add3A_95] : memref<819200xi32, #tpu.memory_space<hbm>> -> memref<400xi32, #tpu.memory_space<hbm>>
    %dma_wait3A_102 = tpu.memref_slice %arg5[%add3A_95] : memref<819200xi32, #tpu.memory_space<hbm>> -> memref<400xi32, #tpu.memory_space<hbm>>
    tpu.wait_dma2 semaphore(%arg42 : memref<!tpu.dma_semaphore, #tpu.memory_space<semaphore_mem>>) src(%dma_wait3A_102 : memref<400xi32, #tpu.memory_space<hbm>>) dst(%arg22 : memref<400xi32, #tpu.memory_space<vmem>>)
    %dma_wait3A_103 = tpu.memref_slice %arg6[%add3A_95] : memref<819200xi32, #tpu.memory_space<hbm>> -> memref<400xi32, #tpu.memory_space<hbm>>
    %dma_wait3A_104 = tpu.memref_slice %arg6[%add3A_95] : memref<819200xi32, #tpu.memory_space<hbm>> -> memref<400xi32, #tpu.memory_space<hbm>>
    tpu.wait_dma2 semaphore(%arg42 : memref<!tpu.dma_semaphore, #tpu.memory_space<semaphore_mem>>) src(%dma_wait3A_104 : memref<400xi32, #tpu.memory_space<hbm>>) dst(%arg24 : memref<400xi32, #tpu.memory_space<vmem>>)
    %dma_wait3A_105 = tpu.memref_slice %arg7[%add3A_95] : memref<819200xf32, #tpu.memory_space<hbm>> -> memref<400xf32, #tpu.memory_space<hbm>>
    %dma_wait3A_106 = tpu.memref_slice %arg7[%add3A_95] : memref<819200xf32, #tpu.memory_space<hbm>> -> memref<400xf32, #tpu.memory_space<hbm>>
    tpu.wait_dma2 semaphore(%arg42 : memref<!tpu.dma_semaphore, #tpu.memory_space<semaphore_mem>>) src(%dma_wait3A_106 : memref<400xf32, #tpu.memory_space<hbm>>) dst(%arg26 : memref<400xf32, #tpu.memory_space<vmem>>)
    %dma_wait3A_107 = tpu.memref_slice %arg8[%add3A_95] : memref<819200xf32, #tpu.memory_space<hbm>> -> memref<400xf32, #tpu.memory_space<hbm>>
    %dma_wait3A_108 = tpu.memref_slice %arg8[%add3A_95] : memref<819200xf32, #tpu.memory_space<hbm>> -> memref<400xf32, #tpu.memory_space<hbm>>
    tpu.wait_dma2 semaphore(%arg42 : memref<!tpu.dma_semaphore, #tpu.memory_space<semaphore_mem>>) src(%dma_wait3A_108 : memref<400xf32, #tpu.memory_space<hbm>>) dst(%arg28 : memref<400xf32, #tpu.memory_space<vmem>>)
    %dma_start3A_109 = arith.constant 0 : i32
    %dma_start3A_110 = arith.constant 0 : i32
    %dma_start3A_111 = tpu.memref_slice %arg9[%dma_start3A_109, %dma_start3A_110] : memref<100001x64xf32, #tpu.memory_space<hbm>> -> memref<100001x64xf32, #tpu.memory_space<hbm>>
    tpu.enqueue_indirect_dma source(%dma_start3A_111 : memref<100001x64xf32, #tpu.memory_space<hbm>>) target(%arg37 : memref<400x64xf32, #tpu.memory_space<vmem>>) offsets(%arg16 : memref<400xi32, #tpu.memory_space<vmem>>) semaphore(%arg44 : memref<!tpu.dma_semaphore, #tpu.memory_space<semaphore_mem>>)
    %scan3A_112 = arith.constant 0 : i32
    %scan3A_113 = arith.constant 0 : i32
    %scan3A_114 = arith.constant 25 : i32
    %scan3A_115 = arith.addi %scan3A_113, %scan3A_114 : i32
    %scan3A_116 = arith.constant 1 : i32
    scf.for %scan3A_151 = %scan3A_113 to %scan3A_115 step %scan3A_116  : i32 {
      %mul3A_152 = arith.constant 16 : i32
      %mul3A_153 = arith.muli %scan3A_151, %mul3A_152 : i32
      %get3A_154 = arith.index_cast %mul3A_153 : i32 to index
      %get3A_155 = tpu.vector_load %arg18[%get3A_154] {strides = array<i32>} : memref<400xi32, #tpu.memory_space<vmem>>, vector<16xi32>,
      %get3A_156 = arith.index_cast %mul3A_153 : i32 to index
      %get3A_157 = tpu.vector_load %arg20[%get3A_156] {strides = array<i32>} : memref<400xi32, #tpu.memory_space<vmem>>, vector<16xi32>,
      %get3A_158 = arith.index_cast %mul3A_153 : i32 to index
      %get3A_159 = tpu.vector_load %arg22[%get3A_158] {strides = array<i32>} : memref<400xi32, #tpu.memory_space<vmem>>, vector<16xi32>,
      %get3A_160 = arith.index_cast %mul3A_153 : i32 to index
      %get3A_161 = tpu.vector_load %arg24[%get3A_160] {strides = array<i32>} : memref<400xi32, #tpu.memory_space<vmem>>, vector<16xi32>,
      %mul3A_162 = arith.constant 72 : i32
      %mul3A_163 = vector.broadcast %mul3A_162 : i32 to vector<16xi32>
      %mul3A_164 = arith.muli %get3A_155, %mul3A_163 : vector<16xi32>
      %mul3A_165 = arith.constant 9 : i32
      %mul3A_166 = vector.broadcast %mul3A_165 : i32 to vector<16xi32>
      %mul3A_167 = arith.muli %get3A_157, %mul3A_166 : vector<16xi32>
      %add3A_168 = arith.addi %mul3A_164, %mul3A_167 : vector<16xi32>
      %mul3A_169 = arith.constant 3 : i32
      %mul3A_170 = vector.broadcast %mul3A_169 : i32 to vector<16xi32>
      %mul3A_171 = arith.muli %get3A_159, %mul3A_170 : vector<16xi32>
      %add3A_172 = arith.addi %add3A_168, %mul3A_171 : vector<16xi32>
      %add3A_173 = arith.addi %add3A_172, %get3A_161 : vector<16xi32>
      %swap3A = arith.index_cast %mul3A_153 : i32 to index
      %swap3A_174 = tpu.vector_load %arg30[%swap3A] {strides = array<i32>} : memref<400xi32, #tpu.memory_space<vmem>>, vector<16xi32>,
      tpu.vector_store %arg30[%swap3A], %add3A_173 {strides = array<i32>} : memref<400xi32, #tpu.memory_space<vmem>>, vector<16xi32>,
    }
    %scan3A_117 = arith.constant 25 : i32
    %dma_start3A_118 = arith.constant 0 : i32
    %dma_start3A_119 = arith.constant 0 : i32
    %dma_start3A_120 = tpu.memref_slice %arg41[%dma_start3A_118, %dma_start3A_119] : memref<1024x64xf32, #tpu.memory_space<vmem_shared>> -> memref<1024x64xf32, #tpu.memory_space<vmem_shared>>
    tpu.enqueue_indirect_dma source(%dma_start3A_120 : memref<1024x64xf32, #tpu.memory_space<vmem_shared>>) target(%arg39 : memref<400x64xf32, #tpu.memory_space<vmem>>) offsets(%arg30 : memref<400xi32, #tpu.memory_space<vmem>>) semaphore(%arg46 : memref<!tpu.dma_semaphore, #tpu.memory_space<semaphore_mem>>)
    %scan3A_121 = arith.constant 0 : i32
    %scan3A_122 = arith.constant 0 : i32
    %scan3A_123 = arith.constant 32 : i32
    %scan3A_124 = arith.addi %scan3A_122, %scan3A_123 : i32
    %scan3A_125 = arith.constant 1 : i32
    scf.for %scan3A_151 = %scan3A_122 to %scan3A_124 step %scan3A_125  : i32 {
      %mul3A_152 = arith.constant 2 : i32
      %mul3A_153 = arith.muli %mul3A_152, %scan3A_151 : i32
      %add3A_154 = arith.constant 0 : i32
      %add3A_155 = arith.addi %mul3A_153, %add3A_154 : i32
      %add3A_156 = arith.constant 1 : i32
      %add3A_157 = arith.addi %add3A_155, %add3A_156 : i32
      %lt3A_158 = arith.constant 64 : i32
      %lt3A_159 = arith.cmpi slt, %add3A_157, %lt3A_158 : i32
      %convert_element_type3A = arith.extui %lt3A_159 : i1 to i32
      %cond3A = arith.constant 0 : i32
      %cond3A_160 = arith.cmpi ne, %convert_element_type3A, %cond3A : i32
      scf.if %cond3A_160 {
        %add3A_236 = arith.constant 1 : i32
        %add3A_237 = arith.addi %add3A_155, %add3A_236 : i32
        %mul3A_238 = arith.constant 400 : i32
        %mul3A_239 = arith.muli %add3A_237, %mul3A_238 : i32
        %add3A_240 = arith.addi %mul3A_2, %mul3A_239 : i32
        %dma_start3A_241 = tpu.memref_slice %arg2[%add3A_240] : memref<819200xi32, #tpu.memory_space<hbm>> -> memref<400xi32, #tpu.memory_space<hbm>>
        %dma_start3A_242 = tpu.memref_slice %arg2[%add3A_240] : memref<819200xi32, #tpu.memory_space<hbm>> -> memref<400xi32, #tpu.memory_space<hbm>>
        tpu.enqueue_dma source(%dma_start3A_242 : memref<400xi32, #tpu.memory_space<hbm>>) target(%arg17 : memref<400xi32, #tpu.memory_space<vmem>>) target_semaphore(%arg43 : memref<!tpu.dma_semaphore, #tpu.memory_space<semaphore_mem>>)
        %dma_start3A_243 = tpu.memref_slice %arg3[%add3A_240] : memref<819200xi32, #tpu.memory_space<hbm>> -> memref<400xi32, #tpu.memory_space<hbm>>
        %dma_start3A_244 = tpu.memref_slice %arg3[%add3A_240] : memref<819200xi32, #tpu.memory_space<hbm>> -> memref<400xi32, #tpu.memory_space<hbm>>
        tpu.enqueue_dma source(%dma_start3A_244 : memref<400xi32, #tpu.memory_space<hbm>>) target(%arg19 : memref<400xi32, #tpu.memory_space<vmem>>) target_semaphore(%arg43 : memref<!tpu.dma_semaphore, #tpu.memory_space<semaphore_mem>>)
        %dma_start3A_245 = tpu.memref_slice %arg4[%add3A_240] : memref<819200xi32, #tpu.memory_space<hbm>> -> memref<400xi32, #tpu.memory_space<hbm>>
        %dma_start3A_246 = tpu.memref_slice %arg4[%add3A_240] : memref<819200xi32, #tpu.memory_space<hbm>> -> memref<400xi32, #tpu.memory_space<hbm>>
        tpu.enqueue_dma source(%dma_start3A_246 : memref<400xi32, #tpu.memory_space<hbm>>) target(%arg21 : memref<400xi32, #tpu.memory_space<vmem>>) target_semaphore(%arg43 : memref<!tpu.dma_semaphore, #tpu.memory_space<semaphore_mem>>)
        %dma_start3A_247 = tpu.memref_slice %arg5[%add3A_240] : memref<819200xi32, #tpu.memory_space<hbm>> -> memref<400xi32, #tpu.memory_space<hbm>>
        %dma_start3A_248 = tpu.memref_slice %arg5[%add3A_240] : memref<819200xi32, #tpu.memory_space<hbm>> -> memref<400xi32, #tpu.memory_space<hbm>>
        tpu.enqueue_dma source(%dma_start3A_248 : memref<400xi32, #tpu.memory_space<hbm>>) target(%arg23 : memref<400xi32, #tpu.memory_space<vmem>>) target_semaphore(%arg43 : memref<!tpu.dma_semaphore, #tpu.memory_space<semaphore_mem>>)
        %dma_start3A_249 = tpu.memref_slice %arg6[%add3A_240] : memref<819200xi32, #tpu.memory_space<hbm>> -> memref<400xi32, #tpu.memory_space<hbm>>
        %dma_start3A_250 = tpu.memref_slice %arg6[%add3A_240] : memref<819200xi32, #tpu.memory_space<hbm>> -> memref<400xi32, #tpu.memory_space<hbm>>
        tpu.enqueue_dma source(%dma_start3A_250 : memref<400xi32, #tpu.memory_space<hbm>>) target(%arg25 : memref<400xi32, #tpu.memory_space<vmem>>) target_semaphore(%arg43 : memref<!tpu.dma_semaphore, #tpu.memory_space<semaphore_mem>>)
        %dma_start3A_251 = tpu.memref_slice %arg7[%add3A_240] : memref<819200xf32, #tpu.memory_space<hbm>> -> memref<400xf32, #tpu.memory_space<hbm>>
        %dma_start3A_252 = tpu.memref_slice %arg7[%add3A_240] : memref<819200xf32, #tpu.memory_space<hbm>> -> memref<400xf32, #tpu.memory_space<hbm>>
        tpu.enqueue_dma source(%dma_start3A_252 : memref<400xf32, #tpu.memory_space<hbm>>) target(%arg27 : memref<400xf32, #tpu.memory_space<vmem>>) target_semaphore(%arg43 : memref<!tpu.dma_semaphore, #tpu.memory_space<semaphore_mem>>)
        %dma_start3A_253 = tpu.memref_slice %arg8[%add3A_240] : memref<819200xf32, #tpu.memory_space<hbm>> -> memref<400xf32, #tpu.memory_space<hbm>>
        %dma_start3A_254 = tpu.memref_slice %arg8[%add3A_240] : memref<819200xf32, #tpu.memory_space<hbm>> -> memref<400xf32, #tpu.memory_space<hbm>>
        tpu.enqueue_dma source(%dma_start3A_254 : memref<400xf32, #tpu.memory_space<hbm>>) target(%arg29 : memref<400xf32, #tpu.memory_space<vmem>>) target_semaphore(%arg43 : memref<!tpu.dma_semaphore, #tpu.memory_space<semaphore_mem>>)
      } else {
      }
      %dma_wait3A_161 = arith.constant 0 : i32
      %dma_wait3A_162 = arith.constant 0 : i32
      %dma_wait3A_163 = tpu.memref_slice %arg41[%dma_wait3A_161, %dma_wait3A_162] : memref<1024x64xf32, #tpu.memory_space<vmem_shared>> -> memref<1024x64xf32, #tpu.memory_space<vmem_shared>>
      tpu.wait_indirect_dma semaphore(%arg46 : memref<!tpu.dma_semaphore, #tpu.memory_space<semaphore_mem>>) src(%dma_wait3A_163 : memref<1024x64xf32, #tpu.memory_space<vmem_shared>>) dst(%arg39 : memref<400x64xf32, #tpu.memory_space<vmem>>)
      %scan3A_164 = arith.constant 0 : i32
      %scan3A_165 = arith.constant 0 : i32
      %scan3A_166 = arith.constant 25 : i32
      %scan3A_167 = arith.addi %scan3A_165, %scan3A_166 : i32
      %scan3A_168 = arith.constant 1 : i32
      scf.for %scan3A_236 = %scan3A_165 to %scan3A_167 step %scan3A_168  : i32 {
        %mul3A_237 = arith.constant 16 : i32
        %mul3A_238 = arith.muli %scan3A_236, %mul3A_237 : i32
        %get3A_239 = arith.index_cast %mul3A_238 : i32 to index
        %get3A_240 = tpu.vector_load %arg26[%get3A_239] {strides = array<i32>} : memref<400xf32, #tpu.memory_space<vmem>>, vector<16xf32>,
        %get3A_241 = arith.index_cast %mul3A_238 : i32 to index
        %get3A_242 = tpu.vector_load %arg28[%get3A_241] {strides = array<i32>} : memref<400xf32, #tpu.memory_space<vmem>>, vector<16xf32>,
        %slice3A = vector.extract_strided_slice %get3A_240 {offsets = [0], sizes = [1], strides = [1]} : vector<16xf32> to vector<1xf32>
        %squeeze3A = vector.extract %slice3A[0] : f32 from vector<1xf32>
        %slice3A_243 = vector.extract_strided_slice %get3A_242 {offsets = [0], sizes = [1], strides = [1]} : vector<16xf32> to vector<1xf32>
        %squeeze3A_244 = vector.extract %slice3A_243[0] : f32 from vector<1xf32>
        %broadcast_in_dim3A_245 = vector.broadcast %squeeze3A : f32 to vector<16xf32>
        %broadcast_in_dim3A_246 = vector.broadcast %squeeze3A_244 : f32 to vector<16xf32>
        %select_n3A = arith.select %lt3A_74, %broadcast_in_dim3A_245, %broadcast_in_dim3A_246 : vector<16xi1>, vector<16xf32>
        %add3A_247 = arith.constant 0 : i32
        %add3A_248 = arith.addi %mul3A_238, %add3A_247 : i32
        %broadcast_in_dim3A_249 = vector.broadcast %add3A_248 : i32 to vector<16xi32>
        %mul3A_250 = arith.mulf %select_n3A, %get3A_3 : vector<16xf32>
        tpu.vector_store_idx %arg39[%broadcast_in_dim3A_249, %add3A_78], %mul3A_250 : memref<400x64xf32, #tpu.memory_space<vmem>>[vector<16xi32>, vector<16xi32>], vector<16xf32>,
        %slice3A_251 = vector.extract_strided_slice %get3A_240 {offsets = [1], sizes = [1], strides = [1]} : vector<16xf32> to vector<1xf32>
        %squeeze3A_252 = vector.extract %slice3A_251[0] : f32 from vector<1xf32>
        %slice3A_253 = vector.extract_strided_slice %get3A_242 {offsets = [1], sizes = [1], strides = [1]} : vector<16xf32> to vector<1xf32>
        %squeeze3A_254 = vector.extract %slice3A_253[0] : f32 from vector<1xf32>
        %broadcast_in_dim3A_255 = vector.broadcast %squeeze3A_252 : f32 to vector<16xf32>
        %broadcast_in_dim3A_256 = vector.broadcast %squeeze3A_254 : f32 to vector<16xf32>
        %select_n3A_257 = arith.select %lt3A_74, %broadcast_in_dim3A_255, %broadcast_in_dim3A_256 : vector<16xi1>, vector<16xf32>
        %add3A_258 = arith.constant 1 : i32
        %add3A_259 = arith.addi %mul3A_238, %add3A_258 : i32
        %broadcast_in_dim3A_260 = vector.broadcast %add3A_259 : i32 to vector<16xi32>
        %mul3A_261 = arith.mulf %select_n3A_257, %get3A_3 : vector<16xf32>
        tpu.vector_store_idx %arg39[%broadcast_in_dim3A_260, %add3A_78], %mul3A_261 : memref<400x64xf32, #tpu.memory_space<vmem>>[vector<16xi32>, vector<16xi32>], vector<16xf32>,
        %slice3A_262 = vector.extract_strided_slice %get3A_240 {offsets = [2], sizes = [1], strides = [1]} : vector<16xf32> to vector<1xf32>
        %squeeze3A_263 = vector.extract %slice3A_262[0] : f32 from vector<1xf32>
        %slice3A_264 = vector.extract_strided_slice %get3A_242 {offsets = [2], sizes = [1], strides = [1]} : vector<16xf32> to vector<1xf32>
        %squeeze3A_265 = vector.extract %slice3A_264[0] : f32 from vector<1xf32>
        %broadcast_in_dim3A_266 = vector.broadcast %squeeze3A_263 : f32 to vector<16xf32>
        %broadcast_in_dim3A_267 = vector.broadcast %squeeze3A_265 : f32 to vector<16xf32>
        %select_n3A_268 = arith.select %lt3A_74, %broadcast_in_dim3A_266, %broadcast_in_dim3A_267 : vector<16xi1>, vector<16xf32>
        %add3A_269 = arith.constant 2 : i32
        %add3A_270 = arith.addi %mul3A_238, %add3A_269 : i32
        %broadcast_in_dim3A_271 = vector.broadcast %add3A_270 : i32 to vector<16xi32>
        %mul3A_272 = arith.mulf %select_n3A_268, %get3A_3 : vector<16xf32>
        tpu.vector_store_idx %arg39[%broadcast_in_dim3A_271, %add3A_78], %mul3A_272 : memref<400x64xf32, #tpu.memory_space<vmem>>[vector<16xi32>, vector<16xi32>], vector<16xf32>,
        %slice3A_273 = vector.extract_strided_slice %get3A_240 {offsets = [3], sizes = [1], strides = [1]} : vector<16xf32> to vector<1xf32>
        %squeeze3A_274 = vector.extract %slice3A_273[0] : f32 from vector<1xf32>
        %slice3A_275 = vector.extract_strided_slice %get3A_242 {offsets = [3], sizes = [1], strides = [1]} : vector<16xf32> to vector<1xf32>
        %squeeze3A_276 = vector.extract %slice3A_275[0] : f32 from vector<1xf32>
        %broadcast_in_dim3A_277 = vector.broadcast %squeeze3A_274 : f32 to vector<16xf32>
        %broadcast_in_dim3A_278 = vector.broadcast %squeeze3A_276 : f32 to vector<16xf32>
        %select_n3A_279 = arith.select %lt3A_74, %broadcast_in_dim3A_277, %broadcast_in_dim3A_278 : vector<16xi1>, vector<16xf32>
        %add3A_280 = arith.constant 3 : i32
        %add3A_281 = arith.addi %mul3A_238, %add3A_280 : i32
        %broadcast_in_dim3A_282 = vector.broadcast %add3A_281 : i32 to vector<16xi32>
        %mul3A_283 = arith.mulf %select_n3A_279, %get3A_3 : vector<16xf32>
        tpu.vector_store_idx %arg39[%broadcast_in_dim3A_282, %add3A_78], %mul3A_283 : memref<400x64xf32, #tpu.memory_space<vmem>>[vector<16xi32>, vector<16xi32>], vector<16xf32>,
        %slice3A_284 = vector.extract_strided_slice %get3A_240 {offsets = [4], sizes = [1], strides = [1]} : vector<16xf32> to vector<1xf32>
        %squeeze3A_285 = vector.extract %slice3A_284[0] : f32 from vector<1xf32>
        %slice3A_286 = vector.extract_strided_slice %get3A_242 {offsets = [4], sizes = [1], strides = [1]} : vector<16xf32> to vector<1xf32>
        %squeeze3A_287 = vector.extract %slice3A_286[0] : f32 from vector<1xf32>
        %broadcast_in_dim3A_288 = vector.broadcast %squeeze3A_285 : f32 to vector<16xf32>
        %broadcast_in_dim3A_289 = vector.broadcast %squeeze3A_287 : f32 to vector<16xf32>
        %select_n3A_290 = arith.select %lt3A_74, %broadcast_in_dim3A_288, %broadcast_in_dim3A_289 : vector<16xi1>, vector<16xf32>
        %add3A_291 = arith.constant 4 : i32
        %add3A_292 = arith.addi %mul3A_238, %add3A_291 : i32
        %broadcast_in_dim3A_293 = vector.broadcast %add3A_292 : i32 to vector<16xi32>
        %mul3A_294 = arith.mulf %select_n3A_290, %get3A_3 : vector<16xf32>
        tpu.vector_store_idx %arg39[%broadcast_in_dim3A_293, %add3A_78], %mul3A_294 : memref<400x64xf32, #tpu.memory_space<vmem>>[vector<16xi32>, vector<16xi32>], vector<16xf32>,
        %slice3A_295 = vector.extract_strided_slice %get3A_240 {offsets = [5], sizes = [1], strides = [1]} : vector<16xf32> to vector<1xf32>
        %squeeze3A_296 = vector.extract %slice3A_295[0] : f32 from vector<1xf32>
        %slice3A_297 = vector.extract_strided_slice %get3A_242 {offsets = [5], sizes = [1], strides = [1]} : vector<16xf32> to vector<1xf32>
        %squeeze3A_298 = vector.extract %slice3A_297[0] : f32 from vector<1xf32>
        %broadcast_in_dim3A_299 = vector.broadcast %squeeze3A_296 : f32 to vector<16xf32>
        %broadcast_in_dim3A_300 = vector.broadcast %squeeze3A_298 : f32 to vector<16xf32>
        %select_n3A_301 = arith.select %lt3A_74, %broadcast_in_dim3A_299, %broadcast_in_dim3A_300 : vector<16xi1>, vector<16xf32>
        %add3A_302 = arith.constant 5 : i32
        %add3A_303 = arith.addi %mul3A_238, %add3A_302 : i32
        %broadcast_in_dim3A_304 = vector.broadcast %add3A_303 : i32 to vector<16xi32>
        %mul3A_305 = arith.mulf %select_n3A_301, %get3A_3 : vector<16xf32>
        tpu.vector_store_idx %arg39[%broadcast_in_dim3A_304, %add3A_78], %mul3A_305 : memref<400x64xf32, #tpu.memory_space<vmem>>[vector<16xi32>, vector<16xi32>], vector<16xf32>,
        %slice3A_306 = vector.extract_strided_slice %get3A_240 {offsets = [6], sizes = [1], strides = [1]} : vector<16xf32> to vector<1xf32>
        %squeeze3A_307 = vector.extract %slice3A_306[0] : f32 from vector<1xf32>
        %slice3A_308 = vector.extract_strided_slice %get3A_242 {offsets = [6], sizes = [1], strides = [1]} : vector<16xf32> to vector<1xf32>
        %squeeze3A_309 = vector.extract %slice3A_308[0] : f32 from vector<1xf32>
        %broadcast_in_dim3A_310 = vector.broadcast %squeeze3A_307 : f32 to vector<16xf32>
        %broadcast_in_dim3A_311 = vector.broadcast %squeeze3A_309 : f32 to vector<16xf32>
        %select_n3A_312 = arith.select %lt3A_74, %broadcast_in_dim3A_310, %broadcast_in_dim3A_311 : vector<16xi1>, vector<16xf32>
        %add3A_313 = arith.constant 6 : i32
        %add3A_314 = arith.addi %mul3A_238, %add3A_313 : i32
        %broadcast_in_dim3A_315 = vector.broadcast %add3A_314 : i32 to vector<16xi32>
        %mul3A_316 = arith.mulf %select_n3A_312, %get3A_3 : vector<16xf32>
        tpu.vector_store_idx %arg39[%broadcast_in_dim3A_315, %add3A_78], %mul3A_316 : memref<400x64xf32, #tpu.memory_space<vmem>>[vector<16xi32>, vector<16xi32>], vector<16xf32>,
        %slice3A_317 = vector.extract_strided_slice %get3A_240 {offsets = [7], sizes = [1], strides = [1]} : vector<16xf32> to vector<1xf32>
        %squeeze3A_318 = vector.extract %slice3A_317[0] : f32 from vector<1xf32>
        %slice3A_319 = vector.extract_strided_slice %get3A_242 {offsets = [7], sizes = [1], strides = [1]} : vector<16xf32> to vector<1xf32>
        %squeeze3A_320 = vector.extract %slice3A_319[0] : f32 from vector<1xf32>
        %broadcast_in_dim3A_321 = vector.broadcast %squeeze3A_318 : f32 to vector<16xf32>
        %broadcast_in_dim3A_322 = vector.broadcast %squeeze3A_320 : f32 to vector<16xf32>
        %select_n3A_323 = arith.select %lt3A_74, %broadcast_in_dim3A_321, %broadcast_in_dim3A_322 : vector<16xi1>, vector<16xf32>
        %add3A_324 = arith.constant 7 : i32
        %add3A_325 = arith.addi %mul3A_238, %add3A_324 : i32
        %broadcast_in_dim3A_326 = vector.broadcast %add3A_325 : i32 to vector<16xi32>
        %mul3A_327 = arith.mulf %select_n3A_323, %get3A_3 : vector<16xf32>
        tpu.vector_store_idx %arg39[%broadcast_in_dim3A_326, %add3A_78], %mul3A_327 : memref<400x64xf32, #tpu.memory_space<vmem>>[vector<16xi32>, vector<16xi32>], vector<16xf32>,
        %slice3A_328 = vector.extract_strided_slice %get3A_240 {offsets = [8], sizes = [1], strides = [1]} : vector<16xf32> to vector<1xf32>
        %squeeze3A_329 = vector.extract %slice3A_328[0] : f32 from vector<1xf32>
        %slice3A_330 = vector.extract_strided_slice %get3A_242 {offsets = [8], sizes = [1], strides = [1]} : vector<16xf32> to vector<1xf32>
        %squeeze3A_331 = vector.extract %slice3A_330[0] : f32 from vector<1xf32>
        %broadcast_in_dim3A_332 = vector.broadcast %squeeze3A_329 : f32 to vector<16xf32>
        %broadcast_in_dim3A_333 = vector.broadcast %squeeze3A_331 : f32 to vector<16xf32>
        %select_n3A_334 = arith.select %lt3A_74, %broadcast_in_dim3A_332, %broadcast_in_dim3A_333 : vector<16xi1>, vector<16xf32>
        %add3A_335 = arith.constant 8 : i32
        %add3A_336 = arith.addi %mul3A_238, %add3A_335 : i32
        %broadcast_in_dim3A_337 = vector.broadcast %add3A_336 : i32 to vector<16xi32>
        %mul3A_338 = arith.mulf %select_n3A_334, %get3A_3 : vector<16xf32>
        tpu.vector_store_idx %arg39[%broadcast_in_dim3A_337, %add3A_78], %mul3A_338 : memref<400x64xf32, #tpu.memory_space<vmem>>[vector<16xi32>, vector<16xi32>], vector<16xf32>,
        %slice3A_339 = vector.extract_strided_slice %get3A_240 {offsets = [9], sizes = [1], strides = [1]} : vector<16xf32> to vector<1xf32>
        %squeeze3A_340 = vector.extract %slice3A_339[0] : f32 from vector<1xf32>
        %slice3A_341 = vector.extract_strided_slice %get3A_242 {offsets = [9], sizes = [1], strides = [1]} : vector<16xf32> to vector<1xf32>
        %squeeze3A_342 = vector.extract %slice3A_341[0] : f32 from vector<1xf32>
        %broadcast_in_dim3A_343 = vector.broadcast %squeeze3A_340 : f32 to vector<16xf32>
        %broadcast_in_dim3A_344 = vector.broadcast %squeeze3A_342 : f32 to vector<16xf32>
        %select_n3A_345 = arith.select %lt3A_74, %broadcast_in_dim3A_343, %broadcast_in_dim3A_344 : vector<16xi1>, vector<16xf32>
        %add3A_346 = arith.constant 9 : i32
        %add3A_347 = arith.addi %mul3A_238, %add3A_346 : i32
        %broadcast_in_dim3A_348 = vector.broadcast %add3A_347 : i32 to vector<16xi32>
        %mul3A_349 = arith.mulf %select_n3A_345, %get3A_3 : vector<16xf32>
        tpu.vector_store_idx %arg39[%broadcast_in_dim3A_348, %add3A_78], %mul3A_349 : memref<400x64xf32, #tpu.memory_space<vmem>>[vector<16xi32>, vector<16xi32>], vector<16xf32>,
        %slice3A_350 = vector.extract_strided_slice %get3A_240 {offsets = [10], sizes = [1], strides = [1]} : vector<16xf32> to vector<1xf32>
        %squeeze3A_351 = vector.extract %slice3A_350[0] : f32 from vector<1xf32>
        %slice3A_352 = vector.extract_strided_slice %get3A_242 {offsets = [10], sizes = [1], strides = [1]} : vector<16xf32> to vector<1xf32>
        %squeeze3A_353 = vector.extract %slice3A_352[0] : f32 from vector<1xf32>
        %broadcast_in_dim3A_354 = vector.broadcast %squeeze3A_351 : f32 to vector<16xf32>
        %broadcast_in_dim3A_355 = vector.broadcast %squeeze3A_353 : f32 to vector<16xf32>
        %select_n3A_356 = arith.select %lt3A_74, %broadcast_in_dim3A_354, %broadcast_in_dim3A_355 : vector<16xi1>, vector<16xf32>
        %add3A_357 = arith.constant 10 : i32
        %add3A_358 = arith.addi %mul3A_238, %add3A_357 : i32
        %broadcast_in_dim3A_359 = vector.broadcast %add3A_358 : i32 to vector<16xi32>
        %mul3A_360 = arith.mulf %select_n3A_356, %get3A_3 : vector<16xf32>
        tpu.vector_store_idx %arg39[%broadcast_in_dim3A_359, %add3A_78], %mul3A_360 : memref<400x64xf32, #tpu.memory_space<vmem>>[vector<16xi32>, vector<16xi32>], vector<16xf32>,
        %slice3A_361 = vector.extract_strided_slice %get3A_240 {offsets = [11], sizes = [1], strides = [1]} : vector<16xf32> to vector<1xf32>
        %squeeze3A_362 = vector.extract %slice3A_361[0] : f32 from vector<1xf32>
        %slice3A_363 = vector.extract_strided_slice %get3A_242 {offsets = [11], sizes = [1], strides = [1]} : vector<16xf32> to vector<1xf32>
        %squeeze3A_364 = vector.extract %slice3A_363[0] : f32 from vector<1xf32>
        %broadcast_in_dim3A_365 = vector.broadcast %squeeze3A_362 : f32 to vector<16xf32>
        %broadcast_in_dim3A_366 = vector.broadcast %squeeze3A_364 : f32 to vector<16xf32>
        %select_n3A_367 = arith.select %lt3A_74, %broadcast_in_dim3A_365, %broadcast_in_dim3A_366 : vector<16xi1>, vector<16xf32>
        %add3A_368 = arith.constant 11 : i32
        %add3A_369 = arith.addi %mul3A_238, %add3A_368 : i32
        %broadcast_in_dim3A_370 = vector.broadcast %add3A_369 : i32 to vector<16xi32>
        %mul3A_371 = arith.mulf %select_n3A_367, %get3A_3 : vector<16xf32>
        tpu.vector_store_idx %arg39[%broadcast_in_dim3A_370, %add3A_78], %mul3A_371 : memref<400x64xf32, #tpu.memory_space<vmem>>[vector<16xi32>, vector<16xi32>], vector<16xf32>,
        %slice3A_372 = vector.extract_strided_slice %get3A_240 {offsets = [12], sizes = [1], strides = [1]} : vector<16xf32> to vector<1xf32>
        %squeeze3A_373 = vector.extract %slice3A_372[0] : f32 from vector<1xf32>
        %slice3A_374 = vector.extract_strided_slice %get3A_242 {offsets = [12], sizes = [1], strides = [1]} : vector<16xf32> to vector<1xf32>
        %squeeze3A_375 = vector.extract %slice3A_374[0] : f32 from vector<1xf32>
        %broadcast_in_dim3A_376 = vector.broadcast %squeeze3A_373 : f32 to vector<16xf32>
        %broadcast_in_dim3A_377 = vector.broadcast %squeeze3A_375 : f32 to vector<16xf32>
        %select_n3A_378 = arith.select %lt3A_74, %broadcast_in_dim3A_376, %broadcast_in_dim3A_377 : vector<16xi1>, vector<16xf32>
        %add3A_379 = arith.constant 12 : i32
        %add3A_380 = arith.addi %mul3A_238, %add3A_379 : i32
        %broadcast_in_dim3A_381 = vector.broadcast %add3A_380 : i32 to vector<16xi32>
        %mul3A_382 = arith.mulf %select_n3A_378, %get3A_3 : vector<16xf32>
        tpu.vector_store_idx %arg39[%broadcast_in_dim3A_381, %add3A_78], %mul3A_382 : memref<400x64xf32, #tpu.memory_space<vmem>>[vector<16xi32>, vector<16xi32>], vector<16xf32>,
        %slice3A_383 = vector.extract_strided_slice %get3A_240 {offsets = [13], sizes = [1], strides = [1]} : vector<16xf32> to vector<1xf32>
        %squeeze3A_384 = vector.extract %slice3A_383[0] : f32 from vector<1xf32>
        %slice3A_385 = vector.extract_strided_slice %get3A_242 {offsets = [13], sizes = [1], strides = [1]} : vector<16xf32> to vector<1xf32>
        %squeeze3A_386 = vector.extract %slice3A_385[0] : f32 from vector<1xf32>
        %broadcast_in_dim3A_387 = vector.broadcast %squeeze3A_384 : f32 to vector<16xf32>
        %broadcast_in_dim3A_388 = vector.broadcast %squeeze3A_386 : f32 to vector<16xf32>
        %select_n3A_389 = arith.select %lt3A_74, %broadcast_in_dim3A_387, %broadcast_in_dim3A_388 : vector<16xi1>, vector<16xf32>
        %add3A_390 = arith.constant 13 : i32
        %add3A_391 = arith.addi %mul3A_238, %add3A_390 : i32
        %broadcast_in_dim3A_392 = vector.broadcast %add3A_391 : i32 to vector<16xi32>
        %mul3A_393 = arith.mulf %select_n3A_389, %get3A_3 : vector<16xf32>
        tpu.vector_store_idx %arg39[%broadcast_in_dim3A_392, %add3A_78], %mul3A_393 : memref<400x64xf32, #tpu.memory_space<vmem>>[vector<16xi32>, vector<16xi32>], vector<16xf32>,
        %slice3A_394 = vector.extract_strided_slice %get3A_240 {offsets = [14], sizes = [1], strides = [1]} : vector<16xf32> to vector<1xf32>
        %squeeze3A_395 = vector.extract %slice3A_394[0] : f32 from vector<1xf32>
        %slice3A_396 = vector.extract_strided_slice %get3A_242 {offsets = [14], sizes = [1], strides = [1]} : vector<16xf32> to vector<1xf32>
        %squeeze3A_397 = vector.extract %slice3A_396[0] : f32 from vector<1xf32>
        %broadcast_in_dim3A_398 = vector.broadcast %squeeze3A_395 : f32 to vector<16xf32>
        %broadcast_in_dim3A_399 = vector.broadcast %squeeze3A_397 : f32 to vector<16xf32>
        %select_n3A_400 = arith.select %lt3A_74, %broadcast_in_dim3A_398, %broadcast_in_dim3A_399 : vector<16xi1>, vector<16xf32>
        %add3A_401 = arith.constant 14 : i32
        %add3A_402 = arith.addi %mul3A_238, %add3A_401 : i32
        %broadcast_in_dim3A_403 = vector.broadcast %add3A_402 : i32 to vector<16xi32>
        %mul3A_404 = arith.mulf %select_n3A_400, %get3A_3 : vector<16xf32>
        tpu.vector_store_idx %arg39[%broadcast_in_dim3A_403, %add3A_78], %mul3A_404 : memref<400x64xf32, #tpu.memory_space<vmem>>[vector<16xi32>, vector<16xi32>], vector<16xf32>,
        %slice3A_405 = vector.extract_strided_slice %get3A_240 {offsets = [15], sizes = [1], strides = [1]} : vector<16xf32> to vector<1xf32>
        %squeeze3A_406 = vector.extract %slice3A_405[0] : f32 from vector<1xf32>
        %slice3A_407 = vector.extract_strided_slice %get3A_242 {offsets = [15], sizes = [1], strides = [1]} : vector<16xf32> to vector<1xf32>
        %squeeze3A_408 = vector.extract %slice3A_407[0] : f32 from vector<1xf32>
        %broadcast_in_dim3A_409 = vector.broadcast %squeeze3A_406 : f32 to vector<16xf32>
        %broadcast_in_dim3A_410 = vector.broadcast %squeeze3A_408 : f32 to vector<16xf32>
        %select_n3A_411 = arith.select %lt3A_74, %broadcast_in_dim3A_409, %broadcast_in_dim3A_410 : vector<16xi1>, vector<16xf32>
        %add3A_412 = arith.constant 15 : i32
        %add3A_413 = arith.addi %mul3A_238, %add3A_412 : i32
        %broadcast_in_dim3A_414 = vector.broadcast %add3A_413 : i32 to vector<16xi32>
        %mul3A_415 = arith.mulf %select_n3A_411, %get3A_3 : vector<16xf32>
        tpu.vector_store_idx %arg39[%broadcast_in_dim3A_414, %add3A_78], %mul3A_415 : memref<400x64xf32, #tpu.memory_space<vmem>>[vector<16xi32>, vector<16xi32>], vector<16xf32>,
      }
      %scan3A_169 = arith.constant 25 : i32
      %add3A_170 = arith.constant 1 : i32
      %add3A_171 = arith.addi %add3A_155, %add3A_170 : i32
      %lt3A_172 = arith.constant 64 : i32
      %lt3A_173 = arith.cmpi slt, %add3A_171, %lt3A_172 : i32
      %convert_element_type3A_174 = arith.extui %lt3A_173 : i1 to i32
      %cond3A_175 = arith.constant 0 : i32
      %cond3A_176 = arith.cmpi ne, %convert_element_type3A_174, %cond3A_175 : i32
      scf.if %cond3A_176 {
        %add3A_236 = arith.constant 1 : i32
        %add3A_237 = arith.addi %add3A_155, %add3A_236 : i32
        %mul3A_238 = arith.constant 400 : i32
        %mul3A_239 = arith.muli %add3A_237, %mul3A_238 : i32
        %add3A_240 = arith.addi %mul3A_2, %mul3A_239 : i32
        %dma_wait3A_241 = tpu.memref_slice %arg2[%add3A_240] : memref<819200xi32, #tpu.memory_space<hbm>> -> memref<400xi32, #tpu.memory_space<hbm>>
        %dma_wait3A_242 = tpu.memref_slice %arg2[%add3A_240] : memref<819200xi32, #tpu.memory_space<hbm>> -> memref<400xi32, #tpu.memory_space<hbm>>
        tpu.wait_dma2 semaphore(%arg43 : memref<!tpu.dma_semaphore, #tpu.memory_space<semaphore_mem>>) src(%dma_wait3A_242 : memref<400xi32, #tpu.memory_space<hbm>>) dst(%arg17 : memref<400xi32, #tpu.memory_space<vmem>>)
        %dma_wait3A_243 = tpu.memref_slice %arg3[%add3A_240] : memref<819200xi32, #tpu.memory_space<hbm>> -> memref<400xi32, #tpu.memory_space<hbm>>
        %dma_wait3A_244 = tpu.memref_slice %arg3[%add3A_240] : memref<819200xi32, #tpu.memory_space<hbm>> -> memref<400xi32, #tpu.memory_space<hbm>>
        tpu.wait_dma2 semaphore(%arg43 : memref<!tpu.dma_semaphore, #tpu.memory_space<semaphore_mem>>) src(%dma_wait3A_244 : memref<400xi32, #tpu.memory_space<hbm>>) dst(%arg19 : memref<400xi32, #tpu.memory_space<vmem>>)
        %dma_wait3A_245 = tpu.memref_slice %arg4[%add3A_240] : memref<819200xi32, #tpu.memory_space<hbm>> -> memref<400xi32, #tpu.memory_space<hbm>>
        %dma_wait3A_246 = tpu.memref_slice %arg4[%add3A_240] : memref<819200xi32, #tpu.memory_space<hbm>> -> memref<400xi32, #tpu.memory_space<hbm>>
        tpu.wait_dma2 semaphore(%arg43 : memref<!tpu.dma_semaphore, #tpu.memory_space<semaphore_mem>>) src(%dma_wait3A_246 : memref<400xi32, #tpu.memory_space<hbm>>) dst(%arg21 : memref<400xi32, #tpu.memory_space<vmem>>)
        %dma_wait3A_247 = tpu.memref_slice %arg5[%add3A_240] : memref<819200xi32, #tpu.memory_space<hbm>> -> memref<400xi32, #tpu.memory_space<hbm>>
        %dma_wait3A_248 = tpu.memref_slice %arg5[%add3A_240] : memref<819200xi32, #tpu.memory_space<hbm>> -> memref<400xi32, #tpu.memory_space<hbm>>
        tpu.wait_dma2 semaphore(%arg43 : memref<!tpu.dma_semaphore, #tpu.memory_space<semaphore_mem>>) src(%dma_wait3A_248 : memref<400xi32, #tpu.memory_space<hbm>>) dst(%arg23 : memref<400xi32, #tpu.memory_space<vmem>>)
        %dma_wait3A_249 = tpu.memref_slice %arg6[%add3A_240] : memref<819200xi32, #tpu.memory_space<hbm>> -> memref<400xi32, #tpu.memory_space<hbm>>
        %dma_wait3A_250 = tpu.memref_slice %arg6[%add3A_240] : memref<819200xi32, #tpu.memory_space<hbm>> -> memref<400xi32, #tpu.memory_space<hbm>>
        tpu.wait_dma2 semaphore(%arg43 : memref<!tpu.dma_semaphore, #tpu.memory_space<semaphore_mem>>) src(%dma_wait3A_250 : memref<400xi32, #tpu.memory_space<hbm>>) dst(%arg25 : memref<400xi32, #tpu.memory_space<vmem>>)
        %dma_wait3A_251 = tpu.memref_slice %arg7[%add3A_240] : memref<819200xf32, #tpu.memory_space<hbm>> -> memref<400xf32, #tpu.memory_space<hbm>>
        %dma_wait3A_252 = tpu.memref_slice %arg7[%add3A_240] : memref<819200xf32, #tpu.memory_space<hbm>> -> memref<400xf32, #tpu.memory_space<hbm>>
        tpu.wait_dma2 semaphore(%arg43 : memref<!tpu.dma_semaphore, #tpu.memory_space<semaphore_mem>>) src(%dma_wait3A_252 : memref<400xf32, #tpu.memory_space<hbm>>) dst(%arg27 : memref<400xf32, #tpu.memory_space<vmem>>)
        %dma_wait3A_253 = tpu.memref_slice %arg8[%add3A_240] : memref<819200xf32, #tpu.memory_space<hbm>> -> memref<400xf32, #tpu.memory_space<hbm>>
        %dma_wait3A_254 = tpu.memref_slice %arg8[%add3A_240] : memref<819200xf32, #tpu.memory_space<hbm>> -> memref<400xf32, #tpu.memory_space<hbm>>
        tpu.wait_dma2 semaphore(%arg43 : memref<!tpu.dma_semaphore, #tpu.memory_space<semaphore_mem>>) src(%dma_wait3A_254 : memref<400xf32, #tpu.memory_space<hbm>>) dst(%arg29 : memref<400xf32, #tpu.memory_space<vmem>>)
        %ge3A = arith.constant 1 : i32
        %ge3A_255 = arith.cmpi sge, %add3A_155, %ge3A : i32
        %convert_element_type3A_256 = arith.extui %ge3A_255 : i1 to i32
        %cond3A_257 = arith.constant 0 : i32
        %cond3A_258 = arith.cmpi ne, %convert_element_type3A_256, %cond3A_257 : i32
        scf.if %cond3A_258 {
          %sub3A = arith.constant 1 : i32
          %sub3A_276 = arith.subi %add3A_155, %sub3A : i32
          %mul3A_277 = arith.constant 400 : i32
          %mul3A_278 = arith.muli %sub3A_276, %mul3A_277 : i32
          %add3A_279 = arith.addi %mul3A_2, %mul3A_278 : i32
          %dma_wait3A_280 = arith.constant 0 : i32
          %dma_wait3A_281 = tpu.memref_slice %arg15[%add3A_279, %dma_wait3A_280] : memref<819200x128xf32, #tpu.memory_space<hbm>> -> memref<400x64xf32, #tpu.memory_space<hbm>>
          %dma_wait3A_282 = arith.constant 0 : i32
          %dma_wait3A_283 = tpu.memref_slice %arg15[%add3A_279, %dma_wait3A_282] : memref<819200x128xf32, #tpu.memory_space<hbm>> -> memref<400x64xf32, #tpu.memory_space<hbm>>
          tpu.wait_dma2 semaphore(%arg49 : memref<!tpu.dma_semaphore, #tpu.memory_space<semaphore_mem>>) src(%arg38 : memref<400x64xf32, #tpu.memory_space<vmem>>) dst(%dma_wait3A_283 : memref<400x64xf32, #tpu.memory_space<hbm>>)
        } else {
        }
        %dma_start3A_259 = arith.constant 0 : i32
        %dma_start3A_260 = arith.constant 0 : i32
        %dma_start3A_261 = tpu.memref_slice %arg9[%dma_start3A_259, %dma_start3A_260] : memref<100001x64xf32, #tpu.memory_space<hbm>> -> memref<100001x64xf32, #tpu.memory_space<hbm>>
        tpu.enqueue_indirect_dma source(%dma_start3A_261 : memref<100001x64xf32, #tpu.memory_space<hbm>>) target(%arg38 : memref<400x64xf32, #tpu.memory_space<vmem>>) offsets(%arg17 : memref<400xi32, #tpu.memory_space<vmem>>) semaphore(%arg45 : memref<!tpu.dma_semaphore, #tpu.memory_space<semaphore_mem>>)
        %scan3A_262 = arith.constant 0 : i32
        %scan3A_263 = arith.constant 0 : i32
        %scan3A_264 = arith.constant 25 : i32
        %scan3A_265 = arith.addi %scan3A_263, %scan3A_264 : i32
        %scan3A_266 = arith.constant 1 : i32
        scf.for %scan3A_276 = %scan3A_263 to %scan3A_265 step %scan3A_266  : i32 {
          %mul3A_277 = arith.constant 16 : i32
          %mul3A_278 = arith.muli %scan3A_276, %mul3A_277 : i32
          %get3A_279 = arith.index_cast %mul3A_278 : i32 to index
          %get3A_280 = tpu.vector_load %arg19[%get3A_279] {strides = array<i32>} : memref<400xi32, #tpu.memory_space<vmem>>, vector<16xi32>,
          %get3A_281 = arith.index_cast %mul3A_278 : i32 to index
          %get3A_282 = tpu.vector_load %arg21[%get3A_281] {strides = array<i32>} : memref<400xi32, #tpu.memory_space<vmem>>, vector<16xi32>,
          %get3A_283 = arith.index_cast %mul3A_278 : i32 to index
          %get3A_284 = tpu.vector_load %arg23[%get3A_283] {strides = array<i32>} : memref<400xi32, #tpu.memory_space<vmem>>, vector<16xi32>,
          %get3A_285 = arith.index_cast %mul3A_278 : i32 to index
          %get3A_286 = tpu.vector_load %arg25[%get3A_285] {strides = array<i32>} : memref<400xi32, #tpu.memory_space<vmem>>, vector<16xi32>,
          %mul3A_287 = arith.constant 72 : i32
          %mul3A_288 = vector.broadcast %mul3A_287 : i32 to vector<16xi32>
          %mul3A_289 = arith.muli %get3A_280, %mul3A_288 : vector<16xi32>
          %mul3A_290 = arith.constant 9 : i32
          %mul3A_291 = vector.broadcast %mul3A_290 : i32 to vector<16xi32>
          %mul3A_292 = arith.muli %get3A_282, %mul3A_291 : vector<16xi32>
          %add3A_293 = arith.addi %mul3A_289, %mul3A_292 : vector<16xi32>
          %mul3A_294 = arith.constant 3 : i32
          %mul3A_295 = vector.broadcast %mul3A_294 : i32 to vector<16xi32>
          %mul3A_296 = arith.muli %get3A_284, %mul3A_295 : vector<16xi32>
          %add3A_297 = arith.addi %add3A_293, %mul3A_296 : vector<16xi32>
          %add3A_298 = arith.addi %add3A_297, %get3A_286 : vector<16xi32>
          %swap3A = arith.index_cast %mul3A_278 : i32 to index
          %swap3A_299 = tpu.vector_load %arg31[%swap3A] {strides = array<i32>} : memref<400xi32, #tpu.memory_space<vmem>>, vector<16xi32>,
          tpu.vector_store %arg31[%swap3A], %add3A_298 {strides = array<i32>} : memref<400xi32, #tpu.memory_space<vmem>>, vector<16xi32>,
        }
        %scan3A_267 = arith.constant 25 : i32
        %ge3A_268 = arith.constant 1 : i32
        %ge3A_269 = arith.cmpi sge, %add3A_155, %ge3A_268 : i32
        %convert_element_type3A_270 = arith.extui %ge3A_269 : i1 to i32
        %cond3A_271 = arith.constant 0 : i32
        %cond3A_272 = arith.cmpi ne, %convert_element_type3A_270, %cond3A_271 : i32
        scf.if %cond3A_272 {
          %sub3A = arith.constant 1 : i32
          %sub3A_276 = arith.subi %add3A_155, %sub3A : i32
          %mul3A_277 = arith.constant 400 : i32
          %mul3A_278 = arith.muli %sub3A_276, %mul3A_277 : i32
          %add3A_279 = arith.addi %mul3A_2, %mul3A_278 : i32
          %dma_wait3A_280 = arith.constant 64 : i32
          %dma_wait3A_281 = tpu.memref_slice %arg15[%add3A_279, %dma_wait3A_280] : memref<819200x128xf32, #tpu.memory_space<hbm>> -> memref<400x64xf32, #tpu.memory_space<hbm>>
          %dma_wait3A_282 = arith.constant 64 : i32
          %dma_wait3A_283 = tpu.memref_slice %arg15[%add3A_279, %dma_wait3A_282] : memref<819200x128xf32, #tpu.memory_space<hbm>> -> memref<400x64xf32, #tpu.memory_space<hbm>>
          tpu.wait_dma2 semaphore(%arg51 : memref<!tpu.dma_semaphore, #tpu.memory_space<semaphore_mem>>) src(%arg40 : memref<400x64xf32, #tpu.memory_space<vmem>>) dst(%dma_wait3A_283 : memref<400x64xf32, #tpu.memory_space<hbm>>)
        } else {
        }
        %dma_start3A_273 = arith.constant 0 : i32
        %dma_start3A_274 = arith.constant 0 : i32
        %dma_start3A_275 = tpu.memref_slice %arg41[%dma_start3A_273, %dma_start3A_274] : memref<1024x64xf32, #tpu.memory_space<vmem_shared>> -> memref<1024x64xf32, #tpu.memory_space<vmem_shared>>
        tpu.enqueue_indirect_dma source(%dma_start3A_275 : memref<1024x64xf32, #tpu.memory_space<vmem_shared>>) target(%arg40 : memref<400x64xf32, #tpu.memory_space<vmem>>) offsets(%arg31 : memref<400xi32, #tpu.memory_space<vmem>>) semaphore(%arg47 : memref<!tpu.dma_semaphore, #tpu.memory_space<semaphore_mem>>)
      } else {
      }
      %dma_wait3A_177 = arith.constant 0 : i32
      %dma_wait3A_178 = arith.constant 0 : i32
      %dma_wait3A_179 = tpu.memref_slice %arg9[%dma_wait3A_177, %dma_wait3A_178] : memref<100001x64xf32, #tpu.memory_space<hbm>> -> memref<100001x64xf32, #tpu.memory_space<hbm>>
      tpu.wait_indirect_dma semaphore(%arg44 : memref<!tpu.dma_semaphore, #tpu.memory_space<semaphore_mem>>) src(%dma_wait3A_179 : memref<100001x64xf32, #tpu.memory_space<hbm>>) dst(%arg37 : memref<400x64xf32, #tpu.memory_space<vmem>>)
      %mul3A_180 = arith.constant 400 : i32
      %mul3A_181 = arith.muli %add3A_155, %mul3A_180 : i32
      %add3A_182 = arith.addi %mul3A_2, %mul3A_181 : i32
      %dma_start3A_183 = arith.constant 0 : i32
      %dma_start3A_184 = tpu.memref_slice %arg15[%add3A_182, %dma_start3A_183] : memref<819200x128xf32, #tpu.memory_space<hbm>> -> memref<400x64xf32, #tpu.memory_space<hbm>>
      %dma_start3A_185 = arith.constant 0 : i32
      %dma_start3A_186 = tpu.memref_slice %arg15[%add3A_182, %dma_start3A_185] : memref<819200x128xf32, #tpu.memory_space<hbm>> -> memref<400x64xf32, #tpu.memory_space<hbm>>
      tpu.enqueue_dma source(%arg37 : memref<400x64xf32, #tpu.memory_space<vmem>>) target(%dma_start3A_186 : memref<400x64xf32, #tpu.memory_space<hbm>>) target_semaphore(%arg48 : memref<!tpu.dma_semaphore, #tpu.memory_space<semaphore_mem>>)
      %mul3A_187 = arith.constant 400 : i32
      %mul3A_188 = arith.muli %add3A_155, %mul3A_187 : i32
      %add3A_189 = arith.addi %mul3A_2, %mul3A_188 : i32
      %dma_start3A_190 = arith.constant 64 : i32
      %dma_start3A_191 = tpu.memref_slice %arg15[%add3A_189, %dma_start3A_190] : memref<819200x128xf32, #tpu.memory_space<hbm>> -> memref<400x64xf32, #tpu.memory_space<hbm>>
      %dma_start3A_192 = arith.constant 64 : i32
      %dma_start3A_193 = tpu.memref_slice %arg15[%add3A_189, %dma_start3A_192] : memref<819200x128xf32, #tpu.memory_space<hbm>> -> memref<400x64xf32, #tpu.memory_space<hbm>>
      tpu.enqueue_dma source(%arg39 : memref<400x64xf32, #tpu.memory_space<vmem>>) target(%dma_start3A_193 : memref<400x64xf32, #tpu.memory_space<hbm>>) target_semaphore(%arg50 : memref<!tpu.dma_semaphore, #tpu.memory_space<semaphore_mem>>)
      %add3A_194 = arith.constant 1 : i32
      %add3A_195 = arith.addi %mul3A_153, %add3A_194 : i32
      %add3A_196 = arith.constant 1 : i32
      %add3A_197 = arith.addi %add3A_195, %add3A_196 : i32
      %lt3A_198 = arith.constant 64 : i32
      %lt3A_199 = arith.cmpi slt, %add3A_197, %lt3A_198 : i32
      %convert_element_type3A_200 = arith.extui %lt3A_199 : i1 to i32
      %cond3A_201 = arith.constant 0 : i32
      %cond3A_202 = arith.cmpi ne, %convert_element_type3A_200, %cond3A_201 : i32
      scf.if %cond3A_202 {
        %add3A_236 = arith.constant 1 : i32
        %add3A_237 = arith.addi %add3A_195, %add3A_236 : i32
        %mul3A_238 = arith.constant 400 : i32
        %mul3A_239 = arith.muli %add3A_237, %mul3A_238 : i32
        %add3A_240 = arith.addi %mul3A_2, %mul3A_239 : i32
        %dma_start3A_241 = tpu.memref_slice %arg2[%add3A_240] : memref<819200xi32, #tpu.memory_space<hbm>> -> memref<400xi32, #tpu.memory_space<hbm>>
        %dma_start3A_242 = tpu.memref_slice %arg2[%add3A_240] : memref<819200xi32, #tpu.memory_space<hbm>> -> memref<400xi32, #tpu.memory_space<hbm>>
        tpu.enqueue_dma source(%dma_start3A_242 : memref<400xi32, #tpu.memory_space<hbm>>) target(%arg16 : memref<400xi32, #tpu.memory_space<vmem>>) target_semaphore(%arg42 : memref<!tpu.dma_semaphore, #tpu.memory_space<semaphore_mem>>)
        %dma_start3A_243 = tpu.memref_slice %arg3[%add3A_240] : memref<819200xi32, #tpu.memory_space<hbm>> -> memref<400xi32, #tpu.memory_space<hbm>>
        %dma_start3A_244 = tpu.memref_slice %arg3[%add3A_240] : memref<819200xi32, #tpu.memory_space<hbm>> -> memref<400xi32, #tpu.memory_space<hbm>>
        tpu.enqueue_dma source(%dma_start3A_244 : memref<400xi32, #tpu.memory_space<hbm>>) target(%arg18 : memref<400xi32, #tpu.memory_space<vmem>>) target_semaphore(%arg42 : memref<!tpu.dma_semaphore, #tpu.memory_space<semaphore_mem>>)
        %dma_start3A_245 = tpu.memref_slice %arg4[%add3A_240] : memref<819200xi32, #tpu.memory_space<hbm>> -> memref<400xi32, #tpu.memory_space<hbm>>
        %dma_start3A_246 = tpu.memref_slice %arg4[%add3A_240] : memref<819200xi32, #tpu.memory_space<hbm>> -> memref<400xi32, #tpu.memory_space<hbm>>
        tpu.enqueue_dma source(%dma_start3A_246 : memref<400xi32, #tpu.memory_space<hbm>>) target(%arg20 : memref<400xi32, #tpu.memory_space<vmem>>) target_semaphore(%arg42 : memref<!tpu.dma_semaphore, #tpu.memory_space<semaphore_mem>>)
        %dma_start3A_247 = tpu.memref_slice %arg5[%add3A_240] : memref<819200xi32, #tpu.memory_space<hbm>> -> memref<400xi32, #tpu.memory_space<hbm>>
        %dma_start3A_248 = tpu.memref_slice %arg5[%add3A_240] : memref<819200xi32, #tpu.memory_space<hbm>> -> memref<400xi32, #tpu.memory_space<hbm>>
        tpu.enqueue_dma source(%dma_start3A_248 : memref<400xi32, #tpu.memory_space<hbm>>) target(%arg22 : memref<400xi32, #tpu.memory_space<vmem>>) target_semaphore(%arg42 : memref<!tpu.dma_semaphore, #tpu.memory_space<semaphore_mem>>)
        %dma_start3A_249 = tpu.memref_slice %arg6[%add3A_240] : memref<819200xi32, #tpu.memory_space<hbm>> -> memref<400xi32, #tpu.memory_space<hbm>>
        %dma_start3A_250 = tpu.memref_slice %arg6[%add3A_240] : memref<819200xi32, #tpu.memory_space<hbm>> -> memref<400xi32, #tpu.memory_space<hbm>>
        tpu.enqueue_dma source(%dma_start3A_250 : memref<400xi32, #tpu.memory_space<hbm>>) target(%arg24 : memref<400xi32, #tpu.memory_space<vmem>>) target_semaphore(%arg42 : memref<!tpu.dma_semaphore, #tpu.memory_space<semaphore_mem>>)
        %dma_start3A_251 = tpu.memref_slice %arg7[%add3A_240] : memref<819200xf32, #tpu.memory_space<hbm>> -> memref<400xf32, #tpu.memory_space<hbm>>
        %dma_start3A_252 = tpu.memref_slice %arg7[%add3A_240] : memref<819200xf32, #tpu.memory_space<hbm>> -> memref<400xf32, #tpu.memory_space<hbm>>
        tpu.enqueue_dma source(%dma_start3A_252 : memref<400xf32, #tpu.memory_space<hbm>>) target(%arg26 : memref<400xf32, #tpu.memory_space<vmem>>) target_semaphore(%arg42 : memref<!tpu.dma_semaphore, #tpu.memory_space<semaphore_mem>>)
        %dma_start3A_253 = tpu.memref_slice %arg8[%add3A_240] : memref<819200xf32, #tpu.memory_space<hbm>> -> memref<400xf32, #tpu.memory_space<hbm>>
        %dma_start3A_254 = tpu.memref_slice %arg8[%add3A_240] : memref<819200xf32, #tpu.memory_space<hbm>> -> memref<400xf32, #tpu.memory_space<hbm>>
        tpu.enqueue_dma source(%dma_start3A_254 : memref<400xf32, #tpu.memory_space<hbm>>) target(%arg28 : memref<400xf32, #tpu.memory_space<vmem>>) target_semaphore(%arg42 : memref<!tpu.dma_semaphore, #tpu.memory_space<semaphore_mem>>)
      } else {
      }
      %dma_wait3A_203 = arith.constant 0 : i32
      %dma_wait3A_204 = arith.constant 0 : i32
      %dma_wait3A_205 = tpu.memref_slice %arg41[%dma_wait3A_203, %dma_wait3A_204] : memref<1024x64xf32, #tpu.memory_space<vmem_shared>> -> memref<1024x64xf32, #tpu.memory_space<vmem_shared>>
      tpu.wait_indirect_dma semaphore(%arg47 : memref<!tpu.dma_semaphore, #tpu.memory_space<semaphore_mem>>) src(%dma_wait3A_205 : memref<1024x64xf32, #tpu.memory_space<vmem_shared>>) dst(%arg40 : memref<400x64xf32, #tpu.memory_space<vmem>>)
      %scan3A_206 = arith.constant 0 : i32
      %scan3A_207 = arith.constant 0 : i32
      %scan3A_208 = arith.constant 25 : i32
      %scan3A_209 = arith.addi %scan3A_207, %scan3A_208 : i32
      %scan3A_210 = arith.constant 1 : i32
      scf.for %scan3A_236 = %scan3A_207 to %scan3A_209 step %scan3A_210  : i32 {
        %mul3A_237 = arith.constant 16 : i32
        %mul3A_238 = arith.muli %scan3A_236, %mul3A_237 : i32
        %get3A_239 = arith.index_cast %mul3A_238 : i32 to index
        %get3A_240 = tpu.vector_load %arg27[%get3A_239] {strides = array<i32>} : memref<400xf32, #tpu.memory_space<vmem>>, vector<16xf32>,
        %get3A_241 = arith.index_cast %mul3A_238 : i32 to index
        %get3A_242 = tpu.vector_load %arg29[%get3A_241] {strides = array<i32>} : memref<400xf32, #tpu.memory_space<vmem>>, vector<16xf32>,
        %slice3A = vector.extract_strided_slice %get3A_240 {offsets = [0], sizes = [1], strides = [1]} : vector<16xf32> to vector<1xf32>
        %squeeze3A = vector.extract %slice3A[0] : f32 from vector<1xf32>
        %slice3A_243 = vector.extract_strided_slice %get3A_242 {offsets = [0], sizes = [1], strides = [1]} : vector<16xf32> to vector<1xf32>
        %squeeze3A_244 = vector.extract %slice3A_243[0] : f32 from vector<1xf32>
        %broadcast_in_dim3A_245 = vector.broadcast %squeeze3A : f32 to vector<16xf32>
        %broadcast_in_dim3A_246 = vector.broadcast %squeeze3A_244 : f32 to vector<16xf32>
        %select_n3A = arith.select %lt3A_74, %broadcast_in_dim3A_245, %broadcast_in_dim3A_246 : vector<16xi1>, vector<16xf32>
        %add3A_247 = arith.constant 0 : i32
        %add3A_248 = arith.addi %mul3A_238, %add3A_247 : i32
        %broadcast_in_dim3A_249 = vector.broadcast %add3A_248 : i32 to vector<16xi32>
        %mul3A_250 = arith.mulf %select_n3A, %get3A_3 : vector<16xf32>
        tpu.vector_store_idx %arg40[%broadcast_in_dim3A_249, %add3A_78], %mul3A_250 : memref<400x64xf32, #tpu.memory_space<vmem>>[vector<16xi32>, vector<16xi32>], vector<16xf32>,
        %slice3A_251 = vector.extract_strided_slice %get3A_240 {offsets = [1], sizes = [1], strides = [1]} : vector<16xf32> to vector<1xf32>
        %squeeze3A_252 = vector.extract %slice3A_251[0] : f32 from vector<1xf32>
        %slice3A_253 = vector.extract_strided_slice %get3A_242 {offsets = [1], sizes = [1], strides = [1]} : vector<16xf32> to vector<1xf32>
        %squeeze3A_254 = vector.extract %slice3A_253[0] : f32 from vector<1xf32>
        %broadcast_in_dim3A_255 = vector.broadcast %squeeze3A_252 : f32 to vector<16xf32>
        %broadcast_in_dim3A_256 = vector.broadcast %squeeze3A_254 : f32 to vector<16xf32>
        %select_n3A_257 = arith.select %lt3A_74, %broadcast_in_dim3A_255, %broadcast_in_dim3A_256 : vector<16xi1>, vector<16xf32>
        %add3A_258 = arith.constant 1 : i32
        %add3A_259 = arith.addi %mul3A_238, %add3A_258 : i32
        %broadcast_in_dim3A_260 = vector.broadcast %add3A_259 : i32 to vector<16xi32>
        %mul3A_261 = arith.mulf %select_n3A_257, %get3A_3 : vector<16xf32>
        tpu.vector_store_idx %arg40[%broadcast_in_dim3A_260, %add3A_78], %mul3A_261 : memref<400x64xf32, #tpu.memory_space<vmem>>[vector<16xi32>, vector<16xi32>], vector<16xf32>,
        %slice3A_262 = vector.extract_strided_slice %get3A_240 {offsets = [2], sizes = [1], strides = [1]} : vector<16xf32> to vector<1xf32>
        %squeeze3A_263 = vector.extract %slice3A_262[0] : f32 from vector<1xf32>
        %slice3A_264 = vector.extract_strided_slice %get3A_242 {offsets = [2], sizes = [1], strides = [1]} : vector<16xf32> to vector<1xf32>
        %squeeze3A_265 = vector.extract %slice3A_264[0] : f32 from vector<1xf32>
        %broadcast_in_dim3A_266 = vector.broadcast %squeeze3A_263 : f32 to vector<16xf32>
        %broadcast_in_dim3A_267 = vector.broadcast %squeeze3A_265 : f32 to vector<16xf32>
        %select_n3A_268 = arith.select %lt3A_74, %broadcast_in_dim3A_266, %broadcast_in_dim3A_267 : vector<16xi1>, vector<16xf32>
        %add3A_269 = arith.constant 2 : i32
        %add3A_270 = arith.addi %mul3A_238, %add3A_269 : i32
        %broadcast_in_dim3A_271 = vector.broadcast %add3A_270 : i32 to vector<16xi32>
        %mul3A_272 = arith.mulf %select_n3A_268, %get3A_3 : vector<16xf32>
        tpu.vector_store_idx %arg40[%broadcast_in_dim3A_271, %add3A_78], %mul3A_272 : memref<400x64xf32, #tpu.memory_space<vmem>>[vector<16xi32>, vector<16xi32>], vector<16xf32>,
        %slice3A_273 = vector.extract_strided_slice %get3A_240 {offsets = [3], sizes = [1], strides = [1]} : vector<16xf32> to vector<1xf32>
        %squeeze3A_274 = vector.extract %slice3A_273[0] : f32 from vector<1xf32>
        %slice3A_275 = vector.extract_strided_slice %get3A_242 {offsets = [3], sizes = [1], strides = [1]} : vector<16xf32> to vector<1xf32>
        %squeeze3A_276 = vector.extract %slice3A_275[0] : f32 from vector<1xf32>
        %broadcast_in_dim3A_277 = vector.broadcast %squeeze3A_274 : f32 to vector<16xf32>
        %broadcast_in_dim3A_278 = vector.broadcast %squeeze3A_276 : f32 to vector<16xf32>
        %select_n3A_279 = arith.select %lt3A_74, %broadcast_in_dim3A_277, %broadcast_in_dim3A_278 : vector<16xi1>, vector<16xf32>
        %add3A_280 = arith.constant 3 : i32
        %add3A_281 = arith.addi %mul3A_238, %add3A_280 : i32
        %broadcast_in_dim3A_282 = vector.broadcast %add3A_281 : i32 to vector<16xi32>
        %mul3A_283 = arith.mulf %select_n3A_279, %get3A_3 : vector<16xf32>
        tpu.vector_store_idx %arg40[%broadcast_in_dim3A_282, %add3A_78], %mul3A_283 : memref<400x64xf32, #tpu.memory_space<vmem>>[vector<16xi32>, vector<16xi32>], vector<16xf32>,
        %slice3A_284 = vector.extract_strided_slice %get3A_240 {offsets = [4], sizes = [1], strides = [1]} : vector<16xf32> to vector<1xf32>
        %squeeze3A_285 = vector.extract %slice3A_284[0] : f32 from vector<1xf32>
        %slice3A_286 = vector.extract_strided_slice %get3A_242 {offsets = [4], sizes = [1], strides = [1]} : vector<16xf32> to vector<1xf32>
        %squeeze3A_287 = vector.extract %slice3A_286[0] : f32 from vector<1xf32>
        %broadcast_in_dim3A_288 = vector.broadcast %squeeze3A_285 : f32 to vector<16xf32>
        %broadcast_in_dim3A_289 = vector.broadcast %squeeze3A_287 : f32 to vector<16xf32>
        %select_n3A_290 = arith.select %lt3A_74, %broadcast_in_dim3A_288, %broadcast_in_dim3A_289 : vector<16xi1>, vector<16xf32>
        %add3A_291 = arith.constant 4 : i32
        %add3A_292 = arith.addi %mul3A_238, %add3A_291 : i32
        %broadcast_in_dim3A_293 = vector.broadcast %add3A_292 : i32 to vector<16xi32>
        %mul3A_294 = arith.mulf %select_n3A_290, %get3A_3 : vector<16xf32>
        tpu.vector_store_idx %arg40[%broadcast_in_dim3A_293, %add3A_78], %mul3A_294 : memref<400x64xf32, #tpu.memory_space<vmem>>[vector<16xi32>, vector<16xi32>], vector<16xf32>,
        %slice3A_295 = vector.extract_strided_slice %get3A_240 {offsets = [5], sizes = [1], strides = [1]} : vector<16xf32> to vector<1xf32>
        %squeeze3A_296 = vector.extract %slice3A_295[0] : f32 from vector<1xf32>
        %slice3A_297 = vector.extract_strided_slice %get3A_242 {offsets = [5], sizes = [1], strides = [1]} : vector<16xf32> to vector<1xf32>
        %squeeze3A_298 = vector.extract %slice3A_297[0] : f32 from vector<1xf32>
        %broadcast_in_dim3A_299 = vector.broadcast %squeeze3A_296 : f32 to vector<16xf32>
        %broadcast_in_dim3A_300 = vector.broadcast %squeeze3A_298 : f32 to vector<16xf32>
        %select_n3A_301 = arith.select %lt3A_74, %broadcast_in_dim3A_299, %broadcast_in_dim3A_300 : vector<16xi1>, vector<16xf32>
        %add3A_302 = arith.constant 5 : i32
        %add3A_303 = arith.addi %mul3A_238, %add3A_302 : i32
        %broadcast_in_dim3A_304 = vector.broadcast %add3A_303 : i32 to vector<16xi32>
        %mul3A_305 = arith.mulf %select_n3A_301, %get3A_3 : vector<16xf32>
        tpu.vector_store_idx %arg40[%broadcast_in_dim3A_304, %add3A_78], %mul3A_305 : memref<400x64xf32, #tpu.memory_space<vmem>>[vector<16xi32>, vector<16xi32>], vector<16xf32>,
        %slice3A_306 = vector.extract_strided_slice %get3A_240 {offsets = [6], sizes = [1], strides = [1]} : vector<16xf32> to vector<1xf32>
        %squeeze3A_307 = vector.extract %slice3A_306[0] : f32 from vector<1xf32>
        %slice3A_308 = vector.extract_strided_slice %get3A_242 {offsets = [6], sizes = [1], strides = [1]} : vector<16xf32> to vector<1xf32>
        %squeeze3A_309 = vector.extract %slice3A_308[0] : f32 from vector<1xf32>
        %broadcast_in_dim3A_310 = vector.broadcast %squeeze3A_307 : f32 to vector<16xf32>
        %broadcast_in_dim3A_311 = vector.broadcast %squeeze3A_309 : f32 to vector<16xf32>
        %select_n3A_312 = arith.select %lt3A_74, %broadcast_in_dim3A_310, %broadcast_in_dim3A_311 : vector<16xi1>, vector<16xf32>
        %add3A_313 = arith.constant 6 : i32
        %add3A_314 = arith.addi %mul3A_238, %add3A_313 : i32
        %broadcast_in_dim3A_315 = vector.broadcast %add3A_314 : i32 to vector<16xi32>
        %mul3A_316 = arith.mulf %select_n3A_312, %get3A_3 : vector<16xf32>
        tpu.vector_store_idx %arg40[%broadcast_in_dim3A_315, %add3A_78], %mul3A_316 : memref<400x64xf32, #tpu.memory_space<vmem>>[vector<16xi32>, vector<16xi32>], vector<16xf32>,
        %slice3A_317 = vector.extract_strided_slice %get3A_240 {offsets = [7], sizes = [1], strides = [1]} : vector<16xf32> to vector<1xf32>
        %squeeze3A_318 = vector.extract %slice3A_317[0] : f32 from vector<1xf32>
        %slice3A_319 = vector.extract_strided_slice %get3A_242 {offsets = [7], sizes = [1], strides = [1]} : vector<16xf32> to vector<1xf32>
        %squeeze3A_320 = vector.extract %slice3A_319[0] : f32 from vector<1xf32>
        %broadcast_in_dim3A_321 = vector.broadcast %squeeze3A_318 : f32 to vector<16xf32>
        %broadcast_in_dim3A_322 = vector.broadcast %squeeze3A_320 : f32 to vector<16xf32>
        %select_n3A_323 = arith.select %lt3A_74, %broadcast_in_dim3A_321, %broadcast_in_dim3A_322 : vector<16xi1>, vector<16xf32>
        %add3A_324 = arith.constant 7 : i32
        %add3A_325 = arith.addi %mul3A_238, %add3A_324 : i32
        %broadcast_in_dim3A_326 = vector.broadcast %add3A_325 : i32 to vector<16xi32>
        %mul3A_327 = arith.mulf %select_n3A_323, %get3A_3 : vector<16xf32>
        tpu.vector_store_idx %arg40[%broadcast_in_dim3A_326, %add3A_78], %mul3A_327 : memref<400x64xf32, #tpu.memory_space<vmem>>[vector<16xi32>, vector<16xi32>], vector<16xf32>,
        %slice3A_328 = vector.extract_strided_slice %get3A_240 {offsets = [8], sizes = [1], strides = [1]} : vector<16xf32> to vector<1xf32>
        %squeeze3A_329 = vector.extract %slice3A_328[0] : f32 from vector<1xf32>
        %slice3A_330 = vector.extract_strided_slice %get3A_242 {offsets = [8], sizes = [1], strides = [1]} : vector<16xf32> to vector<1xf32>
        %squeeze3A_331 = vector.extract %slice3A_330[0] : f32 from vector<1xf32>
        %broadcast_in_dim3A_332 = vector.broadcast %squeeze3A_329 : f32 to vector<16xf32>
        %broadcast_in_dim3A_333 = vector.broadcast %squeeze3A_331 : f32 to vector<16xf32>
        %select_n3A_334 = arith.select %lt3A_74, %broadcast_in_dim3A_332, %broadcast_in_dim3A_333 : vector<16xi1>, vector<16xf32>
        %add3A_335 = arith.constant 8 : i32
        %add3A_336 = arith.addi %mul3A_238, %add3A_335 : i32
        %broadcast_in_dim3A_337 = vector.broadcast %add3A_336 : i32 to vector<16xi32>
        %mul3A_338 = arith.mulf %select_n3A_334, %get3A_3 : vector<16xf32>
        tpu.vector_store_idx %arg40[%broadcast_in_dim3A_337, %add3A_78], %mul3A_338 : memref<400x64xf32, #tpu.memory_space<vmem>>[vector<16xi32>, vector<16xi32>], vector<16xf32>,
        %slice3A_339 = vector.extract_strided_slice %get3A_240 {offsets = [9], sizes = [1], strides = [1]} : vector<16xf32> to vector<1xf32>
        %squeeze3A_340 = vector.extract %slice3A_339[0] : f32 from vector<1xf32>
        %slice3A_341 = vector.extract_strided_slice %get3A_242 {offsets = [9], sizes = [1], strides = [1]} : vector<16xf32> to vector<1xf32>
        %squeeze3A_342 = vector.extract %slice3A_341[0] : f32 from vector<1xf32>
        %broadcast_in_dim3A_343 = vector.broadcast %squeeze3A_340 : f32 to vector<16xf32>
        %broadcast_in_dim3A_344 = vector.broadcast %squeeze3A_342 : f32 to vector<16xf32>
        %select_n3A_345 = arith.select %lt3A_74, %broadcast_in_dim3A_343, %broadcast_in_dim3A_344 : vector<16xi1>, vector<16xf32>
        %add3A_346 = arith.constant 9 : i32
        %add3A_347 = arith.addi %mul3A_238, %add3A_346 : i32
        %broadcast_in_dim3A_348 = vector.broadcast %add3A_347 : i32 to vector<16xi32>
        %mul3A_349 = arith.mulf %select_n3A_345, %get3A_3 : vector<16xf32>
        tpu.vector_store_idx %arg40[%broadcast_in_dim3A_348, %add3A_78], %mul3A_349 : memref<400x64xf32, #tpu.memory_space<vmem>>[vector<16xi32>, vector<16xi32>], vector<16xf32>,
        %slice3A_350 = vector.extract_strided_slice %get3A_240 {offsets = [10], sizes = [1], strides = [1]} : vector<16xf32> to vector<1xf32>
        %squeeze3A_351 = vector.extract %slice3A_350[0] : f32 from vector<1xf32>
        %slice3A_352 = vector.extract_strided_slice %get3A_242 {offsets = [10], sizes = [1], strides = [1]} : vector<16xf32> to vector<1xf32>
        %squeeze3A_353 = vector.extract %slice3A_352[0] : f32 from vector<1xf32>
        %broadcast_in_dim3A_354 = vector.broadcast %squeeze3A_351 : f32 to vector<16xf32>
        %broadcast_in_dim3A_355 = vector.broadcast %squeeze3A_353 : f32 to vector<16xf32>
        %select_n3A_356 = arith.select %lt3A_74, %broadcast_in_dim3A_354, %broadcast_in_dim3A_355 : vector<16xi1>, vector<16xf32>
        %add3A_357 = arith.constant 10 : i32
        %add3A_358 = arith.addi %mul3A_238, %add3A_357 : i32
        %broadcast_in_dim3A_359 = vector.broadcast %add3A_358 : i32 to vector<16xi32>
        %mul3A_360 = arith.mulf %select_n3A_356, %get3A_3 : vector<16xf32>
        tpu.vector_store_idx %arg40[%broadcast_in_dim3A_359, %add3A_78], %mul3A_360 : memref<400x64xf32, #tpu.memory_space<vmem>>[vector<16xi32>, vector<16xi32>], vector<16xf32>,
        %slice3A_361 = vector.extract_strided_slice %get3A_240 {offsets = [11], sizes = [1], strides = [1]} : vector<16xf32> to vector<1xf32>
        %squeeze3A_362 = vector.extract %slice3A_361[0] : f32 from vector<1xf32>
        %slice3A_363 = vector.extract_strided_slice %get3A_242 {offsets = [11], sizes = [1], strides = [1]} : vector<16xf32> to vector<1xf32>
        %squeeze3A_364 = vector.extract %slice3A_363[0] : f32 from vector<1xf32>
        %broadcast_in_dim3A_365 = vector.broadcast %squeeze3A_362 : f32 to vector<16xf32>
        %broadcast_in_dim3A_366 = vector.broadcast %squeeze3A_364 : f32 to vector<16xf32>
        %select_n3A_367 = arith.select %lt3A_74, %broadcast_in_dim3A_365, %broadcast_in_dim3A_366 : vector<16xi1>, vector<16xf32>
        %add3A_368 = arith.constant 11 : i32
        %add3A_369 = arith.addi %mul3A_238, %add3A_368 : i32
        %broadcast_in_dim3A_370 = vector.broadcast %add3A_369 : i32 to vector<16xi32>
        %mul3A_371 = arith.mulf %select_n3A_367, %get3A_3 : vector<16xf32>
        tpu.vector_store_idx %arg40[%broadcast_in_dim3A_370, %add3A_78], %mul3A_371 : memref<400x64xf32, #tpu.memory_space<vmem>>[vector<16xi32>, vector<16xi32>], vector<16xf32>,
        %slice3A_372 = vector.extract_strided_slice %get3A_240 {offsets = [12], sizes = [1], strides = [1]} : vector<16xf32> to vector<1xf32>
        %squeeze3A_373 = vector.extract %slice3A_372[0] : f32 from vector<1xf32>
        %slice3A_374 = vector.extract_strided_slice %get3A_242 {offsets = [12], sizes = [1], strides = [1]} : vector<16xf32> to vector<1xf32>
        %squeeze3A_375 = vector.extract %slice3A_374[0] : f32 from vector<1xf32>
        %broadcast_in_dim3A_376 = vector.broadcast %squeeze3A_373 : f32 to vector<16xf32>
        %broadcast_in_dim3A_377 = vector.broadcast %squeeze3A_375 : f32 to vector<16xf32>
        %select_n3A_378 = arith.select %lt3A_74, %broadcast_in_dim3A_376, %broadcast_in_dim3A_377 : vector<16xi1>, vector<16xf32>
        %add3A_379 = arith.constant 12 : i32
        %add3A_380 = arith.addi %mul3A_238, %add3A_379 : i32
        %broadcast_in_dim3A_381 = vector.broadcast %add3A_380 : i32 to vector<16xi32>
        %mul3A_382 = arith.mulf %select_n3A_378, %get3A_3 : vector<16xf32>
        tpu.vector_store_idx %arg40[%broadcast_in_dim3A_381, %add3A_78], %mul3A_382 : memref<400x64xf32, #tpu.memory_space<vmem>>[vector<16xi32>, vector<16xi32>], vector<16xf32>,
        %slice3A_383 = vector.extract_strided_slice %get3A_240 {offsets = [13], sizes = [1], strides = [1]} : vector<16xf32> to vector<1xf32>
        %squeeze3A_384 = vector.extract %slice3A_383[0] : f32 from vector<1xf32>
        %slice3A_385 = vector.extract_strided_slice %get3A_242 {offsets = [13], sizes = [1], strides = [1]} : vector<16xf32> to vector<1xf32>
        %squeeze3A_386 = vector.extract %slice3A_385[0] : f32 from vector<1xf32>
        %broadcast_in_dim3A_387 = vector.broadcast %squeeze3A_384 : f32 to vector<16xf32>
        %broadcast_in_dim3A_388 = vector.broadcast %squeeze3A_386 : f32 to vector<16xf32>
        %select_n3A_389 = arith.select %lt3A_74, %broadcast_in_dim3A_387, %broadcast_in_dim3A_388 : vector<16xi1>, vector<16xf32>
        %add3A_390 = arith.constant 13 : i32
        %add3A_391 = arith.addi %mul3A_238, %add3A_390 : i32
        %broadcast_in_dim3A_392 = vector.broadcast %add3A_391 : i32 to vector<16xi32>
        %mul3A_393 = arith.mulf %select_n3A_389, %get3A_3 : vector<16xf32>
        tpu.vector_store_idx %arg40[%broadcast_in_dim3A_392, %add3A_78], %mul3A_393 : memref<400x64xf32, #tpu.memory_space<vmem>>[vector<16xi32>, vector<16xi32>], vector<16xf32>,
        %slice3A_394 = vector.extract_strided_slice %get3A_240 {offsets = [14], sizes = [1], strides = [1]} : vector<16xf32> to vector<1xf32>
        %squeeze3A_395 = vector.extract %slice3A_394[0] : f32 from vector<1xf32>
        %slice3A_396 = vector.extract_strided_slice %get3A_242 {offsets = [14], sizes = [1], strides = [1]} : vector<16xf32> to vector<1xf32>
        %squeeze3A_397 = vector.extract %slice3A_396[0] : f32 from vector<1xf32>
        %broadcast_in_dim3A_398 = vector.broadcast %squeeze3A_395 : f32 to vector<16xf32>
        %broadcast_in_dim3A_399 = vector.broadcast %squeeze3A_397 : f32 to vector<16xf32>
        %select_n3A_400 = arith.select %lt3A_74, %broadcast_in_dim3A_398, %broadcast_in_dim3A_399 : vector<16xi1>, vector<16xf32>
        %add3A_401 = arith.constant 14 : i32
        %add3A_402 = arith.addi %mul3A_238, %add3A_401 : i32
        %broadcast_in_dim3A_403 = vector.broadcast %add3A_402 : i32 to vector<16xi32>
        %mul3A_404 = arith.mulf %select_n3A_400, %get3A_3 : vector<16xf32>
        tpu.vector_store_idx %arg40[%broadcast_in_dim3A_403, %add3A_78], %mul3A_404 : memref<400x64xf32, #tpu.memory_space<vmem>>[vector<16xi32>, vector<16xi32>], vector<16xf32>,
        %slice3A_405 = vector.extract_strided_slice %get3A_240 {offsets = [15], sizes = [1], strides = [1]} : vector<16xf32> to vector<1xf32>
        %squeeze3A_406 = vector.extract %slice3A_405[0] : f32 from vector<1xf32>
        %slice3A_407 = vector.extract_strided_slice %get3A_242 {offsets = [15], sizes = [1], strides = [1]} : vector<16xf32> to vector<1xf32>
        %squeeze3A_408 = vector.extract %slice3A_407[0] : f32 from vector<1xf32>
        %broadcast_in_dim3A_409 = vector.broadcast %squeeze3A_406 : f32 to vector<16xf32>
        %broadcast_in_dim3A_410 = vector.broadcast %squeeze3A_408 : f32 to vector<16xf32>
        %select_n3A_411 = arith.select %lt3A_74, %broadcast_in_dim3A_409, %broadcast_in_dim3A_410 : vector<16xi1>, vector<16xf32>
        %add3A_412 = arith.constant 15 : i32
        %add3A_413 = arith.addi %mul3A_238, %add3A_412 : i32
        %broadcast_in_dim3A_414 = vector.broadcast %add3A_413 : i32 to vector<16xi32>
        %mul3A_415 = arith.mulf %select_n3A_411, %get3A_3 : vector<16xf32>
        tpu.vector_store_idx %arg40[%broadcast_in_dim3A_414, %add3A_78], %mul3A_415 : memref<400x64xf32, #tpu.memory_space<vmem>>[vector<16xi32>, vector<16xi32>], vector<16xf32>,
      }
      %scan3A_211 = arith.constant 25 : i32
      %add3A_212 = arith.constant 1 : i32
      %add3A_213 = arith.addi %add3A_195, %add3A_212 : i32
      %lt3A_214 = arith.constant 64 : i32
      %lt3A_215 = arith.cmpi slt, %add3A_213, %lt3A_214 : i32
      %convert_element_type3A_216 = arith.extui %lt3A_215 : i1 to i32
      %cond3A_217 = arith.constant 0 : i32
      %cond3A_218 = arith.cmpi ne, %convert_element_type3A_216, %cond3A_217 : i32
      scf.if %cond3A_218 {
        %add3A_236 = arith.constant 1 : i32
        %add3A_237 = arith.addi %add3A_195, %add3A_236 : i32
        %mul3A_238 = arith.constant 400 : i32
        %mul3A_239 = arith.muli %add3A_237, %mul3A_238 : i32
        %add3A_240 = arith.addi %mul3A_2, %mul3A_239 : i32
        %dma_wait3A_241 = tpu.memref_slice %arg2[%add3A_240] : memref<819200xi32, #tpu.memory_space<hbm>> -> memref<400xi32, #tpu.memory_space<hbm>>
        %dma_wait3A_242 = tpu.memref_slice %arg2[%add3A_240] : memref<819200xi32, #tpu.memory_space<hbm>> -> memref<400xi32, #tpu.memory_space<hbm>>
        tpu.wait_dma2 semaphore(%arg42 : memref<!tpu.dma_semaphore, #tpu.memory_space<semaphore_mem>>) src(%dma_wait3A_242 : memref<400xi32, #tpu.memory_space<hbm>>) dst(%arg16 : memref<400xi32, #tpu.memory_space<vmem>>)
        %dma_wait3A_243 = tpu.memref_slice %arg3[%add3A_240] : memref<819200xi32, #tpu.memory_space<hbm>> -> memref<400xi32, #tpu.memory_space<hbm>>
        %dma_wait3A_244 = tpu.memref_slice %arg3[%add3A_240] : memref<819200xi32, #tpu.memory_space<hbm>> -> memref<400xi32, #tpu.memory_space<hbm>>
        tpu.wait_dma2 semaphore(%arg42 : memref<!tpu.dma_semaphore, #tpu.memory_space<semaphore_mem>>) src(%dma_wait3A_244 : memref<400xi32, #tpu.memory_space<hbm>>) dst(%arg18 : memref<400xi32, #tpu.memory_space<vmem>>)
        %dma_wait3A_245 = tpu.memref_slice %arg4[%add3A_240] : memref<819200xi32, #tpu.memory_space<hbm>> -> memref<400xi32, #tpu.memory_space<hbm>>
        %dma_wait3A_246 = tpu.memref_slice %arg4[%add3A_240] : memref<819200xi32, #tpu.memory_space<hbm>> -> memref<400xi32, #tpu.memory_space<hbm>>
        tpu.wait_dma2 semaphore(%arg42 : memref<!tpu.dma_semaphore, #tpu.memory_space<semaphore_mem>>) src(%dma_wait3A_246 : memref<400xi32, #tpu.memory_space<hbm>>) dst(%arg20 : memref<400xi32, #tpu.memory_space<vmem>>)
        %dma_wait3A_247 = tpu.memref_slice %arg5[%add3A_240] : memref<819200xi32, #tpu.memory_space<hbm>> -> memref<400xi32, #tpu.memory_space<hbm>>
        %dma_wait3A_248 = tpu.memref_slice %arg5[%add3A_240] : memref<819200xi32, #tpu.memory_space<hbm>> -> memref<400xi32, #tpu.memory_space<hbm>>
        tpu.wait_dma2 semaphore(%arg42 : memref<!tpu.dma_semaphore, #tpu.memory_space<semaphore_mem>>) src(%dma_wait3A_248 : memref<400xi32, #tpu.memory_space<hbm>>) dst(%arg22 : memref<400xi32, #tpu.memory_space<vmem>>)
        %dma_wait3A_249 = tpu.memref_slice %arg6[%add3A_240] : memref<819200xi32, #tpu.memory_space<hbm>> -> memref<400xi32, #tpu.memory_space<hbm>>
        %dma_wait3A_250 = tpu.memref_slice %arg6[%add3A_240] : memref<819200xi32, #tpu.memory_space<hbm>> -> memref<400xi32, #tpu.memory_space<hbm>>
        tpu.wait_dma2 semaphore(%arg42 : memref<!tpu.dma_semaphore, #tpu.memory_space<semaphore_mem>>) src(%dma_wait3A_250 : memref<400xi32, #tpu.memory_space<hbm>>) dst(%arg24 : memref<400xi32, #tpu.memory_space<vmem>>)
        %dma_wait3A_251 = tpu.memref_slice %arg7[%add3A_240] : memref<819200xf32, #tpu.memory_space<hbm>> -> memref<400xf32, #tpu.memory_space<hbm>>
        %dma_wait3A_252 = tpu.memref_slice %arg7[%add3A_240] : memref<819200xf32, #tpu.memory_space<hbm>> -> memref<400xf32, #tpu.memory_space<hbm>>
        tpu.wait_dma2 semaphore(%arg42 : memref<!tpu.dma_semaphore, #tpu.memory_space<semaphore_mem>>) src(%dma_wait3A_252 : memref<400xf32, #tpu.memory_space<hbm>>) dst(%arg26 : memref<400xf32, #tpu.memory_space<vmem>>)
        %dma_wait3A_253 = tpu.memref_slice %arg8[%add3A_240] : memref<819200xf32, #tpu.memory_space<hbm>> -> memref<400xf32, #tpu.memory_space<hbm>>
        %dma_wait3A_254 = tpu.memref_slice %arg8[%add3A_240] : memref<819200xf32, #tpu.memory_space<hbm>> -> memref<400xf32, #tpu.memory_space<hbm>>
        tpu.wait_dma2 semaphore(%arg42 : memref<!tpu.dma_semaphore, #tpu.memory_space<semaphore_mem>>) src(%dma_wait3A_254 : memref<400xf32, #tpu.memory_space<hbm>>) dst(%arg28 : memref<400xf32, #tpu.memory_space<vmem>>)
        %ge3A = arith.constant 1 : i32
        %ge3A_255 = arith.cmpi sge, %add3A_195, %ge3A : i32
        %convert_element_type3A_256 = arith.extui %ge3A_255 : i1 to i32
        %cond3A_257 = arith.constant 0 : i32
        %cond3A_258 = arith.cmpi ne, %convert_element_type3A_256, %cond3A_257 : i32
        scf.if %cond3A_258 {
          %sub3A = arith.constant 1 : i32
          %sub3A_276 = arith.subi %add3A_195, %sub3A : i32
          %mul3A_277 = arith.constant 400 : i32
          %mul3A_278 = arith.muli %sub3A_276, %mul3A_277 : i32
          %add3A_279 = arith.addi %mul3A_2, %mul3A_278 : i32
          %dma_wait3A_280 = arith.constant 0 : i32
          %dma_wait3A_281 = tpu.memref_slice %arg15[%add3A_279, %dma_wait3A_280] : memref<819200x128xf32, #tpu.memory_space<hbm>> -> memref<400x64xf32, #tpu.memory_space<hbm>>
          %dma_wait3A_282 = arith.constant 0 : i32
          %dma_wait3A_283 = tpu.memref_slice %arg15[%add3A_279, %dma_wait3A_282] : memref<819200x128xf32, #tpu.memory_space<hbm>> -> memref<400x64xf32, #tpu.memory_space<hbm>>
          tpu.wait_dma2 semaphore(%arg48 : memref<!tpu.dma_semaphore, #tpu.memory_space<semaphore_mem>>) src(%arg37 : memref<400x64xf32, #tpu.memory_space<vmem>>) dst(%dma_wait3A_283 : memref<400x64xf32, #tpu.memory_space<hbm>>)
        } else {
        }
        %dma_start3A_259 = arith.constant 0 : i32
        %dma_start3A_260 = arith.constant 0 : i32
        %dma_start3A_261 = tpu.memref_slice %arg9[%dma_start3A_259, %dma_start3A_260] : memref<100001x64xf32, #tpu.memory_space<hbm>> -> memref<100001x64xf32, #tpu.memory_space<hbm>>
        tpu.enqueue_indirect_dma source(%dma_start3A_261 : memref<100001x64xf32, #tpu.memory_space<hbm>>) target(%arg37 : memref<400x64xf32, #tpu.memory_space<vmem>>) offsets(%arg16 : memref<400xi32, #tpu.memory_space<vmem>>) semaphore(%arg44 : memref<!tpu.dma_semaphore, #tpu.memory_space<semaphore_mem>>)
        %scan3A_262 = arith.constant 0 : i32
        %scan3A_263 = arith.constant 0 : i32
        %scan3A_264 = arith.constant 25 : i32
        %scan3A_265 = arith.addi %scan3A_263, %scan3A_264 : i32
        %scan3A_266 = arith.constant 1 : i32
        scf.for %scan3A_276 = %scan3A_263 to %scan3A_265 step %scan3A_266  : i32 {
          %mul3A_277 = arith.constant 16 : i32
          %mul3A_278 = arith.muli %scan3A_276, %mul3A_277 : i32
          %get3A_279 = arith.index_cast %mul3A_278 : i32 to index
          %get3A_280 = tpu.vector_load %arg18[%get3A_279] {strides = array<i32>} : memref<400xi32, #tpu.memory_space<vmem>>, vector<16xi32>,
          %get3A_281 = arith.index_cast %mul3A_278 : i32 to index
          %get3A_282 = tpu.vector_load %arg20[%get3A_281] {strides = array<i32>} : memref<400xi32, #tpu.memory_space<vmem>>, vector<16xi32>,
          %get3A_283 = arith.index_cast %mul3A_278 : i32 to index
          %get3A_284 = tpu.vector_load %arg22[%get3A_283] {strides = array<i32>} : memref<400xi32, #tpu.memory_space<vmem>>, vector<16xi32>,
          %get3A_285 = arith.index_cast %mul3A_278 : i32 to index
          %get3A_286 = tpu.vector_load %arg24[%get3A_285] {strides = array<i32>} : memref<400xi32, #tpu.memory_space<vmem>>, vector<16xi32>,
          %mul3A_287 = arith.constant 72 : i32
          %mul3A_288 = vector.broadcast %mul3A_287 : i32 to vector<16xi32>
          %mul3A_289 = arith.muli %get3A_280, %mul3A_288 : vector<16xi32>
          %mul3A_290 = arith.constant 9 : i32
          %mul3A_291 = vector.broadcast %mul3A_290 : i32 to vector<16xi32>
          %mul3A_292 = arith.muli %get3A_282, %mul3A_291 : vector<16xi32>
          %add3A_293 = arith.addi %mul3A_289, %mul3A_292 : vector<16xi32>
          %mul3A_294 = arith.constant 3 : i32
          %mul3A_295 = vector.broadcast %mul3A_294 : i32 to vector<16xi32>
          %mul3A_296 = arith.muli %get3A_284, %mul3A_295 : vector<16xi32>
          %add3A_297 = arith.addi %add3A_293, %mul3A_296 : vector<16xi32>
          %add3A_298 = arith.addi %add3A_297, %get3A_286 : vector<16xi32>
          %swap3A = arith.index_cast %mul3A_278 : i32 to index
          %swap3A_299 = tpu.vector_load %arg30[%swap3A] {strides = array<i32>} : memref<400xi32, #tpu.memory_space<vmem>>, vector<16xi32>,
          tpu.vector_store %arg30[%swap3A], %add3A_298 {strides = array<i32>} : memref<400xi32, #tpu.memory_space<vmem>>, vector<16xi32>,
        }
        %scan3A_267 = arith.constant 25 : i32
        %ge3A_268 = arith.constant 1 : i32
        %ge3A_269 = arith.cmpi sge, %add3A_195, %ge3A_268 : i32
        %convert_element_type3A_270 = arith.extui %ge3A_269 : i1 to i32
        %cond3A_271 = arith.constant 0 : i32
        %cond3A_272 = arith.cmpi ne, %convert_element_type3A_270, %cond3A_271 : i32
        scf.if %cond3A_272 {
          %sub3A = arith.constant 1 : i32
          %sub3A_276 = arith.subi %add3A_195, %sub3A : i32
          %mul3A_277 = arith.constant 400 : i32
          %mul3A_278 = arith.muli %sub3A_276, %mul3A_277 : i32
          %add3A_279 = arith.addi %mul3A_2, %mul3A_278 : i32
          %dma_wait3A_280 = arith.constant 64 : i32
          %dma_wait3A_281 = tpu.memref_slice %arg15[%add3A_279, %dma_wait3A_280] : memref<819200x128xf32, #tpu.memory_space<hbm>> -> memref<400x64xf32, #tpu.memory_space<hbm>>
          %dma_wait3A_282 = arith.constant 64 : i32
          %dma_wait3A_283 = tpu.memref_slice %arg15[%add3A_279, %dma_wait3A_282] : memref<819200x128xf32, #tpu.memory_space<hbm>> -> memref<400x64xf32, #tpu.memory_space<hbm>>
          tpu.wait_dma2 semaphore(%arg50 : memref<!tpu.dma_semaphore, #tpu.memory_space<semaphore_mem>>) src(%arg39 : memref<400x64xf32, #tpu.memory_space<vmem>>) dst(%dma_wait3A_283 : memref<400x64xf32, #tpu.memory_space<hbm>>)
        } else {
        }
        %dma_start3A_273 = arith.constant 0 : i32
        %dma_start3A_274 = arith.constant 0 : i32
        %dma_start3A_275 = tpu.memref_slice %arg41[%dma_start3A_273, %dma_start3A_274] : memref<1024x64xf32, #tpu.memory_space<vmem_shared>> -> memref<1024x64xf32, #tpu.memory_space<vmem_shared>>
        tpu.enqueue_indirect_dma source(%dma_start3A_275 : memref<1024x64xf32, #tpu.memory_space<vmem_shared>>) target(%arg39 : memref<400x64xf32, #tpu.memory_space<vmem>>) offsets(%arg30 : memref<400xi32, #tpu.memory_space<vmem>>) semaphore(%arg46 : memref<!tpu.dma_semaphore, #tpu.memory_space<semaphore_mem>>)
      } else {
      }
      %dma_wait3A_219 = arith.constant 0 : i32
      %dma_wait3A_220 = arith.constant 0 : i32
      %dma_wait3A_221 = tpu.memref_slice %arg9[%dma_wait3A_219, %dma_wait3A_220] : memref<100001x64xf32, #tpu.memory_space<hbm>> -> memref<100001x64xf32, #tpu.memory_space<hbm>>
      tpu.wait_indirect_dma semaphore(%arg45 : memref<!tpu.dma_semaphore, #tpu.memory_space<semaphore_mem>>) src(%dma_wait3A_221 : memref<100001x64xf32, #tpu.memory_space<hbm>>) dst(%arg38 : memref<400x64xf32, #tpu.memory_space<vmem>>)
      %mul3A_222 = arith.constant 400 : i32
      %mul3A_223 = arith.muli %add3A_195, %mul3A_222 : i32
      %add3A_224 = arith.addi %mul3A_2, %mul3A_223 : i32
      %dma_start3A_225 = arith.constant 0 : i32
      %dma_start3A_226 = tpu.memref_slice %arg15[%add3A_224, %dma_start3A_225] : memref<819200x128xf32, #tpu.memory_space<hbm>> -> memref<400x64xf32, #tpu.memory_space<hbm>>
      %dma_start3A_227 = arith.constant 0 : i32
      %dma_start3A_228 = tpu.memref_slice %arg15[%add3A_224, %dma_start3A_227] : memref<819200x128xf32, #tpu.memory_space<hbm>> -> memref<400x64xf32, #tpu.memory_space<hbm>>
      tpu.enqueue_dma source(%arg38 : memref<400x64xf32, #tpu.memory_space<vmem>>) target(%dma_start3A_228 : memref<400x64xf32, #tpu.memory_space<hbm>>) target_semaphore(%arg49 : memref<!tpu.dma_semaphore, #tpu.memory_space<semaphore_mem>>)
      %mul3A_229 = arith.constant 400 : i32
      %mul3A_230 = arith.muli %add3A_195, %mul3A_229 : i32
      %add3A_231 = arith.addi %mul3A_2, %mul3A_230 : i32
      %dma_start3A_232 = arith.constant 64 : i32
      %dma_start3A_233 = tpu.memref_slice %arg15[%add3A_231, %dma_start3A_232] : memref<819200x128xf32, #tpu.memory_space<hbm>> -> memref<400x64xf32, #tpu.memory_space<hbm>>
      %dma_start3A_234 = arith.constant 64 : i32
      %dma_start3A_235 = tpu.memref_slice %arg15[%add3A_231, %dma_start3A_234] : memref<819200x128xf32, #tpu.memory_space<hbm>> -> memref<400x64xf32, #tpu.memory_space<hbm>>
      tpu.enqueue_dma source(%arg40 : memref<400x64xf32, #tpu.memory_space<vmem>>) target(%dma_start3A_235 : memref<400x64xf32, #tpu.memory_space<hbm>>) target_semaphore(%arg51 : memref<!tpu.dma_semaphore, #tpu.memory_space<semaphore_mem>>)
    }
    %scan3A_126 = arith.constant 32 : i32
    %add3A_127 = arith.constant 24800 : i32
    %add3A_128 = arith.addi %mul3A_2, %add3A_127 : i32
    %dma_wait3A_129 = arith.constant 0 : i32
    %dma_wait3A_130 = tpu.memref_slice %arg15[%add3A_128, %dma_wait3A_129] : memref<819200x128xf32, #tpu.memory_space<hbm>> -> memref<400x64xf32, #tpu.memory_space<hbm>>
    %dma_wait3A_131 = arith.constant 0 : i32
    %dma_wait3A_132 = tpu.memref_slice %arg15[%add3A_128, %dma_wait3A_131] : memref<819200x128xf32, #tpu.memory_space<hbm>> -> memref<400x64xf32, #tpu.memory_space<hbm>>
    tpu.wait_dma2 semaphore(%arg48 : memref<!tpu.dma_semaphore, #tpu.memory_space<semaphore_mem>>) src(%arg37 : memref<400x64xf32, #tpu.memory_space<vmem>>) dst(%dma_wait3A_132 : memref<400x64xf32, #tpu.memory_space<hbm>>)
    %add3A_133 = arith.constant 24800 : i32
    %add3A_134 = arith.addi %mul3A_2, %add3A_133 : i32
    %dma_wait3A_135 = arith.constant 64 : i32
    %dma_wait3A_136 = tpu.memref_slice %arg15[%add3A_134, %dma_wait3A_135] : memref<819200x128xf32, #tpu.memory_space<hbm>> -> memref<400x64xf32, #tpu.memory_space<hbm>>
    %dma_wait3A_137 = arith.constant 64 : i32
    %dma_wait3A_138 = tpu.memref_slice %arg15[%add3A_134, %dma_wait3A_137] : memref<819200x128xf32, #tpu.memory_space<hbm>> -> memref<400x64xf32, #tpu.memory_space<hbm>>
    tpu.wait_dma2 semaphore(%arg50 : memref<!tpu.dma_semaphore, #tpu.memory_space<semaphore_mem>>) src(%arg39 : memref<400x64xf32, #tpu.memory_space<vmem>>) dst(%dma_wait3A_138 : memref<400x64xf32, #tpu.memory_space<hbm>>)
    %add3A_139 = arith.constant 25200 : i32
    %add3A_140 = arith.addi %mul3A_2, %add3A_139 : i32
    %dma_wait3A_141 = arith.constant 0 : i32
    %dma_wait3A_142 = tpu.memref_slice %arg15[%add3A_140, %dma_wait3A_141] : memref<819200x128xf32, #tpu.memory_space<hbm>> -> memref<400x64xf32, #tpu.memory_space<hbm>>
    %dma_wait3A_143 = arith.constant 0 : i32
    %dma_wait3A_144 = tpu.memref_slice %arg15[%add3A_140, %dma_wait3A_143] : memref<819200x128xf32, #tpu.memory_space<hbm>> -> memref<400x64xf32, #tpu.memory_space<hbm>>
    tpu.wait_dma2 semaphore(%arg49 : memref<!tpu.dma_semaphore, #tpu.memory_space<semaphore_mem>>) src(%arg38 : memref<400x64xf32, #tpu.memory_space<vmem>>) dst(%dma_wait3A_144 : memref<400x64xf32, #tpu.memory_space<hbm>>)
    %add3A_145 = arith.constant 25200 : i32
    %add3A_146 = arith.addi %mul3A_2, %add3A_145 : i32
    %dma_wait3A_147 = arith.constant 64 : i32
    %dma_wait3A_148 = tpu.memref_slice %arg15[%add3A_146, %dma_wait3A_147] : memref<819200x128xf32, #tpu.memory_space<hbm>> -> memref<400x64xf32, #tpu.memory_space<hbm>>
    %dma_wait3A_149 = arith.constant 64 : i32
    %dma_wait3A_150 = tpu.memref_slice %arg15[%add3A_146, %dma_wait3A_149] : memref<819200x128xf32, #tpu.memory_space<hbm>> -> memref<400x64xf32, #tpu.memory_space<hbm>>
    tpu.wait_dma2 semaphore(%arg51 : memref<!tpu.dma_semaphore, #tpu.memory_space<semaphore_mem>>) src(%arg40 : memref<400x64xf32, #tpu.memory_space<vmem>>) dst(%dma_wait3A_150 : memref<400x64xf32, #tpu.memory_space<hbm>>)
    return
  }
}

</mosaic_0001>

<sc_bundles>
// kernel: _run.3.cloned.1.call-start
scs
__scs_entry_jumppad:
0x0: {  	(pc) =	sbr.rel $0x88, $3  }
0x1: {  	(tag) =	ssettag $0x0;
	lr =	simm.s32 $0x1  }
0x2: {  	[smem:$0x3F94] =	sst lr;
	_ =	strace $0xD0000000  }
0x3: {  	_ = 	snop  }
0x4: {  	_ = 	snop  }
0x5: {  	_ = 	snop  }
0x6: {  	_ = 	snop  }
0x7: {  	_ = 	snop  }
__scs_overlays_trampoline_lowered:
0x8: {  	[smem:$0x3FA3] =	sst s0  }
0x9: {  	[smem:$0x3FA4] =	sst s1  }
0xa: {  	[smem:$0x3FA5] =	sst s2  }
0xb: {  	[smem:$0x3FA6] =	sst s3  }
0xc: {  	[smem:$0x3FA7] =	sst s4  }
0xd: {  	[smem:$0x3FA8] =	sst s5  }
0xe: {  	[smem:$0x3FA9] =	sst s6  }
0xf: {  	[smem:$0x3FAA] =	sst s7  }
0x10: {  	[smem:$0x3FAB] =	sst s8  }
0x11: {  	[smem:$0x3FAC] =	sst s9;
	s0 =	simm.s32 @!p0 $0x0  }
0x12: {  	s1 =	sld [smem:$0x3F92];
	s0 =	simm.s32 @p0 $0x1  }
0x13: {  	[smem:$0x3FAD] =	sst s0;
	s0 =	simm.s32 @!p1 $0x0  }
0x14: {  	s2 =	sld [smem:$0x3F91];
	s0 =	simm.s32 @p1 $0x1  }
0x15: {  	[smem:$0x3FAE] =	sst s0;
	s0 =	simm.s32 @!p2 $0x0  }
0x16: {  	s3 =	sld [smem:$0x3FDB];
	s0 =	simm.s32 @p2 $0x1  }
0x17: {  	s4 =	simm.s32 $0x1BF5;
	[smem:$0x3FB0] =	sst s0  }
0x18: {  	s0 =	sld [smem:$0x3F93];
	_ =	swait.ge [sflag:s4], $0x0  }
0x19: {  	s7 =	sld [smem:$0x3F94]  }
0x1a: {  	s8 =	sadd.s32 $0xFFFFE003, lr  }
0x1b: {  	s9 =	sadd.s32 $0xFFFFFEF7, lr;
	s5 =	simm.s32 $0xFFFFFFFF;
	p2 =	slt.u32 s8, $0xFFFFF086  }
0x1c: {  	p1 =	slt.u32 s9, $0xF7A;
	s5 =	simm.s32 @!p2 $0x0  }
0x1d: {  	s5 =	simm.s32 @p1 $0x1;
	p0 =	seq.s32 s7, s2  }
0x1e: {  	s7 =	smul.u32 @!p0 $0xF7A, s2;
	p2 =	seq.s32 @!p0 s5, $0x0  }
0x1f: {  	s9 =	smul.u32 $0xF7A, s1;
	s8 =	simm.s32 @!p0 $0x1BF5;
	p2 =	por !p2, p0  }
0x20: {  	[sflag:s8] =	ssyncset.s32 @!p0 $0xFFFFF086;
	s6 =	sadd.s32 @!p0 s3, s7;
	s7 =	simm.s32 @!p0 $0x108  }
0x21: {  	s3 =	sadd.s32 s3, s9;
	s6 =	sadd.s32 @!p0 $0x88, s6;
	s7 =	simm.s32 @p2 $0x1082  }
0x22: {  	[simem:s7], [sflag:s8] =	dma.local @!p0 [hbm:s6], $0xF7A  }
0x23: {  	s9 =	sor.u32 $0xD0000000, s2;
	s6 =	simm.s32 $0x108;
	_ =	swait.ge @!p0 [sflag:s8], $0x0  }
0x24: {  	s3 =	sadd.s32 $0x88, s3;
	s6 =	simm.s32 @!p1 $0x1082;
	[sflag:s4] =	ssyncset.s32 $0xFFFFF086  }
0x25: {  	[simem:s6], [sflag:s4] =	dma.local [hbm:s3], $0xF7A  }
0x26: {  	[smem:$0x3F94] =	sst s1;
	(tag) =	ssettag s2;
	_ =	strace s9  }
0x27: {  	s1 =	sld [smem:$0x3FA4]  }
0x28: {  	s2 =	sld [smem:$0x3FA5]  }
0x29: {  	s4 =	sld [smem:$0x3FA7]  }
0x2a: {  	p0 =	seq.s32 s5, $0x0;
	s5 =	sld [smem:$0x3FA8]  }
0x2b: {  	s6 =	sld [smem:$0x3FA9]  }
0x2c: {  	s7 =	sld [smem:$0x3FAA]  }
0x2d: {  	s3 =	simm.s32 $0x108;
	s8 =	sld [smem:$0x3FAB]  }
0x2e: {  	s3 =	simm.s32 @!p0 $0x1082;
	s9 =	sld [smem:$0x3FAC]  }
0x2f: {  	lr =	sadd.s32 s0, s3;
	s0 =	sld [smem:$0x3FA3]  }
0x30: {  	s3 =	sld [smem:$0x3FA6]  }
0x31: {  	[smem:$0x3FAF] =	sst s10  }
0x32: {  	s10 =	sld [smem:$0x3FAD];
	_ =	sdelay $0x3  }
0x33: {  	p0 =	seq.s32 s10, $0x1;
	s10 =	sld [smem:$0x3FAF];
	_ =	sdelay $0x3  }
0x34: {  	[smem:$0x3FAF] =	sst s10  }
0x35: {  	s10 =	sld [smem:$0x3FAE];
	_ =	sdelay $0x3  }
0x36: {  	p1 =	seq.s32 s10, $0x1;
	s10 =	sld [smem:$0x3FAF];
	_ =	sdelay $0x3  }
0x37: {  	[smem:$0x3FAF] =	sst s10  }
0x38: {  	s10 =	sld [smem:$0x3FB0]  }
0x39: {  	_ = 	snop;
	(pc) =	sbr.ind lr, $3  }
0x3a: {  	_ = 	snop  }
0x3b: {  	_ = 	snop  }
0x3c: {  	p2 =	seq.s32 s10, $0x1;
	s10 =	sld [smem:$0x3FAF]  }
0x3d: {  	_ =	shalt  }
0x3e: {  	_ =	shalt  }
0x3f: {  	_ =	shalt  }
0x40: {  	_ =	shalt  }
0x41: {  	_ =	shalt  }
0x42: {  	_ =	shalt  }
0x43: {  	_ =	shalt  }
0x44: {  	_ =	shalt  }
0x45: {  	_ =	shalt  }
0x46: {  	_ =	shalt  }
0x47: {  	_ =	shalt  }
0x48: {  	_ =	shalt  }
0x49: {  	_ =	shalt  }
0x4a: {  	_ =	shalt  }
0x4b: {  	_ =	shalt  }
0x4c: {  	_ =	shalt  }
0x4d: {  	_ =	shalt  }
0x4e: {  	_ =	shalt  }
0x4f: {  	_ =	shalt  }
0x50: {  	_ =	shalt  }
0x51: {  	_ =	shalt  }
0x52: {  	_ =	shalt  }
0x53: {  	_ =	shalt  }
0x54: {  	_ =	shalt  }
0x55: {  	_ =	shalt  }
0x56: {  	_ =	shalt  }
0x57: {  	_ =	shalt  }
0x58: {  	_ =	shalt  }
0x59: {  	_ =	shalt  }
0x5a: {  	_ =	shalt  }
0x5b: {  	_ =	shalt  }
0x5c: {  	_ =	shalt  }
0x5d: {  	_ =	shalt  }
0x5e: {  	_ =	shalt  }
0x5f: {  	_ =	shalt  }
0x60: {  	_ =	shalt  }
0x61: {  	_ =	shalt  }
0x62: {  	_ =	shalt  }
0x63: {  	_ =	shalt  }
0x64: {  	_ =	shalt  }
0x65: {  	_ =	shalt  }
0x66: {  	_ =	shalt  }
0x67: {  	_ =	shalt  }
0x68: {  	_ =	shalt  }
0x69: {  	_ =	shalt  }
0x6a: {  	_ =	shalt  }
0x6b: {  	_ =	shalt  }
0x6c: {  	_ =	shalt  }
0x6d: {  	_ =	shalt  }
0x6e: {  	_ =	shalt  }
0x6f: {  	_ =	shalt  }
0x70: {  	_ =	shalt  }
0x71: {  	_ =	shalt  }
0x72: {  	_ =	shalt  }
0x73: {  	_ =	shalt  }
0x74: {  	_ =	shalt  }
0x75: {  	_ =	shalt  }
0x76: {  	_ =	shalt  }
0x77: {  	_ =	shalt  }
0x78: {  	_ =	shalt  }
0x79: {  	_ =	shalt  }
0x7a: {  	_ =	shalt  }
0x7b: {  	_ =	shalt  }
0x7c: {  	_ =	shalt  }
0x7d: {  	_ =	shalt  }
0x7e: {  	_ =	shalt  }
0x7f: {  	_ =	shalt  }
0x80: {  	_ =	shalt  }
0x81: {  	_ =	shalt  }
0x82: {  	_ =	shalt  }
0x83: {  	_ =	shalt  }
0x84: {  	_ =	shalt  }
0x85: {  	_ =	shalt  }
0x86: {  	_ =	shalt  }
0x87: {  	_ =	shalt  }
.Lfunc_end0:
.L_simem_size_0:
called_computation_lowered:
.L_overlay_start_0:
0x88: {  	s2 =	sld [smem:$0x3FD9]  }
0x89: {  	s3 =	sld [smem:$0x3FFE];
	_ =	sdelay $0x1  }
0x8a: {  	s1 =	srdreg.scid  }
0x8b: {  	s0 =	sand.u32 $0x1, s1  }
0x8c: {  	s17 =	sshll.u32 s0, $0xA;
	s2 =	sadd.s32 s3, s2  }
0x8d: {  	s2 =	sadd.s32 s2, s17  }
0x8e: {  	[smem:$0x3FBB] =	sst s2  }
0x8f: {  	_ = 	snop  }
0x90: {  	s2 =	sld [smem:$0x3FC9]  }
0x91: {  	s18 =	sld [smem:$0x3FC8]  }
0x92: {  	s4 =	sld [smem:$0x3FC7]  }
0x93: {  	s5 =	sld [smem:$0x3FC6]  }
0x94: {  	s6 =	sld [smem:$0x3FC5]  }
0x95: {  	s7 =	sld [smem:$0x3FC4]  }
0x96: {  	s8 =	sld [smem:$0x3FC3]  }
0x97: {  	s9 =	sld [smem:$0x3FBD]  }
0x98: {  	s10 =	sld [smem:$0x3FD0];
	(tm) =	ssettm $0x1  }
0x99: {  	s11 =	sld [smem:$0x3FFB];
	_ =	sdelay $0x3  }
0x9a: {  	_ =	strace s11  }
0x9b: {  	s11 =	sld [smem:$0x3FFC];
	_ =	sdelay $0x3  }
0x9c: {  	_ =	strace s11  }
0x9d: {  	s11 =	sld [smem:$0x3FFD];
	_ =	sdelay $0x3  }
0x9e: {  	_ =	strace s11  }
0x9f: {  	_ =	strace $0x8FFFFFFF  }
0xa0: {  	s19 =	sld [smem:$0x3FDB];
	_ =	sdelay $0x1  }
0xa1: {  	s12 =	simm.s32 $_scs_section_size  }
0xa2: {  	s13 =	simm.s32 $_size__tile_overlayer_lowered;
	s14 =	simm.s32 $_tile_overlayer_lowered  }
0xa3: {  	s22 =	simm.s32 $0x1BFF;
	s21 =	sshll.u32 s14, $0x1;
	s11 =	sadd.s32 s12, s19  }
0xa4: {  	s15 =	simm.s32 $0x0;
	s20 =	sshll.u32 s13, $0x1;
	s13 =	sadd.s32 s21, s11  }
0xa5: {  	[timem:s15], [sflag:s22] =	dma.local [hbm:s13], s20  }
0xa6: {  	_ =	swait.ge [sflag:s22], s20  }
0xa7: {  	s12 =	ssub.s32 $0x0, s20;
	[sflag:s22] =	ssyncset.done $0x0  }
0xa8: {  	[sflag:s22] =	ssyncadd.s32 s12;
	_ =	sdelay $0x1  }
0xa9: {  	s23 =	simm.s32 $0x1B8B  }
0xaa: {  	_ =	swait.ge [sflag:s23], $0x1  }
0xab: {  	[sflag:s23] =	ssyncset.done $0x0  }
0xac: {  	s25 =	simm.s32 $0x1B8E;
	s24 =	sld [smem:$0x3FFE];
	[sflag:s23] =	ssyncadd.s32 $0xFFFFFFFF  }
0xad: {  	s26 =	simm.s32 $execute0_lowered;
	[smem:$0x3FD2] =	sst s25  }
0xae: {  	s13 =	sshll.u32 s26, $0x1;
	_ =	strace $0x80000046;
	[dreg:$0x1] =	wrdreg $0xFFFFFFFF  }
0xaf: {  	s28 =	simm.s32 $_size_execute0_lowered;
	s11 =	sadd.s32 s11, s13;
	[dreg:$0x0] =	wrdreg $0x0  }
0xb0: {  	s13 =	sshll.u32 s28, $0x1;
	[dreg:$0x2] =	wrdreg s11  }
0xb1: {  	[dreg:$0x3] =	wrdreg s13  }
0xb2: {  	[dreg:$0x4] =	wrdreg $0xC0  }
0xb3: {  	_ =	task [dreg:s15], $0x5FFFF  }
0xb4: {  	[dreg:$0x1] =	wrdreg $0xFFFFFFFF  }
0xb5: {  	[dreg:$0x0] =	wrdreg $0x60  }
0xb6: {  	[dreg:$0x2] =	wrdreg s2  }
0xb7: {  	[dreg:$0x3] =	wrdreg s18  }
0xb8: {  	[dreg:$0x4] =	wrdreg s4  }
0xb9: {  	[dreg:$0x5] =	wrdreg s5  }
0xba: {  	[dreg:$0x6] =	wrdreg s6  }
0xbb: {  	[dreg:$0x7] =	wrdreg s7  }
0xbc: {  	[dreg:$0x8] =	wrdreg s8  }
0xbd: {  	[dreg:$0x9] =	wrdreg s24  }
0xbe: {  	[dreg:$0xa] =	wrdreg s9  }
0xbf: {  	[dreg:$0xb] =	wrdreg s10  }
0xc0: {  	[dreg:$0xc] =	wrdreg $0x1AB380  }
0xc1: {  	[dreg:$0xd] =	wrdreg $0x9  }
0xc2: {  	_ =	task.clear_ibuf [dreg:s15], $0xEFFFF;
	_ =	strace $0x90000046  }
0xc3: {  	s29 =	simm.s32 $0x9;
	_ =	strace $0x80000048  }
0xc4: {  	_ =	swait.ge [sflag:s29], $0x1  }
0xc5: {  	[sflag:s29] =	ssyncadd.s32 $0xFFFFFFFF  }
0xc6: {  	_ =	strace $0x90000048  }
0xc7: {  	_ =	sfence  }
0xc8: {  	s30 =	sld [smem:$0x0];
	_ =	sdelay $0x2  }
0xc9: {  	s31 =	sshll.u32 s1, $0xD;
	s1 =	sshrl.u32 s1, $0x2  }
0xca: {  	s3 =	sand.u32 $0x4000, s31;
	s1 =	sadd.s32 s1, s30  }
0xcb: {  	s0 =	sor.u32 s3, s0;
	s1 =	sshll.u32 s1, $0x11  }
0xcc: {  	s0 =	sor.u32 s1, s0  }
0xcd: {  	s0 =	sadd.s32 $0x8F2B, s0  }
0xce: {  	[sflag:s0] =	ssyncadd.remote.s32 $0x1  }
0xcf: {  	_ =	sfence.sel $0xFFFF  }
0xd0: {  	[dreg:$0x0] =	wrdreg $0xFFFFFFFF;
	(pc) =	sbr.abs _section_cstart, $3  }
0xd1: {  	[dreg:$0x1] =	wrdreg $0xFFFFFFFF  }
0xd2: {  	_ =	task.clear_ibuf [dreg:s15], $0x2FFFF;
	_ =	strace $0x9FFFFFFF  }
0xd3: {  	(tm) =	ssettm $0x7FFFFFFF  }
tec
execute0_lowered:
.L_overlay_start_1:
0x0: {  	(tag) =	ssettag $0x1  }
0x1: {  	s20 =	rddreg [dreg:$0x0]  }
0x2: {  	s21 =	rddreg [dreg:$0x1]  }
0x3: {  	s22 =	rddreg [dreg:$0x2]  }
0x4: {  	s25 =	rddreg [dreg:$0x3]  }
0x5: {  	s30 =	rddreg [dreg:$0x4]  }
0x6: {  	s31 =	rddreg [dreg:$0x5];
	v24 =	vlaneseq.u32  }
0x7: {  	s4 =	rddreg [dreg:$0x6];
	v1 =	vmul.u32 $0x40, v24  }
0x8: {  	s0 =	rddreg [dreg:$0x7]  }
0x9: {  	s5 =	rddreg [dreg:$0x9];
	s3 =	simm.s32 $0x0;
	v0 =	vor.u32 $0x30, v1  }
0xa: {  	[smem:$0x7FF] =	sst s3;
	[tilespmem:$0x1FC50] =	vst v0;
	v0 =	vor.u32 $0x31, v1  }
0xb: {  	s7 =	rddreg [dreg:$0xa];
	v26 =	vor.u32 $0x10, v1;
	_ =	strace $0x80000047;
	[tilespmem:$0x1FC60] =	vst v0  }
0xc: {  	v35 =	vor.u32 $0x1, v1;
	[tilespmem:$0x1FE00] =	vst v26  }
0xd: {  	v36 =	vor.u32 $0x11, v1;
	[tilespmem:$0x1FE10] =	vst v35  }
0xe: {  	v37 =	vor.u32 $0x2, v1;
	[tilespmem:$0x1FE20] =	vst v36  }
0xf: {  	v38 =	vor.u32 $0x12, v1;
	[tilespmem:$0x1FE30] =	vst v37  }
0x10: {  	v39 =	vor.u32 $0x3, v1;
	[tilespmem:$0x1FE40] =	vst v38  }
0x11: {  	v40 =	vor.u32 $0x13, v1;
	[tilespmem:$0x1FE50] =	vst v39  }
0x12: {  	v41 =	vor.u32 $0x4, v1;
	[tilespmem:$0x1FE60] =	vst v40  }
0x13: {  	v42 =	vor.u32 $0x14, v1;
	[tilespmem:$0x1FE70] =	vst v41  }
0x14: {  	v43 =	vor.u32 $0x5, v1;
	[tilespmem:$0x1FE80] =	vst v42  }
0x15: {  	v2 =	vor.u32 $0x15, v1;
	[tilespmem:$0x1FE90] =	vst v43  }
0x16: {  	v27 =	vor.u32 $0x6, v1;
	[tilespmem:$0x1FEA0] =	vst v2  }
0x17: {  	v28 =	vor.u32 $0x16, v1;
	[tilespmem:$0x1FEB0] =	vst v27  }
0x18: {  	v29 =	vor.u32 $0x7, v1;
	[tilespmem:$0x1FEC0] =	vst v28  }
0x19: {  	v23 =	vor.u32 $0x17, v1;
	[tilespmem:$0x1FED0] =	vst v29  }
0x1a: {  	v30 =	vor.u32 $0x8, v1;
	[tilespmem:$0x1FEE0] =	vst v23  }
0x1b: {  	v45 =	vor.u32 $0x9, v1;
	[tilespmem:$0x1FEF0] =	vst v30  }
0x1c: {  	v46 =	vor.u32 $0x19, v1;
	[tilespmem:$0x1FF00] =	vst v45  }
0x1d: {  	v47 =	vor.u32 $0xA, v1;
	[tilespmem:$0x1FF10] =	vst v46  }
0x1e: {  	v48 =	vor.u32 $0x1A, v1;
	[tilespmem:$0x1FF20] =	vst v47  }
0x1f: {  	v49 =	vor.u32 $0xB, v1;
	[tilespmem:$0x1FF30] =	vst v48  }
0x20: {  	v50 =	vor.u32 $0x1B, v1;
	[tilespmem:$0x1FF40] =	vst v49  }
0x21: {  	v51 =	vor.u32 $0xC, v1;
	[tilespmem:$0x1FF50] =	vst v50  }
0x22: {  	v52 =	vor.u32 $0x1C, v1;
	[tilespmem:$0x1FF60] =	vst v51  }
0x23: {  	v53 =	vor.u32 $0xD, v1;
	[tilespmem:$0x1FF70] =	vst v52  }
0x24: {  	v54 =	vor.u32 $0x1D, v1;
	[tilespmem:$0x1FF80] =	vst v53  }
0x25: {  	v55 =	vor.u32 $0xE, v1;
	[tilespmem:$0x1FF90] =	vst v54  }
0x26: {  	v56 =	vor.u32 $0x1E, v1;
	[tilespmem:$0x1FFA0] =	vst v55  }
0x27: {  	v57 =	vor.u32 $0xF, v1;
	[tilespmem:$0x1FFB0] =	vst v56  }
0x28: {  	v58 =	vor.u32 $0x1F, v1;
	[tilespmem:$0x1FFC0] =	vst v57  }
0x29: {  	v59 =	vor.u32 $0x28, v1;
	[tilespmem:$0x1FFD0] =	vst v58  }
0x2a: {  	v60 =	vor.u32 $0x29, v1;
	[tilespmem:$0x1FFE0] =	vst v59  }
0x2b: {  	v0 =	vor.u32 $0x32, v1;
	[tilespmem:$0x1FFF0] =	vst v60  }
0x2c: {  	[tilespmem:$0x1FC70] =	vst v0;
	v0 =	vor.u32 $0x33, v1  }
0x2d: {  	[tilespmem:$0x1FC80] =	vst v0;
	v0 =	vor.u32 $0x34, v1  }
0x2e: {  	[tilespmem:$0x1FC90] =	vst v0;
	v0 =	vor.u32 $0x35, v1  }
0x2f: {  	[tilespmem:$0x1FCA0] =	vst v0;
	v0 =	vor.u32 $0x36, v1  }
0x30: {  	s1 =	srdreg.scid;
	s6 =	stileid.u32;
	[tilespmem:$0x1FCB0] =	vst v0;
	v0 =	vor.u32 $0x37, v1  }
0x31: {  	s1 =	sand.u32 $0x1, s1;
	s2 =	sshll.u32 s6, $0x1;
	s19 =	sadd.s32 $0xC00, s0;
	[tilespmem:$0x1FCC0] =	vst v0;
	v0 =	vor.u32 $0x38, v1  }
0x32: {  	s23 =	sadd.s32 $0xA00, s0;
	s24 =	sadd.s32 $0x800, s0;
	[dreg:$0xc] =	wrdreg s19;
	[tilespmem:$0x1FCD0] =	vst v0;
	v0 =	vor.u32 $0x39, v1  }
0x33: {  	s26 =	sadd.s32 $0x400, s0;
	s0 =	sadd.s32 $0x600, s0;
	[dreg:$0xe] =	wrdreg s23;
	[tilespmem:$0x1FCE0] =	vst v0;
	v0 =	vor.u32 $0x3A, v1  }
0x34: {  	s2 =	sor.u32 s1, s2;
	s1 =	ssub.s32 $0x2, s1;
	[dreg:$0xf] =	wrdreg s24;
	[tilespmem:$0x1FCF0] =	vst v0;
	v0 =	vor.u32 $0x3B, v1  }
0x35: {  	s8 =	smul.u32 $0x6400, s2;
	s3 =	sshrl.u32 s1, $0x1;
	[dreg:$0x10] =	wrdreg s26;
	[tilespmem:$0x1FD00] =	vst v0;
	v0 =	vor.u32 $0x3C, v1  }
0x36: {  	s10 =	ssub.s32 s1, s3;
	[dreg:$0x11] =	wrdreg s0;
	[tilespmem:$0x1FD10] =	vst v0;
	v0 =	vor.u32 $0x3D, v1  }
0x37: {  	s17 =	sshll.u32 s6, $0xA;
	s0 =	smax.u32 s10, $0x1;
	[dreg:$0xd] =	wrdreg s8;
	[tilespmem:$0x1FD20] =	vst v0;
	v0 =	vor.u32 $0x3E, v1  }
0x38: {  	s19 =	sadd.s32 s17, s7;
	[dreg:$0x19] =	wrdreg s0;
	[tilespmem:$0x1FD30] =	vst v0;
	v0 =	vor.u32 $0x3F, v1  }
0x39: {  	s23 =	sor.u32 $0x190, s8;
	[dreg:$0x1a] =	wrdreg s19;
	[tilespmem:$0x1FD40] =	vst v0;
	v0 =	vor.u32 $0x20, v1  }
0x3a: {  	s24 =	sadd.s32 $0x8, s5;
	[dreg:$0x1b] =	wrdreg s23;
	[tilespmem:$0x1FD50] =	vst v0;
	v0 =	vor.u32 $0x21, v1  }
0x3b: {  	s9 =	sshrl.u32 s8, $0x3;
	s26 =	sor.u32 $0x320, s8;
	[dreg:$0x1c] =	wrdreg s24;
	[tilespmem:$0x1FD60] =	vst v0;
	v0 =	vor.u32 $0x22, v1  }
0x3c: {  	s28 =	simm.s32 $0x14738;
	s11 =	sadd.s32 s20, s9;
	[dreg:$0x1d] =	wrdreg s26;
	[tilespmem:$0x1FD70] =	vst v0;
	v0 =	vor.u32 $0x23, v1  }
0x3d: {  	s29 =	sshll.u32 s6, $0x4;
	s12 =	sadd.s32 s21, s9;
	[dreg:$0x12] =	wrdreg s11;
	[tilespmem:$0x1FD80] =	vst v0;
	v0 =	vor.u32 $0x2B, v1  }
0x3e: {  	s6 =	simm.s32 $0x190;
	s13 =	sadd.s32 s22, s9;
	[dreg:$0x13] =	wrdreg s12;
	[tilespmem:$0x1FD90] =	vst v0;
	v0 =	vor.u32 $0x24, v1  }
0x3f: {  	s2 =	simm.s32 $0x0;
	s14 =	sadd.s32 s25, s9;
	[dreg:$0x14] =	wrdreg s13;
	[tilespmem:$0x1FDA0] =	vst v0;
	v0 =	vor.u32 $0x2C, v1  }
.Ltmp0:
0x40: {  	s15 =	sadd.s32 s30, s9;
	[dreg:$0x15] =	wrdreg s14;
	[tilespmem:$0x1FDB0] =	vst v0;
	v0 =	vor.u32 $0x25, v1;
	(pc) =	sbr.rel .LBB2_1-.Ltmp0, $4  }
0x41: {  	s10 =	simm.s32 $0x1900;
	s16 =	sadd.s32 s31, s9;
	[dreg:$0x16] =	wrdreg s15;
	[tilespmem:$0x1FDC0] =	vst v0;
	v0 =	vor.u32 $0x2D, v1  }
0x42: {  	s8 =	simm.s32 $0xB;
	s18 =	sadd.s32 s4, s9;
	[dreg:$0x17] =	wrdreg s16;
	[tilespmem:$0x1FDD0] =	vst v0;
	v0 =	vor.u32 $0x26, v1  }
0x43: {  	v19 =	vimm.s32 $0x0;
	s17 =	simm.s32 $0x1AF8;
	s24 =	simm.s32 $0x2;
	[dreg:$0x18] =	wrdreg s18;
	[tilespmem:$0x1FDE0] =	vst v0;
	v0 =	vor.u32 $0x2E, v1  }
0x44: {  	vm0 =	vmmov $0xff;
	v25 =	vor.u32 $0x18, v1;
	v63 =	vor.u32 $0x2A, v1;
	s15 =	simm.s32 $0x1A08;
	s16 =	simm.s32 $0x1AC8;
	s18 =	simm.s32 $0xE338;
	[tilespmem:$0x1FDF0] =	vst v0  }
.LBB2_17:
0x45: {  	s0 =	simm.s32 $0x7  }
0x46: {  	_ =	swait.ge [sflag:s0], $0x6400  }
0x47: {  	[sflag:s0] =	ssyncset.done $0x0  }
0x48: {  	s19 =	simm.s32 $0x9;
	[sflag:s0] =	ssyncadd.s32 $0xFFFF9C00  }
0x49: {  	_ =	swait.ge [sflag:s19], $0x6400  }
0x4a: {  	[sflag:s19] =	ssyncset.done $0x0  }
0x4b: {  	s23 =	simm.s32 $0x8;
	[sflag:s19] =	ssyncadd.s32 $0xFFFF9C00  }
0x4c: {  	_ =	swait.ge [sflag:s23], $0x6400  }
0x4d: {  	[sflag:s23] =	ssyncset.done $0x0  }
0x4e: {  	s1 =	simm.s32 $0xA;
	[sflag:s23] =	ssyncadd.s32 $0xFFFF9C00  }
0x4f: {  	_ =	swait.ge [sflag:s1], $0x6400  }
0x50: {  	v45 =	vld [tilespmem:$0x1FF00]  }
0x51: {  	v46 =	vld [tilespmem:$0x1FF10]  }
0x52: {  	v47 =	vld [tilespmem:$0x1FF20]  }
0x53: {  	v48 =	vld [tilespmem:$0x1FF30]  }
0x54: {  	v49 =	vld [tilespmem:$0x1FF40]  }
0x55: {  	v50 =	vld [tilespmem:$0x1FF50]  }
0x56: {  	s2 =	rddreg [dreg:$0x1e];
	v51 =	vld [tilespmem:$0x1FF60]  }
0x57: {  	s26 =	rddreg [dreg:$0x19];
	v52 =	vld [tilespmem:$0x1FF70];
	s2 =	sadd.s32 $0x1, s2  }
0x58: {  	v53 =	vld [tilespmem:$0x1FF80];
	p0 =	sne.s32 s2, s26  }
.Ltmp1:
0x59: {  	v54 =	vld [tilespmem:$0x1FF90];
	(pc) =	sbr.rel @!p0 .LBB2_18-.Ltmp1, $4  }
0x5a: {  	v55 =	vld [tilespmem:$0x1FFA0]  }
0x5b: {  	v56 =	vld [tilespmem:$0x1FFB0]  }
0x5c: {  	[sflag:s1] =	ssyncset.done $0x0;
	v57 =	vld [tilespmem:$0x1FFC0]  }
0x5d: {  	v58 =	vld [tilespmem:$0x1FFD0];
	[sflag:s1] =	ssyncadd.s32 $0xFFFF9C00  }
.LBB2_1:
0x5e: {  	[dreg:$0x1e] =	wrdreg s2  }
0x5f: {  	s12 =	simm.s32 $0x0;
	s0 =	rddreg [dreg:$0xe]  }
0x60: {  	[tilespmem:s10], [sflag:$0xB] =	stream.linear.gather [hbm4b:s0+s12], $0x108, $0x38;
	[tilespmem:$0x1BB38] =	vst v63  }
0x61: {  	_ =	swait.ge [sflag:s8], $0x108  }
0x62: {  	[sflag:s8] =	ssyncset.done $0x0  }
0x63: {  	s13 =	rddreg [dreg:$0xf];
	[sflag:s8] =	ssyncadd.s32 $0xFFFFFEF8  }
0x64: {  	[tilespmem:s15], [sflag:$0xB] =	stream.linear.gather [hbm4b:s13+s12], $0xC0, $0x38;
	[tilespmem:$0x1BB38] =	vst v63  }
0x65: {  	_ =	swait.ge [sflag:s8], $0xC0  }
0x66: {  	[sflag:s8] =	ssyncset.done $0x0  }
0x67: {  	s14 =	rddreg [dreg:$0x10];
	[sflag:s8] =	ssyncadd.s32 $0xFFFFFF40  }
0x68: {  	[tilespmem:s16], [sflag:$0xB] =	stream.linear.gather [hbm4b:s14+s12], $0x30, $0x38;
	[tilespmem:$0x1BB38] =	vst v63  }
0x69: {  	_ =	swait.ge [sflag:s8], $0x30  }
0x6a: {  	[sflag:s8] =	ssyncset.done $0x0  }
0x6b: {  	s1 =	sadd.s32 $0x0, s29;
	s19 =	rddreg [dreg:$0x11];
	[sflag:s8] =	ssyncadd.s32 $0xFFFFFFD0  }
0x6c: {  	[tilespmem:s17], [sflag:$0xB] =	stream.linear.gather [hbm4b:s19+s12], $0x30, $0x38;
	[tilespmem:$0x1BB38] =	vst v63  }
0x6d: {  	v0 =	vmov s1;
	_ =	swait.ge [sflag:s8], $0x30  }
0x6e: {  	vm1 =	vgt.u32 v0, $0x8F;
	vm2 =	vgt.u32 v0, $0x11F;
	[sflag:s8] =	ssyncset.done $0x0  }
0x6f: {  	vm3 =	vgt.u32 v0, $0x1AF;
	v4 =	vsel vm1, $0x1, v19;
	v5 =	vsel vm2, $0x1, v19;
	[sflag:s8] =	ssyncadd.s32 $0xFFFFFFD0  }
0x70: {  	s26 =	simm.s32 $0x1B28;
	vm1 =	vgt.u32 v0, $0x23F;
	v6 =	vsel vm3, $0x1, v19;
	v4 =	vadd.s32 v4, v5;
	s23 =	rddreg [dreg:$0x8]  }
0x71: {  	vm2 =	vgt.u32 v0, $0x2CF;
	v0 =	vsel vm1, $0x1, v19;
	v4 =	vadd.s32 v6, v4;
	[tilespmem:s26], [sflag:$0xB] =	stream.linear.gather [hbm4b:s23+s12], $0x10, $0x38;
	[tilespmem:$0x1BB38] =	vst v63  }
0x72: {  	v5 =	vsel vm2, $0x1, v19;
	v0 =	vadd.s32 v0, v4;
	_ =	swait.ge [sflag:s8], $0x10  }
0x73: {  	v0 =	vadd.s32 v5, v0;
	v5 =	vld [tilespmem:$0x1FC50];
	_ =	sdelay $0x3  }
0x74: {  	v3 =	vor.u32 s1, v24  }
0x75: {  	vm1 =	vgt.u32 v3, $0x47  }
0x76: {  	v6 =	vsel vm1, $0x1, v19;
	[sflag:s8] =	ssyncset.done $0x0  }
0x77: {  	v12 =	vimm.f32 $0.0e+00;
	vm2 =	vgt.u32 v3, $0xD7;
	v0 =	vadd.s32 v6, v0;
	v6 =	vld [tilespmem:$0x1FC60];
	[sflag:s8] =	ssyncadd.s32 $0xFFFFFFF0  }
0x78: {  	v4 =	vld [tilespmem:$0x1B28];
	[tilespmem:v5+s18+$0x0] =	vst.idx.msk $0xffff, v12;
	v5 =	vsel vm2, $0x1, v19  }
0x79: {  	v0 =	vadd.s32 v5, v0;
	v5 =	vld [tilespmem:$0x1FC70];
	_ =	sdelay $0x5  }
0x7a: {  	vm1 =	vgt.u32 v3, $0x167  }
0x7b: {  	vm2 =	vgt.u32 v3, $0x1F7;
	[tilespmem:v6+s18+$0x0] =	vst.idx.msk $0xffff, v12;
	v6 =	vsel vm1, $0x1, v19  }
0x7c: {  	v0 =	vadd.s32 v6, v0;
	v6 =	vld [tilespmem:$0x1FC80];
	[tilespmem:v5+s18+$0x0] =	vst.idx.msk $0xffff, v12;
	v5 =	vsel vm2, $0x1, v19  }
0x7d: {  	v0 =	vadd.s32 v5, v0;
	v5 =	vld [tilespmem:$0x1FC90];
	_ =	sdelay $0x6  }
0x7e: {  	vm1 =	vgt.u32 v3, $0x287;
	[tilespmem:v6+s18+$0x0] =	vst.idx.msk $0xffff, v12  }
0x7f: {  	v6 =	vsel vm1, $0x1, v19;
	[tilespmem:v5+s18+$0x0] =	vst.idx.msk $0xffff, v12;
	v5 =	vld [tilespmem:$0x1FCA0]  }
0x80: {  	v0 =	vadd.s32 v6, v0;
	v6 =	vld [tilespmem:$0x1FCB0];
	_ =	sdelay $0x6  }
0x81: {  	vm1 =	vlt.s32 v3, $0x317;
	[tilespmem:v5+s18+$0x0] =	vst.idx.msk $0xffff, v12;
	v5 =	vmul.u32 $0xFFFFFFB8, v0  }
0x82: {  	v3 =	vnsel vm1, $0x317, v3;
	[tilespmem:v6+s18+$0x0] =	vst.idx.msk $0xffff, v12;
	v6 =	vld [tilespmem:$0x1FCC0]  }
0x83: {  	v3 =	vadd.s32 v3, v5;
	v5 =	vld [tilespmem:$0x1FCD0]  }
0x84: {  	v7 =	vld [tilespmem:$0x1FCE0]  }
0x85: {  	v8 =	vld [tilespmem:$0x1FCF0]  }
0x86: {  	v9 =	vld [tilespmem:$0x1FD00]  }
0x87: {  	v10 =	vld [tilespmem:$0x1FD10];
	_ =	sdelay $0x2  }
0x88: {  	[tilespmem:v6+s18+$0x0] =	vst.idx.msk $0xffff, v12  }
0x89: {  	[tilespmem:v5+s18+$0x0] =	vst.idx.msk $0xffff, v12  }
0x8a: {  	[tilespmem:v7+s18+$0x0] =	vst.idx.msk $0xffff, v12  }
0x8b: {  	[tilespmem:v8+s18+$0x0] =	vst.idx.msk $0xffff, v12  }
0x8c: {  	[tilespmem:v9+s18+$0x0] =	vst.idx.msk $0xffff, v12  }
0x8d: {  	[tilespmem:v10+s18+$0x0] =	vst.idx.msk $0xffff, v12;
	v10 =	vld [tilespmem:$0x1FD20];
	_ =	sdelay $0x3  }
0x8e: {  	vm1 =	vgt.s32 v3, $0x8;
	vm2 =	vgt.s32 v3, $0x11  }
0x8f: {  	v7 =	vsel vm1, $0x1, v19;
	v8 =	vsel vm2, $0x1, v19;
	vm2 =	vgt.s32 v3, $0x1A  }
0x90: {  	vm1 =	vgt.s32 v3, $0x23;
	v7 =	vadd.s32 v8, v7;
	v9 =	vsel vm2, $0x1, v19  }
0x91: {  	vm3 =	vgt.s32 v3, $0x2C;
	v8 =	vsel vm1, $0x1, v19;
	v7 =	vadd.s32 v9, v7  }
0x92: {  	v11 =	vld [tilespmem:$0x1FD30];
	v7 =	vadd.s32 v8, v7;
	[tilespmem:v10+s18+$0x0] =	vst.idx.msk $0xffff, v12;
	v10 =	vsel vm3, $0x1, v19  }
0x93: {  	v7 =	vadd.s32 v10, v7;
	v10 =	vld [tilespmem:$0x1FD40];
	_ =	sdelay $0x1  }
0x94: {  	v0 =	vmul.u32 $0x18, v0;
	_ =	sdelay $0x1  }
0x95: {  	v6 =	vor.u32 $0x4, v0  }
0x96: {  	v9 =	vor.u32 $0x3, v0  }
0x97: {  	v8 =	vor.u32 $0x2, v0  }
0x98: {  	v5 =	vor.u32 $0x1, v0;
	vm1 =	vgt.s32 v3, $0x35;
	[tilespmem:v11+s18+$0x0] =	vst.idx.msk $0xffff, v12  }
0x99: {  	vm2 =	vgt.s32 v3, $0x3E;
	v11 =	vsel vm1, $0x1, v19;
	[tilespmem:v10+s18+$0x0] =	vst.idx.msk $0xffff, v12  }
0x9a: {  	v7 =	vadd.s32 v11, v7;
	v11 =	vor.u32 $0x6, v0;
	v10 =	vsel vm2, $0x1, v19;
	v6 =	vld.idx.msk [tilespmem:v6+s10+$0x0], $0xffff  }
0x9b: {  	v13 =	vor.u32 $0x7, v0;
	v7 =	vadd.s32 v10, v7;
	v9 =	vld.idx.msk [tilespmem:v9+s10+$0x0], $0xffff  }
0x9c: {  	v10 =	vor.u32 $0x5, v0;
	v8 =	vld.idx.msk [tilespmem:v8+s10+$0x0], $0xffff;
	v12 =	vmul.u32 $0x18, v7  }
0x9d: {  	v5 =	vld.idx.msk [tilespmem:v5+s10+$0x0], $0xffff  }
0x9e: {  	v15 =	vld.idx.msk [tilespmem:v0+s10+$0x0], $0xffff;
	v14 =	vor.u32 $0x1, v12  }
0x9f: {  	v11 =	vld.idx.msk [tilespmem:v11+s10+$0x0], $0xffff;
	v16 =	vor.u32 $0x2, v12  }
0xa0: {  	v13 =	vld.idx.msk [tilespmem:v13+s10+$0x0], $0xffff;
	v17 =	vor.u32 $0x4, v12  }
0xa1: {  	v18 =	vor.u32 $0x3, v12;
	v10 =	vld.idx.msk [tilespmem:v10+s10+$0x0], $0xffff  }
0xa2: {  	v21 =	vor.u32 $0x5, v12;
	v20 =	vld.idx.msk [tilespmem:v12+s15+$0x0], $0xffff  }
0xa3: {  	v22 =	vor.u32 $0x6, v12;
	v14 =	vld.idx.msk [tilespmem:v14+s15+$0x0], $0xffff  }
0xa4: {  	v32 =	vmov v23;
	v23 =	vor.u32 $0x7, v12;
	v16 =	vld.idx.msk [tilespmem:v16+s15+$0x0], $0xffff  }
0xa5: {  	v17 =	vld.idx.msk [tilespmem:v17+s15+$0x0], $0xffff  }
0xa6: {  	v18 =	vld.idx.msk [tilespmem:v18+s15+$0x0], $0xffff  }
0xa7: {  	v21 =	vld.idx.msk [tilespmem:v21+s15+$0x0], $0xffff  }
0xa8: {  	v22 =	vld.idx.msk [tilespmem:v22+s15+$0x0], $0xffff  }
0xa9: {  	v23 =	vld.idx.msk [tilespmem:v23+s15+$0x0], $0xffff;
	[tilespmem:v1+s18+$0x0] =	vst.idx.msk $0xffff, v15  }
0xaa: {  	[tilespmem:v26+s18+$0x0] =	vst.idx.msk $0xffff, v20  }
0xab: {  	[tilespmem:v35+s18+$0x0] =	vst.idx.msk $0xffff, v5  }
0xac: {  	[tilespmem:v36+s18+$0x0] =	vst.idx.msk $0xffff, v14  }
0xad: {  	[tilespmem:v37+s18+$0x0] =	vst.idx.msk $0xffff, v8  }
0xae: {  	[tilespmem:v38+s18+$0x0] =	vst.idx.msk $0xffff, v16  }
0xaf: {  	[tilespmem:v39+s18+$0x0] =	vst.idx.msk $0xffff, v9  }
0xb0: {  	[tilespmem:v40+s18+$0x0] =	vst.idx.msk $0xffff, v18  }
0xb1: {  	[tilespmem:v41+s18+$0x0] =	vst.idx.msk $0xffff, v6  }
0xb2: {  	[tilespmem:v42+s18+$0x0] =	vst.idx.msk $0xffff, v17  }
0xb3: {  	[tilespmem:v43+s18+$0x0] =	vst.idx.msk $0xffff, v10  }
0xb4: {  	v5 =	vadd.s32 $0xF, v12;
	[tilespmem:v2+s18+$0x0] =	vst.idx.msk $0xffff, v21  }
0xb5: {  	v6 =	vadd.s32 $0xC, v0;
	[tilespmem:v27+s18+$0x0] =	vst.idx.msk $0xffff, v11  }
0xb6: {  	v8 =	vadd.s32 $0xD, v0;
	[tilespmem:v28+s18+$0x0] =	vst.idx.msk $0xffff, v22  }
0xb7: {  	v9 =	vadd.s32 $0xE, v12;
	[tilespmem:v29+s18+$0x0] =	vst.idx.msk $0xffff, v13  }
0xb8: {  	v10 =	vadd.s32 $0xC, v12;
	[tilespmem:v32+s18+$0x0] =	vst.idx.msk $0xffff, v23  }
0xb9: {  	v14 =	vadd.s32 $0xD, v12;
	v5 =	vld.idx.msk [tilespmem:v5+s15+$0x0], $0xffff  }
0xba: {  	v11 =	vadd.s32 $0xF, v0;
	v6 =	vld.idx.msk [tilespmem:v6+s10+$0x0], $0xffff  }
0xbb: {  	v15 =	vadd.s32 $0xB, v12;
	v8 =	vld.idx.msk [tilespmem:v8+s10+$0x0], $0xffff  }
0xbc: {  	v16 =	vadd.s32 $0x9, v12;
	v9 =	vld.idx.msk [tilespmem:v9+s15+$0x0], $0xffff  }
0xbd: {  	v17 =	vadd.s32 $0x8, v0;
	v10 =	vld.idx.msk [tilespmem:v10+s15+$0x0], $0xffff  }
0xbe: {  	v20 =	vadd.s32 $0xA, v0;
	v14 =	vld.idx.msk [tilespmem:v14+s15+$0x0], $0xffff  }
0xbf: {  	v18 =	vld.idx.msk [tilespmem:v11+s10+$0x0], $0xffff;
	v11 =	vadd.s32 $0x8, v12  }
0xc0: {  	v13 =	vadd.s32 $0x9, v0;
	v15 =	vld.idx.msk [tilespmem:v15+s15+$0x0], $0xffff  }
0xc1: {  	v21 =	vadd.s32 $0xE, v0;
	v16 =	vld.idx.msk [tilespmem:v16+s15+$0x0], $0xffff  }
0xc2: {  	v0 =	vadd.s32 $0xB, v0;
	v17 =	vld.idx.msk [tilespmem:v17+s10+$0x0], $0xffff  }
0xc3: {  	v20 =	vld.idx.msk [tilespmem:v20+s10+$0x0], $0xffff;
	v12 =	vadd.s32 $0xA, v12  }
0xc4: {  	v11 =	vld.idx.msk [tilespmem:v11+s15+$0x0], $0xffff  }
0xc5: {  	v13 =	vld.idx.msk [tilespmem:v13+s10+$0x0], $0xffff  }
0xc6: {  	v21 =	vld.idx.msk [tilespmem:v21+s10+$0x0], $0xffff  }
0xc7: {  	v0 =	vld.idx.msk [tilespmem:v0+s10+$0x0], $0xffff  }
0xc8: {  	v12 =	vld.idx.msk [tilespmem:v12+s15+$0x0], $0xffff;
	[tilespmem:v30+s18+$0x0] =	vst.idx.msk $0xffff, v17  }
0xc9: {  	[tilespmem:v25+s18+$0x0] =	vst.idx.msk $0xffff, v11  }
0xca: {  	v7 =	vmul.u32 $0xFFFFFFF7, v7;
	[tilespmem:v45+s18+$0x0] =	vst.idx.msk $0xffff, v13  }
0xcb: {  	[tilespmem:v46+s18+$0x0] =	vst.idx.msk $0xffff, v16  }
0xcc: {  	v3 =	vadd.s32 v3, v7;
	[tilespmem:v47+s18+$0x0] =	vst.idx.msk $0xffff, v20  }
0xcd: {  	vm1 =	vgt.s32 v3, $0x2;
	vm2 =	vgt.s32 v3, $0x5;
	[tilespmem:v48+s18+$0x0] =	vst.idx.msk $0xffff, v12  }
0xce: {  	v7 =	vsel vm1, $0x1, v19;
	v11 =	vsel vm2, $0x1, v19;
	[tilespmem:v49+s18+$0x0] =	vst.idx.msk $0xffff, v0  }
0xcf: {  	v0 =	vadd.s32 v11, v7;
	[tilespmem:v50+s18+$0x0] =	vst.idx.msk $0xffff, v15  }
0xd0: {  	v7 =	vmul.u32 $0xFFFFFFD, v0;
	[tilespmem:v51+s18+$0x0] =	vst.idx.msk $0xffff, v6  }
0xd1: {  	[tilespmem:v52+s18+$0x0] =	vst.idx.msk $0xffff, v10  }
0xd2: {  	v59 =	vld [tilespmem:$0x1FD50];
	v11 =	vshll.u32 v0, $0x4;
	v3 =	vadd.s32 v3, v7;
	[tilespmem:v53+s18+$0x0] =	vst.idx.msk $0xffff, v8  }
0xd3: {  	v61 =	vld [tilespmem:$0x1FD60];
	v0 =	vor.u32 $0x5, v11;
	v13 =	vshll.u32 v3, $0x4;
	[tilespmem:v54+s18+$0x0] =	vst.idx.msk $0xffff, v14  }
0xd4: {  	v31 =	vmov v63;
	v63 =	vld [tilespmem:$0x1FD70];
	v3 =	vor.u32 $0x4, v13;
	[tilespmem:v55+s18+$0x0] =	vst.idx.msk $0xffff, v21  }
0xd5: {  	v62 =	vld [tilespmem:$0x1FD80];
	v6 =	vor.u32 $0x7, v13;
	[tilespmem:v56+s18+$0x0] =	vst.idx.msk $0xffff, v9  }
0xd6: {  	v34 =	vld [tilespmem:$0x1FD90];
	v7 =	vor.u32 $0x6, v11;
	[tilespmem:v57+s18+$0x0] =	vst.idx.msk $0xffff, v18  }
0xd7: {  	v33 =	vld [tilespmem:$0x1FDA0];
	v12 =	vor.u32 $0x1, v13;
	[tilespmem:v58+s18+$0x0] =	vst.idx.msk $0xffff, v5  }
0xd8: {  	v14 =	vor.u32 $0x1, v11;
	v8 =	vld.idx.msk [tilespmem:v0+s16+$0x0], $0xffff  }
0xd9: {  	v16 =	vor.u32 $0x2, v11;
	v10 =	vld.idx.msk [tilespmem:v3+s17+$0x0], $0xffff  }
0xda: {  	v3 =	vld.idx.msk [tilespmem:v6+s17+$0x0], $0xffff  }
0xdb: {  	v5 =	vor.u32 $0x6, v13;
	v9 =	vld.idx.msk [tilespmem:v7+s16+$0x0], $0xffff  }
0xdc: {  	v0 =	vld.idx.msk [tilespmem:v12+s17+$0x0], $0xffff  }
0xdd: {  	v15 =	vld.idx.msk [tilespmem:v14+s16+$0x0], $0xffff  }
0xde: {  	v12 =	vld.idx.msk [tilespmem:v16+s16+$0x0], $0xffff  }
0xdf: {  	s1 =	rddreg [dreg:$0x1a];
	v17 =	vor.u32 $0x3, v11;
	v21 =	vor.u32 $0x2, v13;
	v16 =	vld.idx.msk [tilespmem:v13+s17+$0x0], $0xffff  }
0xe0: {  	s2 =	simm.s32 $0x100;
	v60 =	vmovc v1;
	s3 =	smov.u32 s1;
	v20 =	vor.u32 $0x3, v13;
	v18 =	vor.u32 $0x4, v11;
	v14 =	vor.u32 $0x7, v11;
	v7 =	vld.idx.msk [tilespmem:v5+s17+$0x0], $0xffff  }
.LBB2_2:
0xe1: {  	_ =	sdelay $0x1  }
0xe2: {  	v1 =	vld [tilespmem:$0x1FFE0]  }
0xe3: {  	v5 =	vld.idx.msk [tilespmem:v21+s17+$0x0], $0xffff  }
0xe4: {  	v6 =	vld.idx.msk [tilespmem:v11+s16+$0x0], $0xffff;
	v11 =	vor.u32 $0x5, v13  }
0xe5: {  	v20 =	vld.idx.msk [tilespmem:v20+s17+$0x0], $0xffff  }
0xe6: {  	v18 =	vld.idx.msk [tilespmem:v18+s16+$0x0], $0xffff  }
0xe7: {  	v17 =	vld.idx.msk [tilespmem:v17+s16+$0x0], $0xffff  }
0xe8: {  	v14 =	vld.idx.msk [tilespmem:v14+s16+$0x0], $0xffff  }
0xe9: {  	v11 =	vld.idx.msk [tilespmem:v11+s17+$0x0], $0xffff;
	[tilespmem:v59+s18+$0x0] =	vst.idx.msk $0xffff, v6  }
0xea: {  	[tilespmem:v1+s18+$0x0] =	vst.idx.msk $0xffff, v16;
	v1 =	vld [tilespmem:$0x1FFF0];
	_ =	sdelay $0x6  }
0xeb: {  	[tilespmem:v61+s18+$0x0] =	vst.idx.msk $0xffff, v15  }
0xec: {  	[tilespmem:v1+s18+$0x0] =	vst.idx.msk $0xffff, v0;
	v1 =	vld [tilespmem:$0x1FDB0];
	_ =	sdelay $0x2  }
0xed: {  	[tilespmem:v63+s18+$0x0] =	vst.idx.msk $0xffff, v12  }
0xee: {  	[tilespmem:v31+s18+$0x0] =	vst.idx.msk $0xffff, v5  }
0xef: {  	[tilespmem:v62+s18+$0x0] =	vst.idx.msk $0xffff, v17  }
0xf0: {  	[tilespmem:v34+s18+$0x0] =	vst.idx.msk $0xffff, v20  }
0xf1: {  	[tilespmem:v33+s18+$0x0] =	vst.idx.msk $0xffff, v18  }
0xf2: {  	[tilespmem:v1+s18+$0x0] =	vst.idx.msk $0xffff, v10;
	v1 =	vld [tilespmem:$0x1FDC0];
	_ =	sdelay $0x7  }
0xf3: {  	[tilespmem:v1+s18+$0x0] =	vst.idx.msk $0xffff, v8;
	v1 =	vld [tilespmem:$0x1FDD0];
	_ =	sdelay $0x5  }
0xf4: {  	s4 =	smov.u32 s2  }
0xf5: {  	s4 =	sadd.s32 s4, s29  }
0xf6: {  	v13 =	vor.u32 s4, v24;
	v21 =	vmov s4;
	[tilespmem:v1+s18+$0x0] =	vst.idx.msk $0xffff, v11;
	v1 =	vld [tilespmem:$0x1FDE0]  }
0xf7: {  	vm3 =	vgt.u32 v21, $0x8F;
	vm4 =	vgt.u32 v21, $0x11F;
	vm5 =	vgt.u32 v21, $0x1AF  }
0xf8: {  	vm13 =	vgt.u32 v21, $0x2CF;
	v22 =	vsel vm3, $0x1, v19;
	v23 =	vsel vm4, $0x1, v19  }
0xf9: {  	vm3 =	vgt.u32 v21, $0x23F;
	v24 =	vsel vm5, $0x1, v19;
	v21 =	vadd.s32 v22, v23  }
0xfa: {  	v22 =	vsel vm3, $0x1, v19;
	v21 =	vadd.s32 v24, v21  }
0xfb: {  	vm2 =	vgt.u32 v13, $0x47;
	v6 =	vsel vm13, $0x1, v19;
	v21 =	vadd.s32 v22, v21  }
0xfc: {  	vm1 =	vgt.u32 v13, $0xD7;
	v16 =	vsel vm2, $0x1, v19;
	v6 =	vadd.s32 v6, v21  }
0xfd: {  	vm14 =	vgt.u32 v13, $0x167;
	v15 =	vsel vm1, $0x1, v19;
	v6 =	vadd.s32 v16, v6  }
0xfe: {  	vm3 =	vgt.u32 v13, $0x1F7;
	v6 =	vadd.s32 v15, v6;
	v0 =	vsel vm14, $0x1, v19;
	[tilespmem:v1+s18+$0x0] =	vst.idx.msk $0xffff, v9;
	v1 =	vld [tilespmem:$0x1FDF0]  }
0xff: {  	vm2 =	vgt.u32 v13, $0x287;
	v12 =	vsel vm3, $0x1, v19;
	v0 =	vadd.s32 v0, v6  }
0x100: {  	v5 =	vsel vm2, $0x1, v19;
	v0 =	vadd.s32 v12, v0  }
0x101: {  	v0 =	vadd.s32 v5, v0  }
0x102: {  	v5 =	vor.u32 $0x27, v60;
	v12 =	vmul.u32 $0xFFFFFFB8, v0;
	v0 =	vmul.u32 $0x18, v0  }
0x103: {  	vm15 =	vlt.s32 v13, $0x317;
	v6 =	vor.u32 $0x2F, v60  }
0x104: {  	v13 =	vnsel vm15, $0x317, v13;
	v16 =	vor.u32 $0x2, v0  }
0x105: {  	v10 =	vadd.s32 v13, v12;
	v12 =	vor.u32 $0x1, v0;
	v13 =	vor.u32 $0x4, v0  }
0x106: {  	vm1 =	vgt.s32 v10, $0x8;
	vm2 =	vgt.s32 v10, $0x11;
	vm3 =	vgt.s32 v10, $0x2C;
	[tilespmem:v1+s18+$0x0] =	vst.idx.msk $0xffff, v7  }
0x107: {  	v8 =	vsel vm1, $0x1, v19;
	v11 =	vsel vm2, $0x1, v19;
	vm2 =	vgt.s32 v10, $0x1A;
	[tilespmem:v5+s18+$0x0] =	vst.idx.msk $0xffff, v14  }
0x108: {  	vm1 =	vgt.s32 v10, $0x23;
	v8 =	vadd.s32 v11, v8;
	v14 =	vsel vm2, $0x1, v19;
	[tilespmem:v6+s18+$0x0] =	vst.idx.msk $0xffff, v3  }
0x109: {  	v7 =	vsel vm1, $0x1, v19;
	v3 =	vadd.s32 v14, v8;
	v14 =	vor.u32 $0x3, v0;
	[spmem:s1] =	stream.linear.scatter [tilespmem:s18], [sflag:$0xB], $0x400, $0x38;
	[tilespmem:$0x1BB38] =	vst v63  }
0x10a: {  	v15 =	vsel vm3, $0x1, v19;
	vm1 =	vgt.s32 v10, $0x35;
	v3 =	vadd.s32 v7, v3;
	_ =	swait.ge [sflag:s8], $0x400  }
0x10b: {  	vm2 =	vgt.s32 v10, $0x3E;
	v8 =	vsel vm1, $0x1, v19;
	v3 =	vadd.s32 v15, v3;
	[sflag:s8] =	ssyncset.done $0x0  }
0x10c: {  	v7 =	vsel vm2, $0x1, v19;
	v3 =	vadd.s32 v8, v3;
	[sflag:s8] =	ssyncadd.s32 $0xFFFFFC00  }
0x10d: {  	v9 =	vor.u32 $0x6, v0;
	v3 =	vadd.s32 v7, v3;
	v7 =	vld.idx.msk [tilespmem:v13+s10+$0x0], $0xffff  }
0x10e: {  	v11 =	vor.u32 $0x5, v0;
	v13 =	vld.idx.msk [tilespmem:v14+s10+$0x0], $0xffff  }
0x10f: {  	v15 =	vor.u32 $0x7, v0;
	v8 =	vmul.u32 $0xFFFFFFF7, v3;
	v3 =	vmul.u32 $0x18, v3;
	v14 =	vld.idx.msk [tilespmem:v16+s10+$0x0], $0xffff  }
0x110: {  	v12 =	vld.idx.msk [tilespmem:v12+s10+$0x0], $0xffff  }
0x111: {  	v20 =	vld.idx.msk [tilespmem:v0+s10+$0x0], $0xffff;
	v16 =	vor.u32 $0x1, v3  }
0x112: {  	v9 =	vld.idx.msk [tilespmem:v9+s10+$0x0], $0xffff;
	v17 =	vor.u32 $0x2, v3  }
0x113: {  	v1 =	vmov v43;
	v11 =	vld.idx.msk [tilespmem:v11+s10+$0x0], $0xffff;
	v8 =	vadd.s32 v10, v8;
	v10 =	vor.u32 $0x4, v3  }
0x114: {  	v43 =	vmovc v42;
	v42 =	vmovc v41;
	v41 =	vmov v40;
	v40 =	vmov v39;
	v18 =	vor.u32 $0x3, v3;
	v15 =	vld.idx.msk [tilespmem:v15+s10+$0x0], $0xffff  }
0x115: {  	v39 =	vmovc v38;
	v38 =	vmovc v37;
	v37 =	vmov v36;
	v36 =	vmov v35;
	v21 =	vor.u32 $0x5, v3;
	v35 =	vld.idx.msk [tilespmem:v3+s15+$0x0], $0xffff  }
0x116: {  	v22 =	vor.u32 $0x6, v3;
	v16 =	vld.idx.msk [tilespmem:v16+s15+$0x0], $0xffff  }
0x117: {  	v23 =	vor.u32 $0x7, v3;
	v17 =	vld.idx.msk [tilespmem:v17+s15+$0x0], $0xffff  }
0x118: {  	v10 =	vld.idx.msk [tilespmem:v10+s15+$0x0], $0xffff  }
0x119: {  	v18 =	vld.idx.msk [tilespmem:v18+s15+$0x0], $0xffff  }
0x11a: {  	v21 =	vld.idx.msk [tilespmem:v21+s15+$0x0], $0xffff  }
0x11b: {  	v22 =	vld.idx.msk [tilespmem:v22+s15+$0x0], $0xffff  }
0x11c: {  	v23 =	vld.idx.msk [tilespmem:v23+s15+$0x0], $0xffff;
	[tilespmem:v60+s18+$0x0] =	vst.idx.msk $0xffff, v20  }
0x11d: {  	[tilespmem:v26+s18+$0x0] =	vst.idx.msk $0xffff, v35;
	v35 =	vmov v36  }
0x11e: {  	v36 =	vmov v37  }
0x11f: {  	v37 =	vmov v38  }
0x120: {  	v38 =	vmov v39  }
0x121: {  	v39 =	vmov v40  }
0x122: {  	v40 =	vmov v41;
	[tilespmem:v35+s18+$0x0] =	vst.idx.msk $0xffff, v12  }
0x123: {  	v41 =	vmov v42;
	[tilespmem:v36+s18+$0x0] =	vst.idx.msk $0xffff, v16  }
0x124: {  	v42 =	vmov v43;
	[tilespmem:v37+s18+$0x0] =	vst.idx.msk $0xffff, v14  }
0x125: {  	[tilespmem:v38+s18+$0x0] =	vst.idx.msk $0xffff, v17  }
0x126: {  	[tilespmem:v39+s18+$0x0] =	vst.idx.msk $0xffff, v13  }
0x127: {  	[tilespmem:v40+s18+$0x0] =	vst.idx.msk $0xffff, v18  }
0x128: {  	[tilespmem:v41+s18+$0x0] =	vst.idx.msk $0xffff, v7  }
0x129: {  	[tilespmem:v42+s18+$0x0] =	vst.idx.msk $0xffff, v10  }
0x12a: {  	[tilespmem:v1+s18+$0x0] =	vst.idx.msk $0xffff, v11  }
0x12b: {  	v7 =	vadd.s32 $0xF, v3;
	[tilespmem:v2+s18+$0x0] =	vst.idx.msk $0xffff, v21  }
0x12c: {  	v10 =	vadd.s32 $0xD, v0;
	[tilespmem:v27+s18+$0x0] =	vst.idx.msk $0xffff, v9  }
0x12d: {  	v11 =	vadd.s32 $0xE, v3;
	[tilespmem:v28+s18+$0x0] =	vst.idx.msk $0xffff, v22  }
0x12e: {  	v12 =	vadd.s32 $0xC, v3;
	[tilespmem:v29+s18+$0x0] =	vst.idx.msk $0xffff, v15  }
0x12f: {  	v13 =	vadd.s32 $0xF, v0;
	[tilespmem:v32+s18+$0x0] =	vst.idx.msk $0xffff, v23  }
0x130: {  	v14 =	vadd.s32 $0x9, v0;
	v7 =	vld.idx.msk [tilespmem:v7+s15+$0x0], $0xffff  }
0x131: {  	v16 =	vadd.s32 $0xB, v3;
	v10 =	vld.idx.msk [tilespmem:v10+s10+$0x0], $0xffff  }
0x132: {  	v18 =	vadd.s32 $0x8, v0;
	v17 =	vld.idx.msk [tilespmem:v11+s15+$0x0], $0xffff  }
0x133: {  	v21 =	vadd.s32 $0xA, v0;
	v12 =	vld.idx.msk [tilespmem:v12+s15+$0x0], $0xffff  }
0x134: {  	v9 =	vadd.s32 $0xC, v0;
	v20 =	vld.idx.msk [tilespmem:v13+s10+$0x0], $0xffff  }
0x135: {  	v22 =	vadd.s32 $0xE, v0;
	v14 =	vld.idx.msk [tilespmem:v14+s10+$0x0], $0xffff  }
0x136: {  	v13 =	vadd.s32 $0x8, v3;
	v16 =	vld.idx.msk [tilespmem:v16+s15+$0x0], $0xffff  }
0x137: {  	v0 =	vadd.s32 $0xB, v0;
	v18 =	vld.idx.msk [tilespmem:v18+s10+$0x0], $0xffff  }
0x138: {  	v11 =	vadd.s32 $0x9, v3;
	v21 =	vld.idx.msk [tilespmem:v21+s10+$0x0], $0xffff  }
0x139: {  	v15 =	vadd.s32 $0xD, v3;
	v9 =	vld.idx.msk [tilespmem:v9+s10+$0x0], $0xffff  }
0x13a: {  	v3 =	vadd.s32 $0xA, v3;
	v22 =	vld.idx.msk [tilespmem:v22+s10+$0x0], $0xffff  }
0x13b: {  	v44 =	vmov v25;
	v13 =	vld.idx.msk [tilespmem:v13+s15+$0x0], $0xffff  }
0x13c: {  	v0 =	vld.idx.msk [tilespmem:v0+s10+$0x0], $0xffff  }
0x13d: {  	v11 =	vld.idx.msk [tilespmem:v11+s15+$0x0], $0xffff  }
0x13e: {  	v15 =	vld.idx.msk [tilespmem:v15+s15+$0x0], $0xffff  }
0x13f: {  	v3 =	vld.idx.msk [tilespmem:v3+s15+$0x0], $0xffff;
	[tilespmem:v30+s18+$0x0] =	vst.idx.msk $0xffff, v18  }
0x140: {  	[tilespmem:v44+s18+$0x0] =	vst.idx.msk $0xffff, v13  }
0x141: {  	[tilespmem:v45+s18+$0x0] =	vst.idx.msk $0xffff, v14  }
0x142: {  	[tilespmem:v46+s18+$0x0] =	vst.idx.msk $0xffff, v11  }
0x143: {  	[tilespmem:v47+s18+$0x0] =	vst.idx.msk $0xffff, v21  }
0x144: {  	vm1 =	vgt.s32 v8, $0x2;
	vm2 =	vgt.s32 v8, $0x5;
	[tilespmem:v48+s18+$0x0] =	vst.idx.msk $0xffff, v3  }
0x145: {  	v24 =	vsel vm1, $0x1, v19;
	v25 =	vsel vm2, $0x1, v19;
	[tilespmem:v49+s18+$0x0] =	vst.idx.msk $0xffff, v0  }
0x146: {  	v24 =	vadd.s32 v25, v24;
	[tilespmem:v50+s18+$0x0] =	vst.idx.msk $0xffff, v16  }
0x147: {  	v25 =	vmul.u32 $0xFFFFFFD, v24;
	[tilespmem:v51+s18+$0x0] =	vst.idx.msk $0xffff, v9  }
0x148: {  	[tilespmem:v52+s18+$0x0] =	vst.idx.msk $0xffff, v12  }
0x149: {  	v8 =	vadd.s32 v8, v25;
	v11 =	vshll.u32 v24, $0x4;
	[tilespmem:v53+s18+$0x0] =	vst.idx.msk $0xffff, v10  }
0x14a: {  	v13 =	vshll.u32 v8, $0x4;
	v0 =	vor.u32 $0x5, v11;
	[tilespmem:v54+s18+$0x0] =	vst.idx.msk $0xffff, v15  }
0x14b: {  	v3 =	vor.u32 $0x4, v13;
	[tilespmem:v55+s18+$0x0] =	vst.idx.msk $0xffff, v22  }
0x14c: {  	v9 =	vor.u32 $0x7, v13;
	[tilespmem:v56+s18+$0x0] =	vst.idx.msk $0xffff, v17  }
0x14d: {  	v12 =	vor.u32 $0x6, v11;
	[tilespmem:v57+s18+$0x0] =	vst.idx.msk $0xffff, v20  }
0x14e: {  	v15 =	vor.u32 $0x1, v13;
	[tilespmem:v58+s18+$0x0] =	vst.idx.msk $0xffff, v7  }
0x14f: {  	v16 =	vor.u32 $0x1, v11;
	v8 =	vld.idx.msk [tilespmem:v0+s16+$0x0], $0xffff  }
0x150: {  	v10 =	vld.idx.msk [tilespmem:v3+s17+$0x0], $0xffff  }
0x151: {  	v17 =	vor.u32 $0x2, v11;
	v3 =	vld.idx.msk [tilespmem:v9+s17+$0x0], $0xffff  }
0x152: {  	p0 =	sne.s32 s2, $0x300;
	v7 =	vor.u32 $0x6, v13;
	v9 =	vld.idx.msk [tilespmem:v12+s16+$0x0], $0xffff  }
.Ltmp2:
0x153: {  	v0 =	vld.idx.msk [tilespmem:v15+s17+$0x0], $0xffff;
	(pc) =	sbr.rel @p0 .LBB2_2-.Ltmp2, $4  }
0x154: {  	v15 =	vld.idx.msk [tilespmem:v16+s16+$0x0], $0xffff  }
0x155: {  	v16 =	vld.idx.msk [tilespmem:v13+s17+$0x0], $0xffff  }
0x156: {  	s3 =	sadd.s32 $0x4000, s3;
	v24 =	vlaneseq.u32;
	v14 =	vor.u32 $0x7, v11;
	v21 =	vor.u32 $0x2, v13;
	v12 =	vld.idx.msk [tilespmem:v17+s16+$0x0], $0xffff  }
0x157: {  	s2 =	sadd.s32 $0x100, s2;
	s1 =	smov.u32 s3;
	v25 =	vmovc v44;
	v43 =	vmovc v1;
	v18 =	vor.u32 $0x4, v11;
	v20 =	vor.u32 $0x3, v13;
	v17 =	vor.u32 $0x3, v11;
	v7 =	vld.idx.msk [tilespmem:v7+s17+$0x0], $0xffff  }
0x158: {  	_ =	sdelay $0x2  }
0x159: {  	v1 =	vmov v60;
	v60 =	vld [tilespmem:$0x1FFE0]  }
0x15a: {  	v21 =	vld.idx.msk [tilespmem:v21+s17+$0x0], $0xffff  }
0x15b: {  	v11 =	vld.idx.msk [tilespmem:v11+s16+$0x0], $0xffff;
	v13 =	vor.u32 $0x5, v13  }
0x15c: {  	v20 =	vld.idx.msk [tilespmem:v20+s17+$0x0], $0xffff  }
0x15d: {  	v18 =	vld.idx.msk [tilespmem:v18+s16+$0x0], $0xffff  }
0x15e: {  	v17 =	vld.idx.msk [tilespmem:v17+s16+$0x0], $0xffff  }
0x15f: {  	v14 =	vld.idx.msk [tilespmem:v14+s16+$0x0], $0xffff  }
0x160: {  	v13 =	vld.idx.msk [tilespmem:v13+s17+$0x0], $0xffff;
	[tilespmem:v59+s18+$0x0] =	vst.idx.msk $0xffff, v11  }
0x161: {  	[tilespmem:v60+s18+$0x0] =	vst.idx.msk $0xffff, v16  }
0x162: {  	[tilespmem:v61+s18+$0x0] =	vst.idx.msk $0xffff, v15;
	v61 =	vld [tilespmem:$0x1FFF0];
	_ =	sdelay $0x7  }
0x163: {  	[tilespmem:v61+s18+$0x0] =	vst.idx.msk $0xffff, v0;
	v0 =	vld [tilespmem:$0x1FDB0];
	_ =	sdelay $0x2  }
0x164: {  	[tilespmem:v63+s18+$0x0] =	vst.idx.msk $0xffff, v12  }
0x165: {  	[tilespmem:v31+s18+$0x0] =	vst.idx.msk $0xffff, v21  }
0x166: {  	[tilespmem:v62+s18+$0x0] =	vst.idx.msk $0xffff, v17  }
0x167: {  	[tilespmem:v34+s18+$0x0] =	vst.idx.msk $0xffff, v20  }
0x168: {  	[tilespmem:v33+s18+$0x0] =	vst.idx.msk $0xffff, v18  }
0x169: {  	[tilespmem:v0+s18+$0x0] =	vst.idx.msk $0xffff, v10;
	v0 =	vld [tilespmem:$0x1FDC0];
	_ =	sdelay $0x7  }
0x16a: {  	[tilespmem:v0+s18+$0x0] =	vst.idx.msk $0xffff, v8;
	v0 =	vld [tilespmem:$0x1FDD0];
	_ =	sdelay $0x7  }
0x16b: {  	[tilespmem:v0+s18+$0x0] =	vst.idx.msk $0xffff, v13;
	v0 =	vld [tilespmem:$0x1FDE0];
	_ =	sdelay $0x7  }
0x16c: {  	[tilespmem:v0+s18+$0x0] =	vst.idx.msk $0xffff, v9;
	v0 =	vld [tilespmem:$0x1FDF0];
	_ =	sdelay $0x7  }
0x16d: {  	[tilespmem:v0+s18+$0x0] =	vst.idx.msk $0xffff, v7  }
0x16e: {  	[tilespmem:v5+s18+$0x0] =	vst.idx.msk $0xffff, v14  }
0x16f: {  	[tilespmem:v6+s18+$0x0] =	vst.idx.msk $0xffff, v3  }
0x170: {  	[spmem:s1] =	stream.linear.scatter [tilespmem:s18], [sflag:$0xB], $0x400, $0x38;
	[tilespmem:$0x1BB38] =	vst v63  }
0x171: {  	_ =	swait.ge [sflag:s8], $0x400  }
0x172: {  	[sflag:s8] =	ssyncset.done $0x0  }
0x173: {  	[sflag:s8] =	ssyncadd.s32 $0xFFFFFC00  }
0x174: {  	[bflag:$0x0] =	sbarrier.arrive $0xFFFF  }
0x175: {  	s1 =	simm.s32 $0x0;
	s0 =	rddreg [dreg:$0x12]  }
0x176: {  	[tilespmem:s1], [sflag:$0x1] =	stream.linear.gather [hbm4b:s0+s1], $0x190, $0x38;
	[tilespmem:$0x1BB38] =	vst v63  }
0x177: {  	s2 =	simm.s32 $0x320;
	s26 =	rddreg [dreg:$0x13]  }
0x178: {  	[tilespmem:s2], [sflag:$0x1] =	stream.linear.gather [hbm4b:s26+s1], $0x190, $0x38;
	[tilespmem:$0x1BB38] =	vst v63  }
0x179: {  	s3 =	simm.s32 $0x640;
	s2 =	rddreg [dreg:$0x14]  }
0x17a: {  	[tilespmem:s3], [sflag:$0x1] =	stream.linear.gather [hbm4b:s2+s1], $0x190, $0x38;
	[tilespmem:$0x1BB38] =	vst v63  }
0x17b: {  	s5 =	simm.s32 $0x960;
	s4 =	rddreg [dreg:$0x15]  }
0x17c: {  	[tilespmem:s5], [sflag:$0x1] =	stream.linear.gather [hbm4b:s4+s1], $0x190, $0x38;
	[tilespmem:$0x1BB38] =	vst v63  }
0x17d: {  	s9 =	simm.s32 $0xC80;
	s7 =	rddreg [dreg:$0x16]  }
0x17e: {  	[tilespmem:s9], [sflag:$0x1] =	stream.linear.gather [hbm4b:s7+s1], $0x190, $0x38;
	[tilespmem:$0x1BB38] =	vst v63  }
0x17f: {  	s12 =	simm.s32 $0xFA0;
	s11 =	rddreg [dreg:$0x17]  }
0x180: {  	[tilespmem:s12], [sflag:$0x1] =	stream.linear.gather [hbm4b:s11+s1], $0x190, $0x38;
	[tilespmem:$0x1BB38] =	vst v63  }
0x181: {  	s14 =	simm.s32 $0x12C0;
	s19 =	simm.s32 $0x1;
	s13 =	rddreg [dreg:$0x18]  }
0x182: {  	[tilespmem:s14], [sflag:$0x1] =	stream.linear.gather [hbm4b:s13+s1], $0x190, $0x38;
	[tilespmem:$0x1BB38] =	vst v63  }
0x183: {  	_ =	swait.ge [sflag:s19], $0x190  }
0x184: {  	[sflag:s19] =	ssyncset.done $0x0  }
0x185: {  	[sflag:s19] =	ssyncadd.s32 $0xFFFFFE70  }
0x186: {  	_ =	swait.ge [sflag:s19], $0x190  }
0x187: {  	[sflag:s19] =	ssyncset.done $0x0  }
0x188: {  	[sflag:s19] =	ssyncadd.s32 $0xFFFFFE70  }
0x189: {  	_ =	swait.ge [sflag:s19], $0x190  }
0x18a: {  	[sflag:s19] =	ssyncset.done $0x0  }
0x18b: {  	[sflag:s19] =	ssyncadd.s32 $0xFFFFFE70  }
0x18c: {  	_ =	swait.ge [sflag:s19], $0x190  }
0x18d: {  	[sflag:s19] =	ssyncset.done $0x0  }
0x18e: {  	[sflag:s19] =	ssyncadd.s32 $0xFFFFFE70  }
0x18f: {  	_ =	swait.ge [sflag:s19], $0x190  }
0x190: {  	[sflag:s19] =	ssyncset.done $0x0  }
0x191: {  	[sflag:s19] =	ssyncadd.s32 $0xFFFFFE70  }
0x192: {  	_ =	swait.ge [sflag:s19], $0x190  }
0x193: {  	[sflag:s19] =	ssyncset.done $0x0  }
0x194: {  	[sflag:s19] =	ssyncadd.s32 $0xFFFFFE70  }
0x195: {  	_ =	swait.ge [sflag:s19], $0x190  }
0x196: {  	[sflag:s19] =	ssyncset.done $0x0  }
0x197: {  	s26 =	simm.s32 $0x1B38;
	s23 =	rddreg [dreg:$0xc];
	[sflag:s19] =	ssyncadd.s32 $0xFFFFFE70  }
0x198: {  	[tilespmem:s26], [sflag:$0x3] =	stream.indirect.gather [hbm4b:s23+s6], $0x40, s1, s6, $0xb8;
	[tilespmem:$0x1BB38] =	vst v63  }
0x199: {  	s1 =	simm.s32 $0x0  }
0x19a: {  	v0 =	vld [tilespmem:s1+$0x320]  }
0x19b: {  	v3 =	vld [tilespmem:s1+$0x640]  }
0x19c: {  	v5 =	vld [tilespmem:s1+$0x960];
	_ =	sdelay $0x3  }
0x19d: {  	s2 =	simm.s32 $0x10;
	v6 =	vld [tilespmem:s1+$0xC80];
	v7 =	vmul.u32 $0x48, v0;
	v3 =	vmul.u32 $0x9, v3  }
0x19e: {  	v5 =	vmul.u32 $0x3, v5;
	v0 =	vld [tilespmem:s2+$0x320]  }
0x19f: {  	v7 =	vadd.s32 v7, v3;
	v3 =	vld [tilespmem:s2+$0x640]  }
0x1a0: {  	v7 =	vadd.s32 v5, v7;
	v5 =	vld [tilespmem:s2+$0x960];
	_ =	sdelay $0x1  }
0x1a1: {  	v63 =	vmov v31;
	s3 =	simm.s32 $0x80;
	v6 =	vadd.s32 v6, v7  }
.LBB2_4:
0x1a2: {  	v7 =	vld [tilespmem:s2+$0xC80];
	[tilespmem:s1+$0x15E0] =	vst v6;
	s1 =	smov.u32 s2;
	s2 =	sshra.s32 s3, $0x2;
	p0 =	sne.s32 s3, $0x600  }
.Ltmp3:
0x1a3: {  	s3 =	sadd.s32 $0x40, s3;
	v6 =	vmul.u32 $0x48, v0;
	v0 =	vld [tilespmem:s2+$0x320];
	v8 =	vmul.u32 $0x9, v3;
	(pc) =	sbr.rel @p0 .LBB2_4-.Ltmp3, $4  }
0x1a4: {  	v3 =	vld [tilespmem:s2+$0x640];
	v9 =	vmul.u32 $0x3, v5  }
0x1a5: {  	v5 =	vld [tilespmem:s2+$0x960];
	v6 =	vadd.s32 v6, v8  }
0x1a6: {  	v6 =	vadd.s32 v9, v6  }
0x1a7: {  	v6 =	vadd.s32 v7, v6  }
0x1a8: {  	v7 =	vld [tilespmem:s2+$0xC80]  }
0x1a9: {  	v0 =	vmul.u32 $0x48, v0;
	v3 =	vmul.u32 $0x9, v3  }
0x1aa: {  	v5 =	vmul.u32 $0x3, v5  }
.Ltmp4:
0x1ab: {  	v0 =	vadd.s32 v0, v3;
	(pc) =	sbr.rel .LBB2_6-.Ltmp4, $4  }
0x1ac: {  	v0 =	vadd.s32 v5, v0  }
0x1ad: {  	[tilespmem:s1+$0x15E0] =	vst v6;
	v0 =	vadd.s32 v7, v0  }
0x1ae: {  	s0 =	rddreg [dreg:$0xa];
	s26 =	simm.s32 $0x15E0;
	s1 =	simm.s32 $0x0;
	[tilespmem:s2+$0x15E0] =	vst v0  }
0x1af: {  	[tilespmem:s18], [sflag:$0x5] =	stream.indirect.gather [spmem:s0], $0x40, s26, s6, $0xb8;
	[tilespmem:$0x1BB38] =	vst v63  }
.LBB2_16:
0x1b0: {  	s2 =	simm.s32 $0x4;
	s3 =	simm.s32 $0x7F38;
	s4 =	simm.s32 $0x40  }
0x1b1: {  	s5 =	simm.s32 $0x80;
	s1 =	sadd.s32 $0x1, s1;
	_ =	swait.ge [sflag:s2], $0x6400  }
0x1b2: {  	s21 =	smov.u32 s11;
	s22 =	smov.u32 s12;
	[sflag:s2] =	ssyncset.done $0x0  }
0x1b3: {  	p0 =	sne.s32 s1, $0x20;
	s0 =	rddreg [dreg:$0x1f];
	[sflag:s2] =	ssyncadd.s32 $0xFFFF9C00  }
.Ltmp5:
0x1b4: {  	s0 =	sshll.u32 s0, $0x4;
	s2 =	rddreg [dreg:$0x9];
	(pc) =	sbr.rel @!p0 .LBB2_17-.Ltmp5, $4  }
0x1b5: {  	s31 =	smov.u32 s26;
	s25 =	rddreg [dreg:$0x1c];
	s2 =	sadd.s32 s2, s0  }
0x1b6: {  	[hbm4b:s2+s4] =	stream.strided.scatter [tilespmem:s3], [sflag:$0x8], $0x6400, s5, s4, $0x38;
	[tilespmem:$0x1BB38] =	vst v63  }
0x1b7: {  	s20 =	rddreg [dreg:$0x0];
	s0 =	sadd.s32 s0, s25;
	s25 =	smov.u32 s19  }
0x1b8: {  	[hbm4b:s0+s4] =	stream.strided.scatter [tilespmem:s28], [sflag:$0xA], $0x6400, s5, s4, $0x38;
	[tilespmem:$0x1BB38] =	vst v63  }
.LBB2_6:
0x1b9: {  	s3 =	smul.u32 $0x320, s1  }
0x1ba: {  	s0 =	rddreg [dreg:$0x1b]  }
0x1bb: {  	s0 =	sadd.s32 s3, s0  }
0x1bc: {  	s4 =	sshrl.u32 s0, $0x3  }
0x1bd: {  	s2 =	simm.s32 $0x0;
	s5 =	sadd.s32 s20, s4  }
0x1be: {  	[tilespmem:s6], [sflag:$0x2] =	stream.linear.gather [hbm4b:s5+s2], $0x190, $0x38;
	[tilespmem:$0x1BB38] =	vst v63  }
0x1bf: {  	s19 =	simm.s32 $0x4B0;
	s14 =	sadd.s32 s21, s4  }
0x1c0: {  	[tilespmem:s19], [sflag:$0x2] =	stream.linear.gather [hbm4b:s14+s2], $0x190, $0x38;
	[tilespmem:$0x1BB38] =	vst v63  }
0x1c1: {  	s26 =	simm.s32 $0x7D0;
	s23 =	sadd.s32 s22, s4  }
0x1c2: {  	[tilespmem:s26], [sflag:$0x2] =	stream.linear.gather [hbm4b:s23+s2], $0x190, $0x38;
	[tilespmem:$0x1BB38] =	vst v63  }
0x1c3: {  	[dreg:$0x1f] =	wrdreg s0;
	s0 =	sadd.s32 s25, s4;
	s6 =	simm.s32 $0xAF0  }
0x1c4: {  	[tilespmem:s6], [sflag:$0x2] =	stream.linear.gather [hbm4b:s0+s2], $0x190, $0x38;
	[tilespmem:$0x1BB38] =	vst v63  }
0x1c5: {  	s9 =	simm.s32 $0xE10;
	s7 =	sadd.s32 s30, s4  }
0x1c6: {  	[tilespmem:s9], [sflag:$0x2] =	stream.linear.gather [hbm4b:s7+s2], $0x190, $0x38;
	[tilespmem:$0x1BB38] =	vst v63  }
0x1c7: {  	s12 =	simm.s32 $0x1130;
	s13 =	rddreg [dreg:$0x6];
	s11 =	sadd.s32 s31, s4  }
0x1c8: {  	[tilespmem:s12], [sflag:$0x2] =	stream.linear.gather [hbm4b:s11+s2], $0x190, $0x38;
	[tilespmem:$0x1BB38] =	vst v63  }
0x1c9: {  	s4 =	sadd.s32 s13, s4;
	s14 =	simm.s32 $0x1450;
	s19 =	simm.s32 $0x5  }
0x1ca: {  	[tilespmem:s14], [sflag:$0x2] =	stream.linear.gather [hbm4b:s4+s2], $0x190, $0x38;
	[tilespmem:$0x1BB38] =	vst v63  }
0x1cb: {  	_ =	swait.ge [sflag:s19], $0x6400  }
0x1cc: {  	[sflag:s19] =	ssyncset.done $0x0  }
0x1cd: {  	s23 =	simm.s32 $0x12C0;
	[sflag:s19] =	ssyncadd.s32 $0xFFFF9C00  }
0x1ce: {  	v5 =	vor.u32 $0x30, v24;
	s26 =	simm.s32 $0x0;
	v11 =	vld [tilespmem:s23+$0x0]  }
0x1cf: {  	s13 =	simm.s32 $0x1C0;
	v12 =	vor.u32 s26, v5;
	s26 =	simm.s32 $0x2C0;
	s6 =	simm.s32 $0xFA0  }
0x1d0: {  	v17 =	vor.u32 s13, v5;
	s0 =	simm.s32 $0x140;
	v18 =	vor.u32 s26, v5;
	s7 =	simm.s32 $0x300;
	s9 =	simm.s32 $0xC0;
	v9 =	vld [tilespmem:s6+$0x0]  }
0x1d1: {  	v8 =	vor.u32 s0, v5;
	v7 =	vor.u32 s7, v5;
	s7 =	simm.s32 $0x80;
	v16 =	vor.u32 s9, v5;
	s11 =	simm.s32 $0x40;
	s12 =	simm.s32 $0x180  }
0x1d2: {  	v20 =	vor.u32 s7, v5;
	v23 =	vor.u32 s11, v5;
	v3 =	vor.u32 s12, v5;
	s4 =	simm.s32 $0x3C0  }
0x1d3: {  	s2 =	simm.s32 $0x100;
	v6 =	vor.u32 s4, v5;
	v29 =	vbroadcast v11, $0x4;
	v0 =	vbroadcast v11, $0xF  }
0x1d4: {  	s14 =	simm.s32 $0x200;
	v10 =	vor.u32 s2, v5;
	v24 =	vbroadcast v11, $0x6;
	v22 =	vbroadcast v11, $0xE  }
0x1d5: {  	v13 =	vor.u32 s14, v5;
	s19 =	simm.s32 $0x240;
	v30 =	vbroadcast v9, $0x4;
	v26 =	vbroadcast v9, $0x8  }
0x1d6: {  	v14 =	vor.u32 s19, v5;
	s23 =	simm.s32 $0x280;
	v21 =	vbroadcast v11, $0xA;
	v28 =	vbroadcast v9, $0xB  }
0x1d7: {  	s13 =	simm.s32 $0x1F;
	s9 =	simm.s32 $0x12D0;
	s7 =	simm.s32 $0x340;
	v15 =	vor.u32 s23, v5;
	v27 =	vbroadcast v11, $0x3;
	v25 =	vbroadcast v11, $0xD  }
.LBB2_7:
0x1d8: {  	s23 =	sshll.u32 s13, $0x6  }
0x1d9: {  	v31 =	vbroadcast v9, $0x1;
	v32 =	vbroadcast v9, $0x2;
	v29 =	vsel vm0, v30, v29;
	s6 =	sadd.s32 $0x10, s6;
	s5 =	smov.u32 s13;
	s14 =	sadd.s32 $0x10, s13  }
0x1da: {  	p0 =	sne.s32 s13, $0x18F;
	v30 =	vbroadcast v11, $0x1;
	v33 =	vbroadcast v11, $0xB;
	v34 =	vor.u32 s7, v5;
	s5 =	sadd.s32 $0xFFFFFC40, s23;
	s7 =	sadd.s32 $0xFFFFFF80, s23  }
0x1db: {  	v35 =	vbroadcast v9, $0x3;
	v36 =	vbroadcast v9, $0x7  }
0x1dc: {  	v37 =	vbroadcast v9, $0x0;
	v30 =	vsel vm0, v31, v30;
	v31 =	vbroadcast v11, $0x7  }
0x1dd: {  	v38 =	vbroadcast v9, $0x5;
	s13 =	sadd.s32 $0xFFFFFFC0, s4;
	s4 =	smov.u32 s23;
	v28 =	vsel vm0, v28, v33;
	v33 =	vbroadcast v11, $0xC  }
0x1de: {  	v39 =	vbroadcast v11, $0x8;
	v40 =	vbroadcast v9, $0xC;
	v41 =	vor.u32 s13, v5  }
0x1df: {  	v42 =	vbroadcast v11, $0x0;
	v43 =	vbroadcast v11, $0x2;
	v31 =	vsel vm0, v36, v31  }
0x1e0: {  	v26 =	vsel vm0, v26, v39;
	v36 =	vbroadcast v9, $0x6;
	v33 =	vsel vm0, v40, v33  }
0x1e1: {  	v37 =	vsel vm0, v37, v42;
	v32 =	vsel vm0, v32, v43;
	v39 =	vbroadcast v11, $0x5  }
0x1e2: {  	v27 =	vsel vm0, v35, v27;
	v35 =	vbroadcast v9, $0xD;
	v37 =	vmul.f32 v37, v4  }
0x1e3: {  	v30 =	vmul.f32 v30, v4;
	v38 =	vsel vm0, v38, v39;
	v39 =	vbroadcast v9, $0xE  }
0x1e4: {  	v25 =	vsel vm0, v35, v25;
	[tilespmem:v12+s18+$0x0] =	vst.idx.msk $0xffff, v37;
	v12 =	vmul.f32 v32, v4;
	v32 =	vbroadcast v9, $0xF  }
0x1e5: {  	v22 =	vsel vm0, v39, v22;
	[tilespmem:v23+s18+$0x0] =	vst.idx.msk $0xffff, v30;
	v23 =	vmul.f32 v27, v4  }
0x1e6: {  	[tilespmem:v20+s18+$0x0] =	vst.idx.msk $0xffff, v12;
	v12 =	vmul.f32 v29, v4;
	v0 =	vsel vm0, v32, v0  }
0x1e7: {  	v20 =	vsel vm0, v36, v24;
	[tilespmem:v16+s18+$0x0] =	vst.idx.msk $0xffff, v23;
	v16 =	vmul.f32 v38, v4;
	v23 =	vbroadcast v9, $0x9  }
0x1e8: {  	v11 =	vbroadcast v11, $0x9;
	[tilespmem:v10+s18+$0x0] =	vst.idx.msk $0xffff, v12;
	v10 =	vmul.f32 v20, v4  }
0x1e9: {  	v9 =	vbroadcast v9, $0xA;
	[tilespmem:v8+s18+$0x0] =	vst.idx.msk $0xffff, v16;
	v8 =	vmul.f32 v31, v4  }
0x1ea: {  	v12 =	vor.u32 s5, v5;
	s5 =	sadd.s32 $0xFFFFFF40, s4;
	[tilespmem:v3+s18+$0x0] =	vst.idx.msk $0xffff, v10;
	v3 =	vmul.f32 v26, v4;
	v10 =	vsel vm0, v23, v11  }
0x1eb: {  	v11 =	vor.u32 s5, v5;
	[tilespmem:v17+s18+$0x0] =	vst.idx.msk $0xffff, v8;
	v10 =	vmul.f32 v10, v4;
	v8 =	vsel vm0, v9, v21  }
0x1ec: {  	s5 =	sadd.s32 $0xFFFFFD80, s4;
	v9 =	vor.u32 s4, v5;
	[tilespmem:v13+s18+$0x0] =	vst.idx.msk $0xffff, v3;
	v3 =	vmul.f32 v8, v4;
	v13 =	vmul.f32 v28, v4  }
0x1ed: {  	s13 =	sadd.s32 $0xFFFFFD40, s4;
	v8 =	vor.u32 s5, v5;
	[tilespmem:v14+s18+$0x0] =	vst.idx.msk $0xffff, v10  }
0x1ee: {  	s5 =	sadd.s32 $0xFFFFFD00, s4;
	v10 =	vor.u32 s13, v5;
	[tilespmem:v15+s18+$0x0] =	vst.idx.msk $0xffff, v3;
	v3 =	vmul.f32 v33, v4  }
0x1ef: {  	s13 =	sadd.s32 $0xFFFFFCC0, s4;
	v16 =	vor.u32 s5, v5;
	[tilespmem:v18+s18+$0x0] =	vst.idx.msk $0xffff, v13;
	v13 =	vmul.f32 v25, v4  }
0x1f0: {  	s5 =	sadd.s32 $0xFFFFFC80, s4;
	v20 =	vor.u32 s13, v5;
	[tilespmem:v7+s18+$0x0] =	vst.idx.msk $0xffff, v3;
	v3 =	vmul.f32 v22, v4;
	v7 =	vmov v11  }
0x1f1: {  	v0 =	vmul.f32 v0, v4;
	v23 =	vor.u32 s5, v5;
	[tilespmem:v34+s18+$0x0] =	vst.idx.msk $0xffff, v13  }
0x1f2: {  	[tilespmem:v41+s18+$0x0] =	vst.idx.msk $0xffff, v3  }
0x1f3: {  	[tilespmem:v6+s18+$0x0] =	vst.idx.msk $0xffff, v0;
	v6 =	vmov v9  }
0x1f4: {  	v11 =	vld [tilespmem:s9+$0x0]  }
0x1f5: {  	v9 =	vld [tilespmem:s6+$0x0];
	_ =	sdelay $0x1  }
0x1f6: {  	s5 =	sadd.s32 $0xFFFFFDC0, s4  }
0x1f7: {  	v3 =	vor.u32 s5, v5;
	s5 =	sadd.s32 $0xFFFFFE00, s4  }
.Ltmp6:
0x1f8: {  	v17 =	vor.u32 s5, v5;
	s5 =	sadd.s32 $0xFFFFFE40, s4;
	v29 =	vbroadcast v11, $0x4;
	v0 =	vbroadcast v11, $0xF;
	(pc) =	sbr.rel @p0 .LBB2_7-.Ltmp6, $4  }
0x1f9: {  	v13 =	vor.u32 s5, v5;
	s5 =	sadd.s32 $0xFFFFFE80, s4;
	v24 =	vbroadcast v11, $0x6;
	v22 =	vbroadcast v11, $0xE  }
0x1fa: {  	v14 =	vor.u32 s5, v5;
	s5 =	sadd.s32 $0xFFFFFEC0, s4;
	v30 =	vbroadcast v9, $0x4;
	v26 =	vbroadcast v9, $0x8  }
0x1fb: {  	v15 =	vor.u32 s5, v5;
	s5 =	sadd.s32 $0xFFFFFF00, s4;
	v21 =	vbroadcast v11, $0xA;
	v28 =	vbroadcast v9, $0xB  }
0x1fc: {  	s13 =	smov.u32 s14;
	s9 =	sadd.s32 $0x10, s9;
	v18 =	vor.u32 s5, v5;
	v27 =	vbroadcast v11, $0x3;
	v25 =	vbroadcast v11, $0xD  }
0x1fd: {  	v31 =	vbroadcast v9, $0x1;
	v32 =	vbroadcast v9, $0x2  }
0x1fe: {  	v33 =	vbroadcast v11, $0x1;
	v60 =	vbroadcast v9, $0x0  }
0x1ff: {  	v34 =	vbroadcast v11, $0x0;
	v35 =	vbroadcast v11, $0xB  }
0x200: {  	v29 =	vsel vm0, v30, v29;
	v37 =	vbroadcast v9, $0x3;
	v38 =	vbroadcast v9, $0x7  }
0x201: {  	v39 =	vbroadcast v11, $0x2;
	v61 =	vbroadcast v11, $0x7;
	v30 =	vsel vm0, v60, v34  }
0x202: {  	v62 =	vbroadcast v9, $0x5;
	v31 =	vsel vm0, v31, v33;
	v30 =	vmul.f32 v30, v4  }
0x203: {  	v42 =	vbroadcast v11, $0x5;
	v32 =	vsel vm0, v32, v39;
	v31 =	vmul.f32 v31, v4  }
0x204: {  	v45 =	vbroadcast v9, $0x6;
	v27 =	vsel vm0, v37, v27;
	v43 =	vmul.f32 v32, v4;
	[tilespmem:v12+s18+$0x0] =	vst.idx.msk $0xffff, v30  }
0x205: {  	v36 =	vor.u32 s7, v5;
	v47 =	vbroadcast v11, $0x8;
	v46 =	vmul.f32 v27, v4;
	[tilespmem:v23+s18+$0x0] =	vst.idx.msk $0xffff, v31  }
0x206: {  	v50 =	vbroadcast v9, $0x9;
	v49 =	vmul.f32 v29, v4;
	v48 =	vsel vm0, v62, v42;
	[tilespmem:v20+s18+$0x0] =	vst.idx.msk $0xffff, v43  }
0x207: {  	v53 =	vbroadcast v11, $0x9;
	v20 =	vsel vm0, v45, v24;
	[tilespmem:v16+s18+$0x0] =	vst.idx.msk $0xffff, v46;
	v16 =	vmul.f32 v48, v4  }
0x208: {  	v54 =	vbroadcast v11, $0xC;
	v51 =	vsel vm0, v38, v61;
	v52 =	vmul.f32 v20, v4;
	[tilespmem:v10+s18+$0x0] =	vst.idx.msk $0xffff, v49  }
0x209: {  	v20 =	vsel vm0, v26, v47;
	[tilespmem:v8+s18+$0x0] =	vst.idx.msk $0xffff, v16;
	v8 =	vmul.f32 v51, v4;
	v16 =	vbroadcast v9, $0xA  }
0x20a: {  	v56 =	vbroadcast v9, $0xC;
	v55 =	vsel vm0, v50, v53;
	[tilespmem:v3+s18+$0x0] =	vst.idx.msk $0xffff, v52;
	v3 =	vmul.f32 v20, v4  }
0x20b: {  	v59 =	vbroadcast v9, $0xE;
	[tilespmem:v17+s18+$0x0] =	vst.idx.msk $0xffff, v8;
	v8 =	vmul.f32 v55, v4;
	v57 =	vsel vm0, v16, v21  }
0x20c: {  	s4 =	sadd.s32 $0xFFFFFFC0, s4;
	v28 =	vsel vm0, v28, v35;
	v17 =	vbroadcast v9, $0xD;
	[tilespmem:v13+s18+$0x0] =	vst.idx.msk $0xffff, v3;
	v3 =	vmul.f32 v57, v4  }
0x20d: {  	v58 =	vsel vm0, v56, v54;
	v60 =	vmul.f32 v28, v4;
	v16 =	vor.u32 s4, v5;
	[tilespmem:v14+s18+$0x0] =	vst.idx.msk $0xffff, v8  }
0x20e: {  	v61 =	vbroadcast v9, $0xF;
	v8 =	vsel vm0, v17, v25;
	[tilespmem:v15+s18+$0x0] =	vst.idx.msk $0xffff, v3;
	v3 =	vmul.f32 v58, v4  }
0x20f: {  	v62 =	vsel vm0, v59, v22;
	v8 =	vmul.f32 v8, v4;
	[tilespmem:v18+s18+$0x0] =	vst.idx.msk $0xffff, v60  }
0x210: {  	v0 =	vsel vm0, v61, v0;
	[tilespmem:v7+s18+$0x0] =	vst.idx.msk $0xffff, v3;
	v3 =	vmul.f32 v62, v4  }
0x211: {  	v0 =	vmul.f32 v0, v4;
	[tilespmem:v36+s18+$0x0] =	vst.idx.msk $0xffff, v8  }
0x212: {  	[tilespmem:v16+s18+$0x0] =	vst.idx.msk $0xffff, v3  }
0x213: {  	[tilespmem:v6+s18+$0x0] =	vst.idx.msk $0xffff, v0  }
0x214: {  	_ =	swait.ge [sflag:s24], $0x190  }
0x215: {  	[sflag:s24] =	ssyncset.done $0x0  }
0x216: {  	[sflag:s24] =	ssyncadd.s32 $0xFFFFFE70  }
0x217: {  	_ =	swait.ge [sflag:s24], $0x190  }
0x218: {  	[sflag:s24] =	ssyncset.done $0x0  }
0x219: {  	[sflag:s24] =	ssyncadd.s32 $0xFFFFFE70  }
0x21a: {  	_ =	swait.ge [sflag:s24], $0x190  }
0x21b: {  	[sflag:s24] =	ssyncset.done $0x0  }
0x21c: {  	[sflag:s24] =	ssyncadd.s32 $0xFFFFFE70  }
0x21d: {  	_ =	swait.ge [sflag:s24], $0x190  }
0x21e: {  	[sflag:s24] =	ssyncset.done $0x0  }
0x21f: {  	[sflag:s24] =	ssyncadd.s32 $0xFFFFFE70  }
0x220: {  	_ =	swait.ge [sflag:s24], $0x190  }
0x221: {  	[sflag:s24] =	ssyncset.done $0x0  }
0x222: {  	[sflag:s24] =	ssyncadd.s32 $0xFFFFFE70  }
0x223: {  	_ =	swait.ge [sflag:s24], $0x190  }
0x224: {  	[sflag:s24] =	ssyncset.done $0x0  }
0x225: {  	[sflag:s24] =	ssyncadd.s32 $0xFFFFFE70  }
0x226: {  	_ =	swait.ge [sflag:s24], $0x190  }
0x227: {  	p0 =	seq.s32 s1, $0x0;
	[sflag:s24] =	ssyncset.done $0x0  }
0x228: {  	s4 =	simm.s32 @!p0 $0x8;
	[sflag:s24] =	ssyncadd.s32 $0xFFFFFE70  }
0x229: {  	_ =	swait.ge @!p0 [sflag:s4], $0x6400  }
0x22a: {  	s2 =	simm.s32 $0x190;
	s26 =	simm.s32 $0x7F38;
	[sflag:s4] =	ssyncset.done @!p0 $0x0  }
0x22b: {  	s0 =	rddreg [dreg:$0xc];
	[sflag:s4] =	ssyncadd.s32 @!p0 $0xFFFF9C00;
	s4 =	simm.s32 $0x0  }
0x22c: {  	[tilespmem:s26], [sflag:$0x4] =	stream.indirect.gather [hbm4b:s0+s2], $0x40, s2, s2, $0xb8;
	[tilespmem:$0x1BB38] =	vst v63  }
0x22d: {  	v0 =	vld [tilespmem:s4+$0x4B0]  }
0x22e: {  	v3 =	vld [tilespmem:s4+$0x7D0]  }
0x22f: {  	v6 =	vld [tilespmem:s4+$0xAF0];
	_ =	sdelay $0x3  }
0x230: {  	s5 =	simm.s32 $0x10;
	v7 =	vld [tilespmem:s4+$0xE10];
	v8 =	vmul.u32 $0x48, v0;
	v3 =	vmul.u32 $0x9, v3  }
0x231: {  	v6 =	vmul.u32 $0x3, v6;
	v0 =	vld [tilespmem:s5+$0x4B0]  }
0x232: {  	v8 =	vadd.s32 v8, v3;
	v3 =	vld [tilespmem:s5+$0x7D0]  }
0x233: {  	v8 =	vadd.s32 v6, v8;
	v6 =	vld [tilespmem:s5+$0xAF0];
	_ =	sdelay $0x1  }
0x234: {  	s6 =	simm.s32 $0x80;
	v7 =	vadd.s32 v7, v8  }
.LBB2_9:
0x235: {  	v8 =	vld [tilespmem:s5+$0xE10];
	[tilespmem:s4+$0x1770] =	vst v7;
	s4 =	smov.u32 s5;
	s5 =	sshra.s32 s6, $0x2;
	p1 =	sne.s32 s6, $0x600  }
.Ltmp7:
0x236: {  	s6 =	sadd.s32 $0x40, s6;
	v7 =	vmul.u32 $0x48, v0;
	v0 =	vld [tilespmem:s5+$0x4B0];
	v9 =	vmul.u32 $0x9, v3;
	(pc) =	sbr.rel @p1 .LBB2_9-.Ltmp7, $4  }
0x237: {  	v3 =	vld [tilespmem:s5+$0x7D0];
	v10 =	vmul.u32 $0x3, v6  }
0x238: {  	v6 =	vld [tilespmem:s5+$0xAF0];
	v7 =	vadd.s32 v7, v9  }
0x239: {  	v7 =	vadd.s32 v10, v7  }
0x23a: {  	v7 =	vadd.s32 v8, v7  }
0x23b: {  	v8 =	vld [tilespmem:s5+$0xE10]  }
0x23c: {  	v0 =	vmul.u32 $0x48, v0;
	v3 =	vmul.u32 $0x9, v3  }
0x23d: {  	v6 =	vmul.u32 $0x3, v6  }
0x23e: {  	v0 =	vadd.s32 v0, v3  }
0x23f: {  	v0 =	vadd.s32 v6, v0  }
0x240: {  	[tilespmem:s4+$0x1770] =	vst v7;
	v0 =	vadd.s32 v8, v0  }
0x241: {  	s4 =	simm.s32 @!p0 $0xA;
	[tilespmem:s5+$0x1770] =	vst v0  }
0x242: {  	_ =	swait.ge @!p0 [sflag:s4], $0x6400  }
0x243: {  	[sflag:s4] =	ssyncset.done @!p0 $0x0  }
0x244: {  	[sflag:s4] =	ssyncadd.s32 @!p0 $0xFFFF9C00  }
0x245: {  	s9 =	simm.s32 $0x1770;
	s11 =	simm.s32 $0x3;
	s0 =	rddreg [dreg:$0xa]  }
0x246: {  	[tilespmem:s28], [sflag:$0x6] =	stream.indirect.gather [spmem:s0], $0x40, s9, s2, $0xb8;
	[tilespmem:$0x1BB38] =	vst v63  }
0x247: {  	s23 =	simm.s32 $0x1B38;
	s26 =	simm.s32 $0x40;
	_ =	swait.ge [sflag:s11], $0x6400  }
0x248: {  	s6 =	simm.s32 $0x80;
	s12 =	rddreg [dreg:$0xd];
	[sflag:s11] =	ssyncset.done $0x0  }
0x249: {  	s0 =	rddreg [dreg:$0x1d];
	s13 =	sadd.s32 s12, s3;
	[sflag:s11] =	ssyncadd.s32 $0xFFFF9C00  }
0x24a: {  	p0 =	seq.s32 s1, $0x1F;
	s4 =	sshll.u32 s13, $0x4;
	s14 =	rddreg [dreg:$0x9]  }
0x24b: {  	s5 =	rddreg [dreg:$0x1c];
	s3 =	sadd.s32 @!p0 s3, s0;
	s19 =	sadd.s32 s14, s4  }
0x24c: {  	[hbm4b:s19+s26] =	stream.strided.scatter [tilespmem:s23], [sflag:$0x7], $0x6400, s6, s26, $0x38;
	[tilespmem:$0x1BB38] =	vst v63  }
0x24d: {  	s3 =	sshrl.u32 @!p0 s3, $0x3;
	s4 =	sadd.s32 s4, s5  }
0x24e: {  	[hbm4b:s4+s26] =	stream.strided.scatter [tilespmem:s18], [sflag:$0x9], $0x6400, s6, s26, $0x38;
	[tilespmem:$0x1BB38] =	vst v63  }
0x24f: {  	s5 =	simm.s32 @!p0 $0x0;
	s4 =	sadd.s32 @!p0 s20, s3  }
0x250: {  	[tilespmem:s5], [sflag:$0x1] =	stream.linear.gather @!p0 [hbm4b:s4+s5], $0x190, $0x38;
	[tilespmem:$0x1BB38] =	vst v63  }
0x251: {  	s6 =	simm.s32 @!p0 $0x320;
	s4 =	sadd.s32 @!p0 s21, s3  }
0x252: {  	[tilespmem:s6], [sflag:$0x1] =	stream.linear.gather @!p0 [hbm4b:s4+s5], $0x190, $0x38;
	[tilespmem:$0x1BB38] =	vst v63  }
0x253: {  	s4 =	sadd.s32 @!p0 s22, s3;
	s6 =	simm.s32 @!p0 $0x640  }
0x254: {  	[tilespmem:s6], [sflag:$0x1] =	stream.linear.gather @!p0 [hbm4b:s4+s5], $0x190, $0x38;
	[tilespmem:$0x1BB38] =	vst v63  }
0x255: {  	s4 =	sadd.s32 @!p0 s25, s3;
	s6 =	simm.s32 @!p0 $0x960  }
0x256: {  	[tilespmem:s6], [sflag:$0x1] =	stream.linear.gather @!p0 [hbm4b:s4+s5], $0x190, $0x38;
	[tilespmem:$0x1BB38] =	vst v63  }
0x257: {  	s4 =	sadd.s32 @!p0 s30, s3;
	s6 =	simm.s32 @!p0 $0xC80  }
0x258: {  	[tilespmem:s6], [sflag:$0x1] =	stream.linear.gather @!p0 [hbm4b:s4+s5], $0x190, $0x38;
	[tilespmem:$0x1BB38] =	vst v63  }
0x259: {  	s0 =	rddreg [dreg:$0x6];
	s4 =	sadd.s32 @!p0 s31, s3;
	s6 =	simm.s32 @!p0 $0xFA0  }
0x25a: {  	[tilespmem:s6], [sflag:$0x1] =	stream.linear.gather @!p0 [hbm4b:s4+s5], $0x190, $0x38;
	[tilespmem:$0x1BB38] =	vst v63  }
0x25b: {  	s7 =	simm.s32 $0x6;
	s3 =	sadd.s32 @!p0 s0, s3;
	s4 =	simm.s32 @!p0 $0x12C0  }
0x25c: {  	[tilespmem:s4], [sflag:$0x1] =	stream.linear.gather @!p0 [hbm4b:s3+s5], $0x190, $0x38;
	[tilespmem:$0x1BB38] =	vst v63  }
0x25d: {  	_ =	swait.ge [sflag:s7], $0x6400  }
0x25e: {  	[sflag:s7] =	ssyncset.done $0x0  }
0x25f: {  	s3 =	simm.s32 $0x1130;
	[sflag:s7] =	ssyncadd.s32 $0xFFFF9C00  }
0x260: {  	v7 =	vld [tilespmem:s3+$0x0]  }
0x261: {  	s4 =	simm.s32 $0x1450  }
0x262: {  	v6 =	vld [tilespmem:s4+$0x0];
	_ =	sdelay $0x2  }
0x263: {  	v13 =	vbroadcast v7, $0x5  }
0x264: {  	v8 =	vbroadcast v7, $0xC;
	v10 =	vbroadcast v7, $0x0  }
0x265: {  	s9 =	simm.s32 $0x80;
	v11 =	vbroadcast v7, $0x2;
	v12 =	vbroadcast v6, $0x0  }
0x266: {  	v14 =	vor.u32 s9, v5;
	s13 =	simm.s32 $0x40;
	v0 =	vbroadcast v7, $0x8;
	v16 =	vbroadcast v7, $0x3  }
0x267: {  	s14 =	simm.s32 $0xC0;
	v15 =	vor.u32 s13, v5;
	v3 =	vbroadcast v6, $0x8;
	v17 =	vbroadcast v6, $0x2  }
0x268: {  	v18 =	vor.u32 s14, v5;
	s20 =	simm.s32 $0x280;
	v20 =	vbroadcast v6, $0x3;
	v21 =	vbroadcast v7, $0x4  }
0x269: {  	s11 =	smov.u32 s21;
	v9 =	vor.u32 s20, v5;
	s21 =	simm.s32 $0x0;
	v22 =	vbroadcast v6, $0xA;
	v24 =	vbroadcast v7, $0x6  }
0x26a: {  	v23 =	vor.u32 s21, v5;
	v25 =	vbroadcast v6, $0x6;
	v26 =	vbroadcast v6, $0x5  }
0x26b: {  	v27 =	vbroadcast v6, $0x9;
	v30 =	vbroadcast v6, $0x4;
	v10 =	vsel vm0, v10, v12  }
0x26c: {  	v12 =	vbroadcast v6, $0x1;
	v20 =	vsel vm0, v16, v20;
	v16 =	vbroadcast v7, $0x1  }
0x26d: {  	s23 =	simm.s32 $0x140;
	v31 =	vbroadcast v7, $0xA;
	v62 =	vbroadcast v6, $0x7;
	v17 =	vsel vm0, v11, v17  }
0x26e: {  	s12 =	smov.u32 s22;
	s22 =	simm.s32 $0x100;
	v11 =	vor.u32 s23, v5;
	v28 =	vmul.f32 v10, v4;
	v10 =	vsel vm0, v16, v12  }
0x26f: {  	s19 =	smov.u32 s25;
	s25 =	simm.s32 $0x180;
	v21 =	vsel vm0, v21, v30;
	v12 =	vor.u32 s22, v5;
	v29 =	vmul.f32 v10, v4  }
0x270: {  	v16 =	vbroadcast v7, $0x9;
	v10 =	vor.u32 s25, v5;
	[tilespmem:v23+s28+$0x0] =	vst.idx.msk $0xffff, v28;
	v23 =	vmul.f32 v17, v4  }
0x271: {  	s2 =	smov.u32 s30;
	s13 =	simm.s32 $0x240;
	v17 =	vsel vm0, v31, v22;
	[tilespmem:v15+s28+$0x0] =	vst.idx.msk $0xffff, v29;
	v15 =	vmul.f32 v20, v4;
	v20 =	vbroadcast v7, $0x7  }
0x272: {  	s9 =	simm.s32 $0x200;
	s26 =	smov.u32 s31;
	s31 =	simm.s32 $0x1C0;
	v22 =	vsel vm0, v13, v26;
	v13 =	vor.u32 s13, v5;
	v16 =	vsel vm0, v16, v27;
	[tilespmem:v14+s28+$0x0] =	vst.idx.msk $0xffff, v23  }
0x273: {  	s14 =	simm.s32 $0x300;
	s30 =	simm.s32 $0x2C0;
	s6 =	simm.s32 $0x3C0;
	v14 =	vor.u32 s31, v5;
	[tilespmem:v18+s28+$0x0] =	vst.idx.msk $0xffff, v15;
	v18 =	vsel vm0, v20, v62;
	v15 =	vor.u32 s9, v5  }
0x274: {  	s5 =	simm.s32 $0x340;
	s7 =	simm.s32 $0x1F;
	s9 =	simm.s32 $0x380;
	v20 =	vmul.f32 v22, v4;
	v22 =	vsel vm0, v24, v25;
	v18 =	vmul.f32 v18, v4  }
.LBB2_11:
0x275: {  	p1 =	sne.s32 s7, $0x18F;
	v21 =	vmul.f32 v21, v4;
	v0 =	vsel vm0, v0, v3;
	v3 =	vbroadcast v6, $0xB;
	s3 =	sadd.s32 $0x10, s3;
	s4 =	sadd.s32 $0x10, s4  }
0x276: {  	v23 =	vbroadcast v7, $0xB;
	v24 =	vor.u32 s30, v5;
	s13 =	smov.u32 s7;
	s7 =	sadd.s32 $0x10, s7;
	v0 =	vmul.f32 v0, v4  }
0x277: {  	v16 =	vmul.f32 v16, v4;
	[tilespmem:v12+s28+$0x0] =	vst.idx.msk $0xffff, v21;
	v12 =	vmul.f32 v22, v4;
	v21 =	vor.u32 s5, v5  }
0x278: {  	v3 =	vsel vm0, v23, v3;
	[tilespmem:v11+s28+$0x0] =	vst.idx.msk $0xffff, v20;
	v11 =	vmul.f32 v17, v4;
	v17 =	vbroadcast v6, $0xC  }
0x279: {  	v20 =	vbroadcast v6, $0xD;
	[tilespmem:v10+s28+$0x0] =	vst.idx.msk $0xffff, v12;
	v10 =	vor.u32 s14, v5;
	v12 =	vbroadcast v7, $0xD  }
0x27a: {  	[tilespmem:v14+s28+$0x0] =	vst.idx.msk $0xffff, v18;
	v8 =	vsel vm0, v8, v17;
	v14 =	vbroadcast v7, $0xE;
	v17 =	vbroadcast v6, $0xE  }
0x27b: {  	v7 =	vbroadcast v7, $0xF;
	v6 =	vbroadcast v6, $0xF;
	[tilespmem:v15+s28+$0x0] =	vst.idx.msk $0xffff, v0;
	v0 =	vsel vm0, v12, v20  }
0x27c: {  	v3 =	vmul.f32 v3, v4;
	[tilespmem:v13+s28+$0x0] =	vst.idx.msk $0xffff, v16;
	v12 =	vsel vm0, v14, v17;
	v13 =	vor.u32 s9, v5  }
0x27d: {  	v8 =	vmul.f32 v8, v4;
	v6 =	vsel vm0, v7, v6;
	v7 =	vor.u32 s6, v5;
	[tilespmem:v9+s28+$0x0] =	vst.idx.msk $0xffff, v11  }
0x27e: {  	v0 =	vmul.f32 v0, v4;
	[tilespmem:v24+s28+$0x0] =	vst.idx.msk $0xffff, v3  }
0x27f: {  	v3 =	vmul.f32 v12, v4;
	[tilespmem:v10+s28+$0x0] =	vst.idx.msk $0xffff, v8  }
0x280: {  	[tilespmem:v21+s28+$0x0] =	vst.idx.msk $0xffff, v0;
	v0 =	vmul.f32 v6, v4  }
0x281: {  	[tilespmem:v13+s28+$0x0] =	vst.idx.msk $0xffff, v3  }
0x282: {  	[tilespmem:v7+s28+$0x0] =	vst.idx.msk $0xffff, v0  }
0x283: {  	s6 =	sshll.u32 s13, $0x6;
	v7 =	vld [tilespmem:s3+$0x0]  }
0x284: {  	s22 =	sadd.s32 $0xFFFFFC40, s6;
	s5 =	sadd.s32 $0xFFFFFCC0, s6;
	s21 =	sadd.s32 $0xFFFFFDC0, s6;
	v6 =	vld [tilespmem:s4+$0x0]  }
0x285: {  	s9 =	sadd.s32 $0xFFFFFC80, s6;
	s0 =	sadd.s32 $0xFFFFFD40, s6;
	v13 =	vor.u32 s5, v5;
	s5 =	sadd.s32 $0xFFFFFD00, s6  }
0x286: {  	s31 =	sadd.s32 $0xFFFFFD80, s6;
	s23 =	sadd.s32 $0xFFFFFE00, s6;
	s13 =	sadd.s32 $0xFFFFFE40, s6;
	v14 =	vor.u32 s9, v5  }
0x287: {  	s25 =	sadd.s32 $0xFFFFFE80, s6;
	s20 =	sadd.s32 $0xFFFFFEC0, s6;
	s30 =	sadd.s32 $0xFFFFFF00, s6  }
0x288: {  	s14 =	sadd.s32 $0xFFFFFF40, s6;
	s9 =	sadd.s32 $0xFFFFFFC0, s6;
	v15 =	vor.u32 s5, v5;
	s5 =	sadd.s32 $0xFFFFFF80, s6;
	v18 =	vbroadcast v7, $0x5;
	v8 =	vbroadcast v7, $0xC  }
0x289: {  	v10 =	vbroadcast v7, $0x0;
	v11 =	vbroadcast v7, $0x2  }
0x28a: {  	v0 =	vbroadcast v7, $0x8;
	v12 =	vbroadcast v6, $0x0  }
0x28b: {  	v9 =	vor.u32 s20, v5;
	v16 =	vbroadcast v7, $0x3;
	v3 =	vbroadcast v6, $0x8  }
0x28c: {  	v17 =	vbroadcast v6, $0x3;
	v10 =	vsel vm0, v10, v12;
	v12 =	vbroadcast v6, $0x2  }
0x28d: {  	v20 =	vor.u32 s22, v5;
	v21 =	vbroadcast v7, $0x4;
	v22 =	vbroadcast v6, $0xA  }
0x28e: {  	v24 =	vbroadcast v7, $0x6;
	v23 =	vbroadcast v6, $0x1;
	v17 =	vsel vm0, v16, v17  }
0x28f: {  	v25 =	vbroadcast v6, $0x6;
	v16 =	vbroadcast v7, $0x1  }
0x290: {  	v27 =	vbroadcast v6, $0x5;
	v28 =	vbroadcast v6, $0x9;
	v26 =	vsel vm0, v11, v12  }
0x291: {  	v29 =	vmul.f32 v10, v4;
	v10 =	vsel vm0, v16, v23;
	v12 =	vor.u32 s0, v5  }
0x292: {  	v11 =	vor.u32 s31, v5;
	v16 =	vbroadcast v7, $0x9;
	v23 =	vmul.f32 v10, v4  }
0x293: {  	v31 =	vbroadcast v7, $0xA;
	v30 =	vbroadcast v6, $0x4;
	v10 =	vor.u32 s21, v5  }
.Ltmp8:
0x294: {  	v16 =	vsel vm0, v16, v28;
	[tilespmem:v20+s28+$0x0] =	vst.idx.msk $0xffff, v29;
	v20 =	vmul.f32 v26, v4;
	v26 =	vbroadcast v6, $0x7;
	(pc) =	sbr.rel @p1 .LBB2_11-.Ltmp8, $4  }
0x295: {  	v28 =	vbroadcast v7, $0x7;
	[tilespmem:v14+s28+$0x0] =	vst.idx.msk $0xffff, v23;
	v23 =	vmul.f32 v17, v4;
	v17 =	vsel vm0, v31, v22  }
0x296: {  	v21 =	vsel vm0, v21, v30;
	v14 =	vor.u32 s23, v5;
	[tilespmem:v13+s28+$0x0] =	vst.idx.msk $0xffff, v20;
	v13 =	vsel vm0, v18, v27  }
0x297: {  	[tilespmem:v15+s28+$0x0] =	vst.idx.msk $0xffff, v23;
	v20 =	vmul.f32 v13, v4;
	v13 =	vsel vm0, v28, v26;
	v15 =	vor.u32 s13, v5  }
0x298: {  	v22 =	vsel vm0, v24, v25;
	v18 =	vmul.f32 v13, v4;
	v13 =	vor.u32 s25, v5  }
0x299: {  	v26 =	vld [tilespmem:$0x1FE00]  }
0x29a: {  	v21 =	vmul.f32 v21, v4;
	v35 =	vld [tilespmem:$0x1FE10]  }
0x29b: {  	v0 =	vsel vm0, v0, v3;
	v3 =	vbroadcast v6, $0xB;
	v23 =	vbroadcast v7, $0xB;
	v36 =	vld [tilespmem:$0x1FE20]  }
0x29c: {  	v56 =	vmul.f32 v22, v4;
	v16 =	vmul.f32 v16, v4;
	v37 =	vld [tilespmem:$0x1FE30]  }
0x29d: {  	v57 =	vmul.f32 v17, v4;
	v17 =	vbroadcast v6, $0xC;
	v38 =	vld [tilespmem:$0x1FE40];
	[tilespmem:v12+s28+$0x0] =	vst.idx.msk $0xffff, v21  }
0x29e: {  	v58 =	vbroadcast v7, $0xD;
	v59 =	vbroadcast v6, $0xD;
	v39 =	vld [tilespmem:$0x1FE50];
	[tilespmem:v11+s28+$0x0] =	vst.idx.msk $0xffff, v20  }
0x29f: {  	v22 =	vor.u32 s14, v5;
	v40 =	vld [tilespmem:$0x1FE60];
	v0 =	vmul.f32 v0, v4;
	v21 =	vor.u32 s30, v5;
	[tilespmem:v10+s28+$0x0] =	vst.idx.msk $0xffff, v56  }
0x2a0: {  	v60 =	vbroadcast v7, $0xE;
	v7 =	vbroadcast v7, $0xF;
	v41 =	vld [tilespmem:$0x1FE70];
	v3 =	vsel vm0, v23, v3;
	[tilespmem:v14+s28+$0x0] =	vst.idx.msk $0xffff, v18  }
0x2a1: {  	v42 =	vld [tilespmem:$0x1FE80];
	v8 =	vsel vm0, v8, v17;
	v17 =	vbroadcast v6, $0xE;
	v20 =	vor.u32 s5, v5;
	[tilespmem:v15+s28+$0x0] =	vst.idx.msk $0xffff, v0  }
0x2a2: {  	v61 =	vor.u32 s9, v5;
	v43 =	vld [tilespmem:$0x1FE90];
	v6 =	vbroadcast v6, $0xF;
	v3 =	vmul.f32 v3, v4;
	[tilespmem:v13+s28+$0x0] =	vst.idx.msk $0xffff, v16  }
0x2a3: {  	v2 =	vld [tilespmem:$0x1FEA0];
	v8 =	vmul.f32 v8, v4;
	v5 =	vor.u32 s6, v5;
	v0 =	vsel vm0, v58, v59;
	[tilespmem:v9+s28+$0x0] =	vst.idx.msk $0xffff, v57  }
.Ltmp9:
0x2a4: {  	v27 =	vld [tilespmem:$0x1FEB0];
	v62 =	vsel vm0, v60, v17;
	v0 =	vmul.f32 v0, v4;
	[tilespmem:v21+s28+$0x0] =	vst.idx.msk $0xffff, v3;
	(pc) =	sbr.rel @p0 .LBB2_16-.Ltmp9, $4  }
0x2a5: {  	v28 =	vld [tilespmem:$0x1FEC0];
	v3 =	vsel vm0, v7, v6;
	v6 =	vmul.f32 v62, v4;
	[tilespmem:v22+s28+$0x0] =	vst.idx.msk $0xffff, v8  }
0x2a6: {  	v29 =	vld [tilespmem:$0x1FED0];
	[tilespmem:v20+s28+$0x0] =	vst.idx.msk $0xffff, v0;
	v0 =	vmul.f32 v3, v4  }
0x2a7: {  	v30 =	vld [tilespmem:$0x1FEF0];
	[tilespmem:v61+s28+$0x0] =	vst.idx.msk $0xffff, v6  }
0x2a8: {  	v24 =	vlaneseq.u32;
	v25 =	vmov v44;
	s30 =	smov.u32 s2;
	v23 =	vld [tilespmem:$0x1FEE0];
	s6 =	simm.s32 $0x190;
	[tilespmem:v5+s28+$0x0] =	vst.idx.msk $0xffff, v0  }
0x2a9: {  	s0 =	simm.s32 $0x1  }
0x2aa: {  	_ =	swait.ge [sflag:s0], $0x190  }
0x2ab: {  	[sflag:s0] =	ssyncset.done $0x0  }
0x2ac: {  	[sflag:s0] =	ssyncadd.s32 $0xFFFFFE70  }
0x2ad: {  	_ =	swait.ge [sflag:s0], $0x190  }
0x2ae: {  	[sflag:s0] =	ssyncset.done $0x0  }
0x2af: {  	[sflag:s0] =	ssyncadd.s32 $0xFFFFFE70  }
0x2b0: {  	_ =	swait.ge [sflag:s0], $0x190  }
0x2b1: {  	[sflag:s0] =	ssyncset.done $0x0  }
0x2b2: {  	[sflag:s0] =	ssyncadd.s32 $0xFFFFFE70  }
0x2b3: {  	_ =	swait.ge [sflag:s0], $0x190  }
0x2b4: {  	[sflag:s0] =	ssyncset.done $0x0  }
0x2b5: {  	[sflag:s0] =	ssyncadd.s32 $0xFFFFFE70  }
0x2b6: {  	_ =	swait.ge [sflag:s0], $0x190  }
0x2b7: {  	[sflag:s0] =	ssyncset.done $0x0  }
0x2b8: {  	[sflag:s0] =	ssyncadd.s32 $0xFFFFFE70  }
0x2b9: {  	_ =	swait.ge [sflag:s0], $0x190  }
0x2ba: {  	[sflag:s0] =	ssyncset.done $0x0  }
0x2bb: {  	[sflag:s0] =	ssyncadd.s32 $0xFFFFFE70  }
0x2bc: {  	_ =	swait.ge [sflag:s0], $0x190  }
0x2bd: {  	[sflag:s0] =	ssyncset.done $0x0  }
0x2be: {  	s25 =	simm.s32 $0x7;
	[sflag:s0] =	ssyncadd.s32 $0xFFFFFE70  }
0x2bf: {  	_ =	swait.ge [sflag:s25], $0x6400  }
0x2c0: {  	s31 =	simm.s32 $0x0;
	[sflag:s25] =	ssyncset.done $0x0  }
0x2c1: {  	s3 =	simm.s32 $0x1B38;
	s2 =	rddreg [dreg:$0xc];
	[sflag:s25] =	ssyncadd.s32 $0xFFFF9C00  }
0x2c2: {  	[tilespmem:s3], [sflag:$0x3] =	stream.indirect.gather [hbm4b:s2+s6], $0x40, s31, s6, $0xb8;
	[tilespmem:$0x1BB38] =	vst v63  }
0x2c3: {  	s3 =	simm.s32 $0x0  }
0x2c4: {  	v0 =	vld [tilespmem:s3+$0x320]  }
0x2c5: {  	v3 =	vld [tilespmem:s3+$0x640]  }
0x2c6: {  	v5 =	vld [tilespmem:s3+$0x960];
	_ =	sdelay $0x3  }
0x2c7: {  	s4 =	simm.s32 $0x10;
	v6 =	vld [tilespmem:s3+$0xC80];
	v7 =	vmul.u32 $0x48, v0;
	v3 =	vmul.u32 $0x9, v3  }
0x2c8: {  	v5 =	vmul.u32 $0x3, v5;
	v0 =	vld [tilespmem:s4+$0x320]  }
0x2c9: {  	v7 =	vadd.s32 v7, v3;
	v3 =	vld [tilespmem:s4+$0x640]  }
0x2ca: {  	v7 =	vadd.s32 v5, v7;
	v5 =	vld [tilespmem:s4+$0x960];
	_ =	sdelay $0x1  }
0x2cb: {  	s5 =	simm.s32 $0x80;
	v6 =	vadd.s32 v6, v7  }
.LBB2_14:
0x2cc: {  	v7 =	vld [tilespmem:s4+$0xC80];
	[tilespmem:s3+$0x15E0] =	vst v6;
	s3 =	smov.u32 s4;
	s4 =	sshra.s32 s5, $0x2;
	p0 =	sne.s32 s5, $0x600  }
.Ltmp10:
0x2cd: {  	s5 =	sadd.s32 $0x40, s5;
	v6 =	vmul.u32 $0x48, v0;
	v0 =	vld [tilespmem:s4+$0x320];
	v8 =	vmul.u32 $0x9, v3;
	(pc) =	sbr.rel @p0 .LBB2_14-.Ltmp10, $4  }
0x2ce: {  	v3 =	vld [tilespmem:s4+$0x640];
	v9 =	vmul.u32 $0x3, v5  }
0x2cf: {  	v5 =	vld [tilespmem:s4+$0x960];
	v6 =	vadd.s32 v6, v8  }
0x2d0: {  	v6 =	vadd.s32 v9, v6  }
0x2d1: {  	v6 =	vadd.s32 v7, v6  }
0x2d2: {  	v7 =	vld [tilespmem:s4+$0xC80]  }
0x2d3: {  	v0 =	vmul.u32 $0x48, v0;
	v3 =	vmul.u32 $0x9, v3  }
0x2d4: {  	v5 =	vmul.u32 $0x3, v5  }
0x2d5: {  	v0 =	vadd.s32 v0, v3  }
0x2d6: {  	v0 =	vadd.s32 v5, v0  }
0x2d7: {  	[tilespmem:s3+$0x15E0] =	vst v6;
	v0 =	vadd.s32 v7, v0  }
0x2d8: {  	s0 =	simm.s32 $0x9;
	[tilespmem:s4+$0x15E0] =	vst v0  }
.Ltmp11:
0x2d9: {  	_ =	swait.ge [sflag:s0], $0x6400;
	(pc) =	sbr.rel .LBB2_16-.Ltmp11, $4  }
0x2da: {  	[sflag:s0] =	ssyncset.done $0x0  }
0x2db: {  	[sflag:s0] =	ssyncadd.s32 $0xFFFF9C00  }
0x2dc: {  	s2 =	simm.s32 $0x15E0;
	s0 =	rddreg [dreg:$0xa]  }
0x2dd: {  	[tilespmem:s18], [sflag:$0x5] =	stream.indirect.gather [spmem:s0], $0x40, s2, s6, $0xb8;
	[tilespmem:$0x1BB38] =	vst v63  }
.LBB2_18:
0x2de: {  	_ =	sfence.sel $0x180000  }
0x2df: {  	[bflag:$0x0] =	sbarrier.arrive $0xFFFF  }
0x2e0: {  	_ =	strace $0x90000047  }
0x2e1: {  	s0 =	stileid.u32;
	[bflag:$0x2] =	sbarrier.arrive $0xFFFF  }
0x2e2: {  	p0 =	sne.s32 s0, $0x0;
	s0 =	rddreg [dreg:$0xb]  }
0x2e3: {  	s0 =	sadd.s32 @!p0 $0x100000, s0  }
0x2e4: {  	[sflag:s0] =	ssyncadd.tile.s32 @!p0 $0x1;
	_ =	shalt  }
.Lfunc_end2:
_tile_overlayer_lowered:
.L_overlay_start_2:
0x2e5: {  	(tag) =	ssettag $0x2  }
0x2e6: {  	s0 =	rddreg [dreg:$0x0];
	s2 =	stileid.u32  }
0x2e7: {  	s1 =	rddreg [dreg:$0x1];
	p0 =	sne.s32 s2, $0x0  }
0x2e8: {  	s3 =	rddreg [dreg:$0x2];
	[bflag:$0x3] =	sbarrier.arrive $0xFFFF;
	s2 =	simm.s32 @!p0 $0x1C0B  }
0x2e9: {  	[timem:s3], [sflag:s2] =	dma.local @!p0 [hbm:s0], s1  }
0x2ea: {  	s0 =	simm.s32 @!p0 $0xB  }
0x2eb: {  	_ =	swait.ge @!p0 [sflag:s0], s1  }
0x2ec: {  	s1 =	ssub.s32 @!p0 $0x0, s1;
	[sflag:s0] =	ssyncset.done @!p0 $0x0  }
0x2ed: {  	[sflag:s0] =	ssyncadd.s32 @!p0 s1  }
0x2ee: {  	[bflag:$0x3] =	sbarrier.arrive $0xFFFF  }
0x2ef: {  	_ =	shalt  }

</sc_bundles>
